<compile_context>
chip_gen: v7x
topology: tpu7x:2x2x1
jax: 0.10.2.dev20260603
libtpu: 0.0.44.dev20260713+nightly
codegen_flags: <defaults>
</compile_context>

<pallas_src>
import functools

import jax
import jax.numpy as jnp
from jax import lax
from jax.experimental import pallas as pl
from jax.experimental.pallas import tpu as pltpu
from jax.experimental.pallas import tpu_sc as plsc

N = 10000
E = 320000
NC, NS = 2, 16
NW = NC * NS
K = 128
EPAD = 327680
NJUNK = 8
NBD = EPAD // NW // K
NBS = EPAD // NS // K
NBUF = {(64, 1): 5, (32, 1): 10,
        (64, 2): 2, (32, 2): 4}
TPB = N // NS

_SC_PARAMS = dict(compiler_params=pltpu.CompilerParams(use_tc_tiling_on_sc=False))


def _mesh():
    return plsc.VectorSubcoreMesh(core_axis_name="c", subcore_axis_name="s")



@functools.cache
def _get_sc_degree():
    @functools.partial(
        pl.kernel,
        mesh=_mesh(),
        out_type=jax.ShapeDtypeStruct((NC, N, 16), jnp.float32),
        scratch_types=[
            pltpu.VMEM((NBD, K), jnp.int32),
            pltpu.VMEM((K, 16), jnp.float32),
            pltpu.VMEM_SHARED((N + NJUNK, 16), jnp.float32),
        ],
        **_SC_PARAMS,
    )
    def _sc_degree(dst_hbm, ones_hbm, zeros_hbm, out_hbm, dstv, onesv, acc):
        c = lax.axis_index("c")
        s = lax.axis_index("s")
        wid = s * NC + c
        pltpu.sync_copy(zeros_hbm.at[pl.ds(s * TPB, TPB)], acc.at[pl.ds(s * TPB, TPB)])
        pltpu.sync_copy(dst_hbm.at[wid], dstv)
        pltpu.sync_copy(ones_hbm, onesv)
        plsc.subcore_barrier()

        def body(i, carry):
            pltpu.sync_copy(onesv, acc.at[dstv.at[i]], add=True)
            return carry

        lax.fori_loop(0, NBD, body, 0)
        plsc.subcore_barrier()
        pltpu.sync_copy(acc.at[pl.ds(s * TPB, TPB)], out_hbm.at[c, pl.ds(s * TPB, TPB)])

    return _sc_degree


@functools.cache
def _make_sc_segsum(Dh, G=1, spmem_table=False):

    nbuf = NBUF[(Dh, G)]
    nb = NBS // G

    @functools.partial(
        pl.kernel,
        mesh=_mesh(),
        out_type=jax.ShapeDtypeStruct((NC, N, Dh), jnp.float32),
        scratch_types=[
            pltpu.VMEM((nb, G * K), jnp.int32),
            pltpu.VMEM((nb, G * K), jnp.int32),
            [pltpu.VMEM((G * K, Dh), jnp.float32) for _ in range(nbuf)],
            pltpu.VMEM_SHARED((N + NJUNK, Dh), jnp.float32),
            pltpu.SemaphoreType.DMA,
        ] + ([pltpu.VMEM_SHARED((N, Dh), jnp.float32)] if spmem_table else []),
        **_SC_PARAMS,
    )
    def _sc_segsum(y_hbm, src_hbm, dst_hbm, out_hbm,
                   srcv, dstv, bufs, acc, sem, *opt_ytab):
        c = lax.axis_index("c")
        s = lax.axis_index("s")
        pltpu.sync_copy(src_hbm.at[s], srcv)
        pltpu.sync_copy(dst_hbm.at[s], dstv)

        def run(cc):
            hb = y_hbm.at[cc]
            pltpu.sync_copy(hb.at[pl.ds(s * TPB, TPB)], acc.at[pl.ds(s * TPB, TPB)])
            if spmem_table:
                tbl = opt_ytab[0]
                pltpu.sync_copy(hb.at[pl.ds(s * TPB, TPB)], tbl.at[pl.ds(s * TPB, TPB)])
            else:
                tbl = hb
            plsc.subcore_barrier()
            for b in range(nbuf):
                pltpu.async_copy(tbl.at[srcv.at[b]], bufs[b], sem)

            def body(j, carry):
                for b in range(nbuf):
                    i = j * nbuf + b
                    pltpu.make_async_copy(tbl.at[srcv.at[i]], bufs[b], sem).wait()
                    pltpu.sync_copy(bufs[b], acc.at[dstv.at[i]], add=True)

                    @pl.when(i + nbuf < nb)
                    def _():
                        pltpu.async_copy(tbl.at[srcv.at[i + nbuf]], bufs[b], sem)

                return carry

            lax.fori_loop(0, nb // nbuf, body, 0)

        @pl.when(c == 0)
        def _():
            run(0)

        @pl.when(c == 1)
        def _():
            run(1)

        plsc.subcore_barrier()
        pltpu.sync_copy(acc.at[pl.ds(s * TPB, TPB)],
                        out_hbm.at[c, pl.ds(s * TPB, TPB)])

    return _sc_segsum



_BR = 1000


def _dinv_block(d0_ref, d1_ref):
    deg = 1.0 + d0_ref[:, 0:1] + d1_ref[:, 0:1]
    return lax.rsqrt(deg)


def _tc_matmul(x, W):
    F, H = W.shape

    def body(x_ref, w_ref, o_ref):
        o_ref[...] = jnp.dot(x_ref[...], w_ref[...],
                             preferred_element_type=jnp.float32)

    return pl.pallas_call(
        body,
        grid=(N // _BR,),
        in_specs=[
            pl.BlockSpec((_BR, F), lambda i: (i, 0)),
            pl.BlockSpec((F, H), lambda i: (0, 0)),
        ],
        out_specs=pl.BlockSpec((_BR, H), lambda i: (i, 0)),
        out_shape=jax.ShapeDtypeStruct((N, H), jnp.float32),
    )(x, W)


def _tc_scale_split(xw, d0, d1):
    H = xw.shape[1]

    def body(xw_ref, d0_ref, d1_ref, y_ref):
        dinv = _dinv_block(d0_ref, d1_ref)
        yblk = xw_ref[...] * dinv
        y_ref[0, :, :] = yblk[:, : H // 2]
        y_ref[1, :, :] = yblk[:, H // 2:]

    return pl.pallas_call(
        body,
        grid=(N // _BR,),
        in_specs=[
            pl.BlockSpec((_BR, H), lambda i: (i, 0)),
            pl.BlockSpec((_BR, 16), lambda i: (i, 0)),
            pl.BlockSpec((_BR, 16), lambda i: (i, 0)),
        ],
        out_specs=pl.BlockSpec((2, _BR, H // 2), lambda i: (0, i, 0)),
        out_shape=jax.ShapeDtypeStruct((2, N, H // 2), jnp.float32),
    )(xw, d0, d1)


def _tc_mid(a, d0, d1, b1, W2):
    H, C = W2.shape

    def body(a_ref, d0_ref, d1_ref, b1_ref, w2_ref, y2_ref):
        dinv = _dinv_block(d0_ref, d1_ref)
        ssum = jnp.concatenate([a_ref[0], a_ref[1]], axis=-1)
        h = jnp.maximum(dinv * ssum + b1_ref[...], 0.0)
        yy = jnp.dot(h, w2_ref[...], preferred_element_type=jnp.float32) * dinv
        y2_ref[0, :, :] = yy[:, : C // 2]
        y2_ref[1, :, :] = yy[:, C // 2:]

    return pl.pallas_call(
        body,
        grid=(N // _BR,),
        in_specs=[
            pl.BlockSpec((2, _BR, H // 2), lambda i: (0, i, 0)),
            pl.BlockSpec((_BR, 16), lambda i: (i, 0)),
            pl.BlockSpec((_BR, 16), lambda i: (i, 0)),
            pl.BlockSpec((1, H), lambda i: (0, 0)),
            pl.BlockSpec((H, C), lambda i: (0, 0)),
        ],
        out_specs=pl.BlockSpec((2, _BR, C // 2), lambda i: (0, i, 0)),
        out_shape=jax.ShapeDtypeStruct((2, N, C // 2), jnp.float32),
    )(a, d0, d1, b1, W2)


def _tc_final(a, d0, d1, b2):
    C = 2 * a.shape[2]

    def body(a_ref, d0_ref, d1_ref, b2_ref, o_ref):
        dinv = _dinv_block(d0_ref, d1_ref)
        ssum = jnp.concatenate([a_ref[0], a_ref[1]], axis=-1)
        o_ref[...] = dinv * ssum + b2_ref[...]

    return pl.pallas_call(
        body,
        grid=(N // _BR,),
        in_specs=[
            pl.BlockSpec((2, _BR, C // 2), lambda i: (0, i, 0)),
            pl.BlockSpec((_BR, 16), lambda i: (i, 0)),
            pl.BlockSpec((_BR, 16), lambda i: (i, 0)),
            pl.BlockSpec((1, C), lambda i: (0, 0)),
        ],
        out_specs=pl.BlockSpec((_BR, C), lambda i: (i, 0)),
        out_shape=jax.ShapeDtypeStruct((N, C), jnp.float32),
    )(a, d0, d1, b2)



def kernel(inputs, edge_index, W1, b1, W2, b2):
    npad = EPAD - E
    src32 = jnp.concatenate(
        [edge_index[0].astype(jnp.int32), jnp.zeros((npad,), jnp.int32)])
    dst32 = jnp.concatenate(
        [edge_index[1].astype(jnp.int32),
         N + (jnp.arange(npad, dtype=jnp.int32) % NJUNK)])
    G = 2
    src_s = src32.reshape(NS, NBS // G, G * K)
    dst_s = dst32.reshape(NS, NBS // G, G * K)
    dst_w = dst32.reshape(NW, NBD, K)
    ones16 = jnp.ones((K, 16), jnp.float32)
    zeros16 = jnp.zeros((N, 16), jnp.float32)

    xw1 = _tc_matmul(inputs, W1)
    dega = _get_sc_degree()(dst_w, ones16, zeros16)
    d0, d1 = dega[0], dega[1]

    y1 = _tc_scale_split(xw1, d0, d1)
    acc1 = _make_sc_segsum(64, G)(y1, src_s, dst_s)
    y2 = _tc_mid(acc1, d0, d1, b1.reshape(1, -1), W2)
    acc2 = _make_sc_segsum(32, G, spmem_table=True)(y2, src_s, dst_s)
    return _tc_final(acc2, d0, d1, b2.reshape(1, -1))

# --- scband reference (transcript-rebuilt; emitter-appended) ---
"""Pipeline reference for scband-gcn-86535001079836 (READ-ONLY COPY).

The authoritative reference and input builder live on the scoring server;
editing this copy changes nothing except your own understanding.
"""

import jax, jax.numpy as jnp
import numpy as np

N_NODES = 10000


def gcn_conv(x, edge_index, W, b):
    num_nodes = x.shape[0]
    src = edge_index[0]
    dst = edge_index[1]
    # add self loops (PyG GCNConv default)
    loop = jnp.arange(num_nodes, dtype=src.dtype)
    src = jnp.concatenate([src, loop])
    dst = jnp.concatenate([dst, loop])
    # linear transform
    xw = x @ W
    # symmetric normalization D^{-1/2} (A+I) D^{-1/2}
    deg = jnp.zeros((num_nodes,), dtype=xw.dtype).at[dst].add(1.0)
    dinv = jnp.where(deg > 0, jax.lax.rsqrt(deg), 0.0)
    norm = dinv[src] * dinv[dst]
    msg = xw[src] * norm[:, None]
    out = jax.ops.segment_sum(msg, dst, num_segments=num_nodes)
    return out + b


def setup_inputs(seed: int = 0) -> dict:
    key = jax.random.key(seed)
    k1, k2, k3, k4, k5 = jax.random.split(key, 5)
    nfeat, nhid, nclass = 128, 128, 64
    inputs = jax.random.normal(k1, (N_NODES, nfeat), dtype=jnp.float32)
    edge_index = jax.random.randint(k2, (2, 320000), 0, N_NODES, dtype=jnp.int64)
    W1 = jax.random.normal(k3, (nfeat, nhid), dtype=jnp.float32) * (1.0 / np.sqrt(nfeat))
    b1 = jnp.zeros((nhid,), dtype=jnp.float32)
    W2 = jax.random.normal(k4, (nhid, nclass), dtype=jnp.float32) * (1.0 / np.sqrt(nhid))
    b2 = jnp.zeros((nclass,), dtype=jnp.float32)
    return {"inputs": inputs, "edge_index": edge_index, "W1": W1, "b1": b1, "W2": W2, "b2": b2}


def reference(inputs, edge_index, W1, b1, W2, b2):
    # dropout is identity in eval mode
    x = jax.nn.relu(gcn_conv(inputs, edge_index, W1, b1))
    x = gcn_conv(x, edge_index, W2, b2)
    return x

if __name__ == "__main__":
    import jax
    _d = setup_inputs()
    print(jax.jit(kernel)(*tuple(_d.values())))

</pallas_src>

<mosaic_0001>
#map = affine_map<(d0, d1) -> (0, 0, 0)>
module attributes {stable_mosaic.version = 14 : i64} {
  func.func @_sc_segsum(%arg0: i32, %arg1: i32, %arg2: memref<2x10000x32xf32, #tpu.memory_space<hbm>>, %arg3: memref<16x80x256xi32, #tpu.memory_space<hbm>>, %arg4: memref<16x80x256xi32, #tpu.memory_space<hbm>>, %arg5: memref<2x10000x32xf32, #tpu.memory_space<hbm>>, %arg6: memref<80x256xi32, #tpu.memory_space<vmem>>, %arg7: memref<80x256xi32, #tpu.memory_space<vmem>>, %arg8: memref<256x32xf32, #tpu.memory_space<vmem>>, %arg9: memref<256x32xf32, #tpu.memory_space<vmem>>, %arg10: memref<256x32xf32, #tpu.memory_space<vmem>>, %arg11: memref<256x32xf32, #tpu.memory_space<vmem>>, %arg12: memref<10008x32xf32, #tpu.memory_space<vmem_shared>>, %arg13: memref<!tpu.dma_semaphore, #tpu.memory_space<semaphore_mem>>, %arg14: memref<10000x32xf32, #tpu.memory_space<vmem_shared>>) attributes {dimension_semantics = [#tpu.dimension_semantics<core_parallel>, #tpu.dimension_semantics<subcore_parallel>], iteration_bounds = array<i64: 2, 16>, scalar_prefetch = 0 : i64, scratch_operands = 9 : i64, tpu.core_type = #tpu.core_type<sc_vector_subcore>, window_params = [{transform_indices = #map}, {transform_indices = #map}, {transform_indices = #map}, {transform_indices = #map}]} {
    "tpu.region"() ({
      %run_scoped3A = tpu.sem_alloc : memref<!tpu.dma_semaphore, #tpu.memory_space<semaphore_mem>>
      %dma_start3A = arith.constant 0 : i32
      %dma_start3A_10 = arith.constant 0 : i32
      %dma_start3A_11 = tpu.memref_slice %arg3[%arg1, %dma_start3A, %dma_start3A_10] : memref<16x80x256xi32, #tpu.memory_space<hbm>> -> memref<1x80x256xi32, #tpu.memory_space<hbm>>
      %dma_start3A_12 = tpu.memref_squeeze %dma_start3A_11 : memref<1x80x256xi32, #tpu.memory_space<hbm>> -> memref<80x256xi32, #tpu.memory_space<hbm>>
      %dma_start3A_13 = arith.constant 0 : i32
      %dma_start3A_14 = arith.constant 0 : i32
      %dma_start3A_15 = tpu.memref_slice %arg3[%arg1, %dma_start3A_13, %dma_start3A_14] : memref<16x80x256xi32, #tpu.memory_space<hbm>> -> memref<1x80x256xi32, #tpu.memory_space<hbm>>
      %dma_start3A_16 = tpu.memref_squeeze %dma_start3A_15 : memref<1x80x256xi32, #tpu.memory_space<hbm>> -> memref<80x256xi32, #tpu.memory_space<hbm>>
      tpu.enqueue_dma source(%dma_start3A_16 : memref<80x256xi32, #tpu.memory_space<hbm>>) target(%arg6 : memref<80x256xi32, #tpu.memory_space<vmem>>) target_semaphore(%run_scoped3A : memref<!tpu.dma_semaphore, #tpu.memory_space<semaphore_mem>>)
      %dma_wait3A = arith.constant 0 : i32
      %dma_wait3A_17 = arith.constant 0 : i32
      %dma_wait3A_18 = tpu.memref_slice %arg3[%arg1, %dma_wait3A, %dma_wait3A_17] : memref<16x80x256xi32, #tpu.memory_space<hbm>> -> memref<1x80x256xi32, #tpu.memory_space<hbm>>
      %dma_wait3A_19 = tpu.memref_squeeze %dma_wait3A_18 : memref<1x80x256xi32, #tpu.memory_space<hbm>> -> memref<80x256xi32, #tpu.memory_space<hbm>>
      %dma_wait3A_20 = arith.constant 0 : i32
      %dma_wait3A_21 = arith.constant 0 : i32
      %dma_wait3A_22 = tpu.memref_slice %arg3[%arg1, %dma_wait3A_20, %dma_wait3A_21] : memref<16x80x256xi32, #tpu.memory_space<hbm>> -> memref<1x80x256xi32, #tpu.memory_space<hbm>>
      %dma_wait3A_23 = tpu.memref_squeeze %dma_wait3A_22 : memref<1x80x256xi32, #tpu.memory_space<hbm>> -> memref<80x256xi32, #tpu.memory_space<hbm>>
      tpu.wait_dma2 semaphore(%run_scoped3A : memref<!tpu.dma_semaphore, #tpu.memory_space<semaphore_mem>>) src(%dma_wait3A_23 : memref<80x256xi32, #tpu.memory_space<hbm>>) dst(%arg6 : memref<80x256xi32, #tpu.memory_space<vmem>>)
      tpu.yield
    }) : () -> ()
    "tpu.region"() ({
      %run_scoped3A = tpu.sem_alloc : memref<!tpu.dma_semaphore, #tpu.memory_space<semaphore_mem>>
      %dma_start3A = arith.constant 0 : i32
      %dma_start3A_10 = arith.constant 0 : i32
      %dma_start3A_11 = tpu.memref_slice %arg4[%arg1, %dma_start3A, %dma_start3A_10] : memref<16x80x256xi32, #tpu.memory_space<hbm>> -> memref<1x80x256xi32, #tpu.memory_space<hbm>>
      %dma_start3A_12 = tpu.memref_squeeze %dma_start3A_11 : memref<1x80x256xi32, #tpu.memory_space<hbm>> -> memref<80x256xi32, #tpu.memory_space<hbm>>
      %dma_start3A_13 = arith.constant 0 : i32
      %dma_start3A_14 = arith.constant 0 : i32
      %dma_start3A_15 = tpu.memref_slice %arg4[%arg1, %dma_start3A_13, %dma_start3A_14] : memref<16x80x256xi32, #tpu.memory_space<hbm>> -> memref<1x80x256xi32, #tpu.memory_space<hbm>>
      %dma_start3A_16 = tpu.memref_squeeze %dma_start3A_15 : memref<1x80x256xi32, #tpu.memory_space<hbm>> -> memref<80x256xi32, #tpu.memory_space<hbm>>
      tpu.enqueue_dma source(%dma_start3A_16 : memref<80x256xi32, #tpu.memory_space<hbm>>) target(%arg7 : memref<80x256xi32, #tpu.memory_space<vmem>>) target_semaphore(%run_scoped3A : memref<!tpu.dma_semaphore, #tpu.memory_space<semaphore_mem>>)
      %dma_wait3A = arith.constant 0 : i32
      %dma_wait3A_17 = arith.constant 0 : i32
      %dma_wait3A_18 = tpu.memref_slice %arg4[%arg1, %dma_wait3A, %dma_wait3A_17] : memref<16x80x256xi32, #tpu.memory_space<hbm>> -> memref<1x80x256xi32, #tpu.memory_space<hbm>>
      %dma_wait3A_19 = tpu.memref_squeeze %dma_wait3A_18 : memref<1x80x256xi32, #tpu.memory_space<hbm>> -> memref<80x256xi32, #tpu.memory_space<hbm>>
      %dma_wait3A_20 = arith.constant 0 : i32
      %dma_wait3A_21 = arith.constant 0 : i32
      %dma_wait3A_22 = tpu.memref_slice %arg4[%arg1, %dma_wait3A_20, %dma_wait3A_21] : memref<16x80x256xi32, #tpu.memory_space<hbm>> -> memref<1x80x256xi32, #tpu.memory_space<hbm>>
      %dma_wait3A_23 = tpu.memref_squeeze %dma_wait3A_22 : memref<1x80x256xi32, #tpu.memory_space<hbm>> -> memref<80x256xi32, #tpu.memory_space<hbm>>
      tpu.wait_dma2 semaphore(%run_scoped3A : memref<!tpu.dma_semaphore, #tpu.memory_space<semaphore_mem>>) src(%dma_wait3A_23 : memref<80x256xi32, #tpu.memory_space<hbm>>) dst(%arg7 : memref<80x256xi32, #tpu.memory_space<vmem>>)
      tpu.yield
    }) : () -> ()
    %eq3A = arith.constant 0 : i32
    %eq3A_0 = arith.cmpi eq, %arg0, %eq3A : i32
    %convert_element_type3A = arith.extui %eq3A_0 : i1 to i32
    %cond3A = arith.constant 0 : i32
    %cond3A_1 = arith.cmpi ne, %convert_element_type3A, %cond3A : i32
    scf.if %cond3A_1 {
      %mul3A_10 = arith.constant 625 : i32
      %mul3A_11 = arith.muli %arg1, %mul3A_10 : i32
      %mul3A_12 = arith.constant 625 : i32
      %mul3A_13 = arith.muli %arg1, %mul3A_12 : i32
      %run_scoped3A = arith.constant 0 : i32
      "tpu.region"() ({
        %run_scoped3A_52 = tpu.sem_alloc : memref<!tpu.dma_semaphore, #tpu.memory_space<semaphore_mem>>
        %dma_start3A_53 = arith.constant 0 : i32
        %dma_start3A_54 = tpu.memref_slice %arg12[%mul3A_13, %dma_start3A_53] : memref<10008x32xf32, #tpu.memory_space<vmem_shared>> -> memref<625x32xf32, #tpu.memory_space<vmem_shared>>
        %dma_start3A_55 = arith.constant 0 : i32
        %dma_start3A_56 = arith.constant 0 : i32
        %dma_start3A_57 = tpu.memref_slice %arg2[%run_scoped3A, %dma_start3A_55, %dma_start3A_56] : memref<2x10000x32xf32, #tpu.memory_space<hbm>> -> memref<1x10000x32xf32, #tpu.memory_space<hbm>>
        %dma_start3A_58 = tpu.memref_squeeze %dma_start3A_57 : memref<1x10000x32xf32, #tpu.memory_space<hbm>> -> memref<10000x32xf32, #tpu.memory_space<hbm>>
        %dma_start3A_59 = arith.constant 0 : i32
        %dma_start3A_60 = tpu.memref_slice %dma_start3A_58[%mul3A_11, %dma_start3A_59] : memref<10000x32xf32, #tpu.memory_space<hbm>> -> memref<625x32xf32, #tpu.memory_space<hbm>>
        tpu.enqueue_dma source(%dma_start3A_60 : memref<625x32xf32, #tpu.memory_space<hbm>>) target(%dma_start3A_54 : memref<625x32xf32, #tpu.memory_space<vmem_shared>>) target_semaphore(%run_scoped3A_52 : memref<!tpu.dma_semaphore, #tpu.memory_space<semaphore_mem>>)
        %dma_wait3A = arith.constant 0 : i32
        %dma_wait3A_61 = tpu.memref_slice %arg12[%mul3A_13, %dma_wait3A] : memref<10008x32xf32, #tpu.memory_space<vmem_shared>> -> memref<625x32xf32, #tpu.memory_space<vmem_shared>>
        %dma_wait3A_62 = arith.constant 0 : i32
        %dma_wait3A_63 = arith.constant 0 : i32
        %dma_wait3A_64 = tpu.memref_slice %arg2[%run_scoped3A, %dma_wait3A_62, %dma_wait3A_63] : memref<2x10000x32xf32, #tpu.memory_space<hbm>> -> memref<1x10000x32xf32, #tpu.memory_space<hbm>>
        %dma_wait3A_65 = tpu.memref_squeeze %dma_wait3A_64 : memref<1x10000x32xf32, #tpu.memory_space<hbm>> -> memref<10000x32xf32, #tpu.memory_space<hbm>>
        %dma_wait3A_66 = arith.constant 0 : i32
        %dma_wait3A_67 = tpu.memref_slice %dma_wait3A_65[%mul3A_11, %dma_wait3A_66] : memref<10000x32xf32, #tpu.memory_space<hbm>> -> memref<625x32xf32, #tpu.memory_space<hbm>>
        tpu.wait_dma2 semaphore(%run_scoped3A_52 : memref<!tpu.dma_semaphore, #tpu.memory_space<semaphore_mem>>) src(%dma_wait3A_67 : memref<625x32xf32, #tpu.memory_space<hbm>>) dst(%dma_wait3A_61 : memref<625x32xf32, #tpu.memory_space<vmem_shared>>)
        tpu.yield
      }) : () -> ()
      %mul3A_14 = arith.constant 625 : i32
      %mul3A_15 = arith.muli %arg1, %mul3A_14 : i32
      %mul3A_16 = arith.constant 625 : i32
      %mul3A_17 = arith.muli %arg1, %mul3A_16 : i32
      %run_scoped3A_18 = arith.constant 0 : i32
      "tpu.region"() ({
        %run_scoped3A_52 = tpu.sem_alloc : memref<!tpu.dma_semaphore, #tpu.memory_space<semaphore_mem>>
        %dma_start3A_53 = arith.constant 0 : i32
        %dma_start3A_54 = tpu.memref_slice %arg14[%mul3A_17, %dma_start3A_53] : memref<10000x32xf32, #tpu.memory_space<vmem_shared>> -> memref<625x32xf32, #tpu.memory_space<vmem_shared>>
        %dma_start3A_55 = arith.constant 0 : i32
        %dma_start3A_56 = arith.constant 0 : i32
        %dma_start3A_57 = tpu.memref_slice %arg2[%run_scoped3A_18, %dma_start3A_55, %dma_start3A_56] : memref<2x10000x32xf32, #tpu.memory_space<hbm>> -> memref<1x10000x32xf32, #tpu.memory_space<hbm>>
        %dma_start3A_58 = tpu.memref_squeeze %dma_start3A_57 : memref<1x10000x32xf32, #tpu.memory_space<hbm>> -> memref<10000x32xf32, #tpu.memory_space<hbm>>
        %dma_start3A_59 = arith.constant 0 : i32
        %dma_start3A_60 = tpu.memref_slice %dma_start3A_58[%mul3A_15, %dma_start3A_59] : memref<10000x32xf32, #tpu.memory_space<hbm>> -> memref<625x32xf32, #tpu.memory_space<hbm>>
        tpu.enqueue_dma source(%dma_start3A_60 : memref<625x32xf32, #tpu.memory_space<hbm>>) target(%dma_start3A_54 : memref<625x32xf32, #tpu.memory_space<vmem_shared>>) target_semaphore(%run_scoped3A_52 : memref<!tpu.dma_semaphore, #tpu.memory_space<semaphore_mem>>)
        %dma_wait3A = arith.constant 0 : i32
        %dma_wait3A_61 = tpu.memref_slice %arg14[%mul3A_17, %dma_wait3A] : memref<10000x32xf32, #tpu.memory_space<vmem_shared>> -> memref<625x32xf32, #tpu.memory_space<vmem_shared>>
        %dma_wait3A_62 = arith.constant 0 : i32
        %dma_wait3A_63 = arith.constant 0 : i32
        %dma_wait3A_64 = tpu.memref_slice %arg2[%run_scoped3A_18, %dma_wait3A_62, %dma_wait3A_63] : memref<2x10000x32xf32, #tpu.memory_space<hbm>> -> memref<1x10000x32xf32, #tpu.memory_space<hbm>>
        %dma_wait3A_65 = tpu.memref_squeeze %dma_wait3A_64 : memref<1x10000x32xf32, #tpu.memory_space<hbm>> -> memref<10000x32xf32, #tpu.memory_space<hbm>>
        %dma_wait3A_66 = arith.constant 0 : i32
        %dma_wait3A_67 = tpu.memref_slice %dma_wait3A_65[%mul3A_15, %dma_wait3A_66] : memref<10000x32xf32, #tpu.memory_space<hbm>> -> memref<625x32xf32, #tpu.memory_space<hbm>>
        tpu.wait_dma2 semaphore(%run_scoped3A_52 : memref<!tpu.dma_semaphore, #tpu.memory_space<semaphore_mem>>) src(%dma_wait3A_67 : memref<625x32xf32, #tpu.memory_space<hbm>>) dst(%dma_wait3A_61 : memref<625x32xf32, #tpu.memory_space<vmem_shared>>)
        tpu.yield
      }) : () -> ()
      %barrier3A_19 = arith.constant 0 : index
      tpu.barrier barrier_id(%barrier3A_19)
      %dma_start3A = arith.constant 0 : i32
      %dma_start3A_20 = arith.constant 0 : i32
      %dma_start3A_21 = tpu.memref_slice %arg6[%dma_start3A, %dma_start3A_20] : memref<80x256xi32, #tpu.memory_space<vmem>> -> memref<1x256xi32, #tpu.memory_space<vmem>>
      %dma_start3A_22 = tpu.memref_squeeze %dma_start3A_21 : memref<1x256xi32, #tpu.memory_space<vmem>> -> memref<256xi32, #tpu.memory_space<vmem>>
      %dma_start3A_23 = arith.constant 0 : i32
      %dma_start3A_24 = arith.constant 0 : i32
      %dma_start3A_25 = tpu.memref_slice %arg14[%dma_start3A_23, %dma_start3A_24] : memref<10000x32xf32, #tpu.memory_space<vmem_shared>> -> memref<10000x32xf32, #tpu.memory_space<vmem_shared>>
      tpu.enqueue_indirect_dma source(%dma_start3A_25 : memref<10000x32xf32, #tpu.memory_space<vmem_shared>>) target(%arg8 : memref<256x32xf32, #tpu.memory_space<vmem>>) offsets(%dma_start3A_22 : memref<256xi32, #tpu.memory_space<vmem>>) semaphore(%arg13 : memref<!tpu.dma_semaphore, #tpu.memory_space<semaphore_mem>>)
      %dma_start3A_26 = arith.constant 1 : i32
      %dma_start3A_27 = arith.constant 0 : i32
      %dma_start3A_28 = tpu.memref_slice %arg6[%dma_start3A_26, %dma_start3A_27] : memref<80x256xi32, #tpu.memory_space<vmem>> -> memref<1x256xi32, #tpu.memory_space<vmem>>
      %dma_start3A_29 = tpu.memref_squeeze %dma_start3A_28 : memref<1x256xi32, #tpu.memory_space<vmem>> -> memref<256xi32, #tpu.memory_space<vmem>>
      %dma_start3A_30 = arith.constant 0 : i32
      %dma_start3A_31 = arith.constant 0 : i32
      %dma_start3A_32 = tpu.memref_slice %arg14[%dma_start3A_30, %dma_start3A_31] : memref<10000x32xf32, #tpu.memory_space<vmem_shared>> -> memref<10000x32xf32, #tpu.memory_space<vmem_shared>>
      tpu.enqueue_indirect_dma source(%dma_start3A_32 : memref<10000x32xf32, #tpu.memory_space<vmem_shared>>) target(%arg9 : memref<256x32xf32, #tpu.memory_space<vmem>>) offsets(%dma_start3A_29 : memref<256xi32, #tpu.memory_space<vmem>>) semaphore(%arg13 : memref<!tpu.dma_semaphore, #tpu.memory_space<semaphore_mem>>)
      %dma_start3A_33 = arith.constant 2 : i32
      %dma_start3A_34 = arith.constant 0 : i32
      %dma_start3A_35 = tpu.memref_slice %arg6[%dma_start3A_33, %dma_start3A_34] : memref<80x256xi32, #tpu.memory_space<vmem>> -> memref<1x256xi32, #tpu.memory_space<vmem>>
      %dma_start3A_36 = tpu.memref_squeeze %dma_start3A_35 : memref<1x256xi32, #tpu.memory_space<vmem>> -> memref<256xi32, #tpu.memory_space<vmem>>
      %dma_start3A_37 = arith.constant 0 : i32
      %dma_start3A_38 = arith.constant 0 : i32
      %dma_start3A_39 = tpu.memref_slice %arg14[%dma_start3A_37, %dma_start3A_38] : memref<10000x32xf32, #tpu.memory_space<vmem_shared>> -> memref<10000x32xf32, #tpu.memory_space<vmem_shared>>
      tpu.enqueue_indirect_dma source(%dma_start3A_39 : memref<10000x32xf32, #tpu.memory_space<vmem_shared>>) target(%arg10 : memref<256x32xf32, #tpu.memory_space<vmem>>) offsets(%dma_start3A_36 : memref<256xi32, #tpu.memory_space<vmem>>) semaphore(%arg13 : memref<!tpu.dma_semaphore, #tpu.memory_space<semaphore_mem>>)
      %dma_start3A_40 = arith.constant 3 : i32
      %dma_start3A_41 = arith.constant 0 : i32
      %dma_start3A_42 = tpu.memref_slice %arg6[%dma_start3A_40, %dma_start3A_41] : memref<80x256xi32, #tpu.memory_space<vmem>> -> memref<1x256xi32, #tpu.memory_space<vmem>>
      %dma_start3A_43 = tpu.memref_squeeze %dma_start3A_42 : memref<1x256xi32, #tpu.memory_space<vmem>> -> memref<256xi32, #tpu.memory_space<vmem>>
      %dma_start3A_44 = arith.constant 0 : i32
      %dma_start3A_45 = arith.constant 0 : i32
      %dma_start3A_46 = tpu.memref_slice %arg14[%dma_start3A_44, %dma_start3A_45] : memref<10000x32xf32, #tpu.memory_space<vmem_shared>> -> memref<10000x32xf32, #tpu.memory_space<vmem_shared>>
      tpu.enqueue_indirect_dma source(%dma_start3A_46 : memref<10000x32xf32, #tpu.memory_space<vmem_shared>>) target(%arg11 : memref<256x32xf32, #tpu.memory_space<vmem>>) offsets(%dma_start3A_43 : memref<256xi32, #tpu.memory_space<vmem>>) semaphore(%arg13 : memref<!tpu.dma_semaphore, #tpu.memory_space<semaphore_mem>>)
      %scan3A = arith.constant 0 : i32
      %scan3A_47 = arith.constant 0 : i32
      %scan3A_48 = arith.constant 20 : i32
      %scan3A_49 = arith.addi %scan3A_47, %scan3A_48 : i32
      %scan3A_50 = arith.constant 1 : i32
      scf.for %scan3A_52 = %scan3A_47 to %scan3A_49 step %scan3A_50  : i32 {
        %mul3A_53 = arith.constant 4 : i32
        %mul3A_54 = arith.muli %scan3A_52, %mul3A_53 : i32
        %add3A = arith.constant 0 : i32
        %add3A_55 = arith.addi %mul3A_54, %add3A : i32
        %dma_wait3A = arith.constant 0 : i32
        %dma_wait3A_56 = tpu.memref_slice %arg6[%add3A_55, %dma_wait3A] : memref<80x256xi32, #tpu.memory_space<vmem>> -> memref<1x256xi32, #tpu.memory_space<vmem>>
        %dma_wait3A_57 = tpu.memref_squeeze %dma_wait3A_56 : memref<1x256xi32, #tpu.memory_space<vmem>> -> memref<256xi32, #tpu.memory_space<vmem>>
        %dma_wait3A_58 = arith.constant 0 : i32
        %dma_wait3A_59 = arith.constant 0 : i32
        %dma_wait3A_60 = tpu.memref_slice %arg14[%dma_wait3A_58, %dma_wait3A_59] : memref<10000x32xf32, #tpu.memory_space<vmem_shared>> -> memref<10000x32xf32, #tpu.memory_space<vmem_shared>>
        tpu.wait_indirect_dma semaphore(%arg13 : memref<!tpu.dma_semaphore, #tpu.memory_space<semaphore_mem>>) src(%dma_wait3A_60 : memref<10000x32xf32, #tpu.memory_space<vmem_shared>>) dst(%arg8 : memref<256x32xf32, #tpu.memory_space<vmem>>)
        "tpu.region"() ({
          %run_scoped3A_118 = tpu.sem_alloc : memref<!tpu.dma_semaphore, #tpu.memory_space<semaphore_mem>>
          %dma_start3A_119 = arith.constant 0 : i32
          %dma_start3A_120 = tpu.memref_slice %arg7[%add3A_55, %dma_start3A_119] : memref<80x256xi32, #tpu.memory_space<vmem>> -> memref<1x256xi32, #tpu.memory_space<vmem>>
          %dma_start3A_121 = tpu.memref_squeeze %dma_start3A_120 : memref<1x256xi32, #tpu.memory_space<vmem>> -> memref<256xi32, #tpu.memory_space<vmem>>
          %dma_start3A_122 = arith.constant 0 : i32
          %dma_start3A_123 = arith.constant 0 : i32
          %dma_start3A_124 = tpu.memref_slice %arg12[%dma_start3A_122, %dma_start3A_123] : memref<10008x32xf32, #tpu.memory_space<vmem_shared>> -> memref<10008x32xf32, #tpu.memory_space<vmem_shared>>
          tpu.enqueue_indirect_dma source(%arg8 : memref<256x32xf32, #tpu.memory_space<vmem>>) target(%dma_start3A_124 : memref<10008x32xf32, #tpu.memory_space<vmem_shared>>) offsets(%dma_start3A_121 : memref<256xi32, #tpu.memory_space<vmem>>) semaphore(%run_scoped3A_118 : memref<!tpu.dma_semaphore, #tpu.memory_space<semaphore_mem>>) {add = true}
          %dma_wait3A_125 = arith.constant 0 : i32
          %dma_wait3A_126 = tpu.memref_slice %arg7[%add3A_55, %dma_wait3A_125] : memref<80x256xi32, #tpu.memory_space<vmem>> -> memref<1x256xi32, #tpu.memory_space<vmem>>
          %dma_wait3A_127 = tpu.memref_squeeze %dma_wait3A_126 : memref<1x256xi32, #tpu.memory_space<vmem>> -> memref<256xi32, #tpu.memory_space<vmem>>
          %dma_wait3A_128 = arith.constant 0 : i32
          %dma_wait3A_129 = arith.constant 0 : i32
          %dma_wait3A_130 = tpu.memref_slice %arg12[%dma_wait3A_128, %dma_wait3A_129] : memref<10008x32xf32, #tpu.memory_space<vmem_shared>> -> memref<10008x32xf32, #tpu.memory_space<vmem_shared>>
          tpu.wait_indirect_dma semaphore(%run_scoped3A_118 : memref<!tpu.dma_semaphore, #tpu.memory_space<semaphore_mem>>) src(%arg8 : memref<256x32xf32, #tpu.memory_space<vmem>>) dst(%dma_wait3A_130 : memref<10008x32xf32, #tpu.memory_space<vmem_shared>>)
          tpu.yield
        }) : () -> ()
        %add3A_61 = arith.constant 4 : i32
        %add3A_62 = arith.addi %add3A_55, %add3A_61 : i32
        %lt3A = arith.constant 80 : i32
        %lt3A_63 = arith.cmpi slt, %add3A_62, %lt3A : i32
        %convert_element_type3A_64 = arith.extui %lt3A_63 : i1 to i32
        %cond3A_65 = arith.constant 0 : i32
        %cond3A_66 = arith.cmpi ne, %convert_element_type3A_64, %cond3A_65 : i32
        scf.if %cond3A_66 {
          %add3A_118 = arith.constant 4 : i32
          %add3A_119 = arith.addi %add3A_55, %add3A_118 : i32
          %dma_start3A_120 = arith.constant 0 : i32
          %dma_start3A_121 = tpu.memref_slice %arg6[%add3A_119, %dma_start3A_120] : memref<80x256xi32, #tpu.memory_space<vmem>> -> memref<1x256xi32, #tpu.memory_space<vmem>>
          %dma_start3A_122 = tpu.memref_squeeze %dma_start3A_121 : memref<1x256xi32, #tpu.memory_space<vmem>> -> memref<256xi32, #tpu.memory_space<vmem>>
          %dma_start3A_123 = arith.constant 0 : i32
          %dma_start3A_124 = arith.constant 0 : i32
          %dma_start3A_125 = tpu.memref_slice %arg14[%dma_start3A_123, %dma_start3A_124] : memref<10000x32xf32, #tpu.memory_space<vmem_shared>> -> memref<10000x32xf32, #tpu.memory_space<vmem_shared>>
          tpu.enqueue_indirect_dma source(%dma_start3A_125 : memref<10000x32xf32, #tpu.memory_space<vmem_shared>>) target(%arg8 : memref<256x32xf32, #tpu.memory_space<vmem>>) offsets(%dma_start3A_122 : memref<256xi32, #tpu.memory_space<vmem>>) semaphore(%arg13 : memref<!tpu.dma_semaphore, #tpu.memory_space<semaphore_mem>>)
        } else {
        }
        %mul3A_67 = arith.constant 4 : i32
        %mul3A_68 = arith.muli %scan3A_52, %mul3A_67 : i32
        %add3A_69 = arith.constant 1 : i32
        %add3A_70 = arith.addi %mul3A_68, %add3A_69 : i32
        %dma_wait3A_71 = arith.constant 0 : i32
        %dma_wait3A_72 = tpu.memref_slice %arg6[%add3A_70, %dma_wait3A_71] : memref<80x256xi32, #tpu.memory_space<vmem>> -> memref<1x256xi32, #tpu.memory_space<vmem>>
        %dma_wait3A_73 = tpu.memref_squeeze %dma_wait3A_72 : memref<1x256xi32, #tpu.memory_space<vmem>> -> memref<256xi32, #tpu.memory_space<vmem>>
        %dma_wait3A_74 = arith.constant 0 : i32
        %dma_wait3A_75 = arith.constant 0 : i32
        %dma_wait3A_76 = tpu.memref_slice %arg14[%dma_wait3A_74, %dma_wait3A_75] : memref<10000x32xf32, #tpu.memory_space<vmem_shared>> -> memref<10000x32xf32, #tpu.memory_space<vmem_shared>>
        tpu.wait_indirect_dma semaphore(%arg13 : memref<!tpu.dma_semaphore, #tpu.memory_space<semaphore_mem>>) src(%dma_wait3A_76 : memref<10000x32xf32, #tpu.memory_space<vmem_shared>>) dst(%arg9 : memref<256x32xf32, #tpu.memory_space<vmem>>)
        "tpu.region"() ({
          %run_scoped3A_118 = tpu.sem_alloc : memref<!tpu.dma_semaphore, #tpu.memory_space<semaphore_mem>>
          %dma_start3A_119 = arith.constant 0 : i32
          %dma_start3A_120 = tpu.memref_slice %arg7[%add3A_70, %dma_start3A_119] : memref<80x256xi32, #tpu.memory_space<vmem>> -> memref<1x256xi32, #tpu.memory_space<vmem>>
          %dma_start3A_121 = tpu.memref_squeeze %dma_start3A_120 : memref<1x256xi32, #tpu.memory_space<vmem>> -> memref<256xi32, #tpu.memory_space<vmem>>
          %dma_start3A_122 = arith.constant 0 : i32
          %dma_start3A_123 = arith.constant 0 : i32
          %dma_start3A_124 = tpu.memref_slice %arg12[%dma_start3A_122, %dma_start3A_123] : memref<10008x32xf32, #tpu.memory_space<vmem_shared>> -> memref<10008x32xf32, #tpu.memory_space<vmem_shared>>
          tpu.enqueue_indirect_dma source(%arg9 : memref<256x32xf32, #tpu.memory_space<vmem>>) target(%dma_start3A_124 : memref<10008x32xf32, #tpu.memory_space<vmem_shared>>) offsets(%dma_start3A_121 : memref<256xi32, #tpu.memory_space<vmem>>) semaphore(%run_scoped3A_118 : memref<!tpu.dma_semaphore, #tpu.memory_space<semaphore_mem>>) {add = true}
          %dma_wait3A_125 = arith.constant 0 : i32
          %dma_wait3A_126 = tpu.memref_slice %arg7[%add3A_70, %dma_wait3A_125] : memref<80x256xi32, #tpu.memory_space<vmem>> -> memref<1x256xi32, #tpu.memory_space<vmem>>
          %dma_wait3A_127 = tpu.memref_squeeze %dma_wait3A_126 : memref<1x256xi32, #tpu.memory_space<vmem>> -> memref<256xi32, #tpu.memory_space<vmem>>
          %dma_wait3A_128 = arith.constant 0 : i32
          %dma_wait3A_129 = arith.constant 0 : i32
          %dma_wait3A_130 = tpu.memref_slice %arg12[%dma_wait3A_128, %dma_wait3A_129] : memref<10008x32xf32, #tpu.memory_space<vmem_shared>> -> memref<10008x32xf32, #tpu.memory_space<vmem_shared>>
          tpu.wait_indirect_dma semaphore(%run_scoped3A_118 : memref<!tpu.dma_semaphore, #tpu.memory_space<semaphore_mem>>) src(%arg9 : memref<256x32xf32, #tpu.memory_space<vmem>>) dst(%dma_wait3A_130 : memref<10008x32xf32, #tpu.memory_space<vmem_shared>>)
          tpu.yield
        }) : () -> ()
        %add3A_77 = arith.constant 4 : i32
        %add3A_78 = arith.addi %add3A_70, %add3A_77 : i32
        %lt3A_79 = arith.constant 80 : i32
        %lt3A_80 = arith.cmpi slt, %add3A_78, %lt3A_79 : i32
        %convert_element_type3A_81 = arith.extui %lt3A_80 : i1 to i32
        %cond3A_82 = arith.constant 0 : i32
        %cond3A_83 = arith.cmpi ne, %convert_element_type3A_81, %cond3A_82 : i32
        scf.if %cond3A_83 {
          %add3A_118 = arith.constant 4 : i32
          %add3A_119 = arith.addi %add3A_70, %add3A_118 : i32
          %dma_start3A_120 = arith.constant 0 : i32
          %dma_start3A_121 = tpu.memref_slice %arg6[%add3A_119, %dma_start3A_120] : memref<80x256xi32, #tpu.memory_space<vmem>> -> memref<1x256xi32, #tpu.memory_space<vmem>>
          %dma_start3A_122 = tpu.memref_squeeze %dma_start3A_121 : memref<1x256xi32, #tpu.memory_space<vmem>> -> memref<256xi32, #tpu.memory_space<vmem>>
          %dma_start3A_123 = arith.constant 0 : i32
          %dma_start3A_124 = arith.constant 0 : i32
          %dma_start3A_125 = tpu.memref_slice %arg14[%dma_start3A_123, %dma_start3A_124] : memref<10000x32xf32, #tpu.memory_space<vmem_shared>> -> memref<10000x32xf32, #tpu.memory_space<vmem_shared>>
          tpu.enqueue_indirect_dma source(%dma_start3A_125 : memref<10000x32xf32, #tpu.memory_space<vmem_shared>>) target(%arg9 : memref<256x32xf32, #tpu.memory_space<vmem>>) offsets(%dma_start3A_122 : memref<256xi32, #tpu.memory_space<vmem>>) semaphore(%arg13 : memref<!tpu.dma_semaphore, #tpu.memory_space<semaphore_mem>>)
        } else {
        }
        %mul3A_84 = arith.constant 4 : i32
        %mul3A_85 = arith.muli %scan3A_52, %mul3A_84 : i32
        %add3A_86 = arith.constant 2 : i32
        %add3A_87 = arith.addi %mul3A_85, %add3A_86 : i32
        %dma_wait3A_88 = arith.constant 0 : i32
        %dma_wait3A_89 = tpu.memref_slice %arg6[%add3A_87, %dma_wait3A_88] : memref<80x256xi32, #tpu.memory_space<vmem>> -> memref<1x256xi32, #tpu.memory_space<vmem>>
        %dma_wait3A_90 = tpu.memref_squeeze %dma_wait3A_89 : memref<1x256xi32, #tpu.memory_space<vmem>> -> memref<256xi32, #tpu.memory_space<vmem>>
        %dma_wait3A_91 = arith.constant 0 : i32
        %dma_wait3A_92 = arith.constant 0 : i32
        %dma_wait3A_93 = tpu.memref_slice %arg14[%dma_wait3A_91, %dma_wait3A_92] : memref<10000x32xf32, #tpu.memory_space<vmem_shared>> -> memref<10000x32xf32, #tpu.memory_space<vmem_shared>>
        tpu.wait_indirect_dma semaphore(%arg13 : memref<!tpu.dma_semaphore, #tpu.memory_space<semaphore_mem>>) src(%dma_wait3A_93 : memref<10000x32xf32, #tpu.memory_space<vmem_shared>>) dst(%arg10 : memref<256x32xf32, #tpu.memory_space<vmem>>)
        "tpu.region"() ({
          %run_scoped3A_118 = tpu.sem_alloc : memref<!tpu.dma_semaphore, #tpu.memory_space<semaphore_mem>>
          %dma_start3A_119 = arith.constant 0 : i32
          %dma_start3A_120 = tpu.memref_slice %arg7[%add3A_87, %dma_start3A_119] : memref<80x256xi32, #tpu.memory_space<vmem>> -> memref<1x256xi32, #tpu.memory_space<vmem>>
          %dma_start3A_121 = tpu.memref_squeeze %dma_start3A_120 : memref<1x256xi32, #tpu.memory_space<vmem>> -> memref<256xi32, #tpu.memory_space<vmem>>
          %dma_start3A_122 = arith.constant 0 : i32
          %dma_start3A_123 = arith.constant 0 : i32
          %dma_start3A_124 = tpu.memref_slice %arg12[%dma_start3A_122, %dma_start3A_123] : memref<10008x32xf32, #tpu.memory_space<vmem_shared>> -> memref<10008x32xf32, #tpu.memory_space<vmem_shared>>
          tpu.enqueue_indirect_dma source(%arg10 : memref<256x32xf32, #tpu.memory_space<vmem>>) target(%dma_start3A_124 : memref<10008x32xf32, #tpu.memory_space<vmem_shared>>) offsets(%dma_start3A_121 : memref<256xi32, #tpu.memory_space<vmem>>) semaphore(%run_scoped3A_118 : memref<!tpu.dma_semaphore, #tpu.memory_space<semaphore_mem>>) {add = true}
          %dma_wait3A_125 = arith.constant 0 : i32
          %dma_wait3A_126 = tpu.memref_slice %arg7[%add3A_87, %dma_wait3A_125] : memref<80x256xi32, #tpu.memory_space<vmem>> -> memref<1x256xi32, #tpu.memory_space<vmem>>
          %dma_wait3A_127 = tpu.memref_squeeze %dma_wait3A_126 : memref<1x256xi32, #tpu.memory_space<vmem>> -> memref<256xi32, #tpu.memory_space<vmem>>
          %dma_wait3A_128 = arith.constant 0 : i32
          %dma_wait3A_129 = arith.constant 0 : i32
          %dma_wait3A_130 = tpu.memref_slice %arg12[%dma_wait3A_128, %dma_wait3A_129] : memref<10008x32xf32, #tpu.memory_space<vmem_shared>> -> memref<10008x32xf32, #tpu.memory_space<vmem_shared>>
          tpu.wait_indirect_dma semaphore(%run_scoped3A_118 : memref<!tpu.dma_semaphore, #tpu.memory_space<semaphore_mem>>) src(%arg10 : memref<256x32xf32, #tpu.memory_space<vmem>>) dst(%dma_wait3A_130 : memref<10008x32xf32, #tpu.memory_space<vmem_shared>>)
          tpu.yield
        }) : () -> ()
        %add3A_94 = arith.constant 4 : i32
        %add3A_95 = arith.addi %add3A_87, %add3A_94 : i32
        %lt3A_96 = arith.constant 80 : i32
        %lt3A_97 = arith.cmpi slt, %add3A_95, %lt3A_96 : i32
        %convert_element_type3A_98 = arith.extui %lt3A_97 : i1 to i32
        %cond3A_99 = arith.constant 0 : i32
        %cond3A_100 = arith.cmpi ne, %convert_element_type3A_98, %cond3A_99 : i32
        scf.if %cond3A_100 {
          %add3A_118 = arith.constant 4 : i32
          %add3A_119 = arith.addi %add3A_87, %add3A_118 : i32
          %dma_start3A_120 = arith.constant 0 : i32
          %dma_start3A_121 = tpu.memref_slice %arg6[%add3A_119, %dma_start3A_120] : memref<80x256xi32, #tpu.memory_space<vmem>> -> memref<1x256xi32, #tpu.memory_space<vmem>>
          %dma_start3A_122 = tpu.memref_squeeze %dma_start3A_121 : memref<1x256xi32, #tpu.memory_space<vmem>> -> memref<256xi32, #tpu.memory_space<vmem>>
          %dma_start3A_123 = arith.constant 0 : i32
          %dma_start3A_124 = arith.constant 0 : i32
          %dma_start3A_125 = tpu.memref_slice %arg14[%dma_start3A_123, %dma_start3A_124] : memref<10000x32xf32, #tpu.memory_space<vmem_shared>> -> memref<10000x32xf32, #tpu.memory_space<vmem_shared>>
          tpu.enqueue_indirect_dma source(%dma_start3A_125 : memref<10000x32xf32, #tpu.memory_space<vmem_shared>>) target(%arg10 : memref<256x32xf32, #tpu.memory_space<vmem>>) offsets(%dma_start3A_122 : memref<256xi32, #tpu.memory_space<vmem>>) semaphore(%arg13 : memref<!tpu.dma_semaphore, #tpu.memory_space<semaphore_mem>>)
        } else {
        }
        %mul3A_101 = arith.constant 4 : i32
        %mul3A_102 = arith.muli %scan3A_52, %mul3A_101 : i32
        %add3A_103 = arith.constant 3 : i32
        %add3A_104 = arith.addi %mul3A_102, %add3A_103 : i32
        %dma_wait3A_105 = arith.constant 0 : i32
        %dma_wait3A_106 = tpu.memref_slice %arg6[%add3A_104, %dma_wait3A_105] : memref<80x256xi32, #tpu.memory_space<vmem>> -> memref<1x256xi32, #tpu.memory_space<vmem>>
        %dma_wait3A_107 = tpu.memref_squeeze %dma_wait3A_106 : memref<1x256xi32, #tpu.memory_space<vmem>> -> memref<256xi32, #tpu.memory_space<vmem>>
        %dma_wait3A_108 = arith.constant 0 : i32
        %dma_wait3A_109 = arith.constant 0 : i32
        %dma_wait3A_110 = tpu.memref_slice %arg14[%dma_wait3A_108, %dma_wait3A_109] : memref<10000x32xf32, #tpu.memory_space<vmem_shared>> -> memref<10000x32xf32, #tpu.memory_space<vmem_shared>>
        tpu.wait_indirect_dma semaphore(%arg13 : memref<!tpu.dma_semaphore, #tpu.memory_space<semaphore_mem>>) src(%dma_wait3A_110 : memref<10000x32xf32, #tpu.memory_space<vmem_shared>>) dst(%arg11 : memref<256x32xf32, #tpu.memory_space<vmem>>)
        "tpu.region"() ({
          %run_scoped3A_118 = tpu.sem_alloc : memref<!tpu.dma_semaphore, #tpu.memory_space<semaphore_mem>>
          %dma_start3A_119 = arith.constant 0 : i32
          %dma_start3A_120 = tpu.memref_slice %arg7[%add3A_104, %dma_start3A_119] : memref<80x256xi32, #tpu.memory_space<vmem>> -> memref<1x256xi32, #tpu.memory_space<vmem>>
          %dma_start3A_121 = tpu.memref_squeeze %dma_start3A_120 : memref<1x256xi32, #tpu.memory_space<vmem>> -> memref<256xi32, #tpu.memory_space<vmem>>
          %dma_start3A_122 = arith.constant 0 : i32
          %dma_start3A_123 = arith.constant 0 : i32
          %dma_start3A_124 = tpu.memref_slice %arg12[%dma_start3A_122, %dma_start3A_123] : memref<10008x32xf32, #tpu.memory_space<vmem_shared>> -> memref<10008x32xf32, #tpu.memory_space<vmem_shared>>
          tpu.enqueue_indirect_dma source(%arg11 : memref<256x32xf32, #tpu.memory_space<vmem>>) target(%dma_start3A_124 : memref<10008x32xf32, #tpu.memory_space<vmem_shared>>) offsets(%dma_start3A_121 : memref<256xi32, #tpu.memory_space<vmem>>) semaphore(%run_scoped3A_118 : memref<!tpu.dma_semaphore, #tpu.memory_space<semaphore_mem>>) {add = true}
          %dma_wait3A_125 = arith.constant 0 : i32
          %dma_wait3A_126 = tpu.memref_slice %arg7[%add3A_104, %dma_wait3A_125] : memref<80x256xi32, #tpu.memory_space<vmem>> -> memref<1x256xi32, #tpu.memory_space<vmem>>
          %dma_wait3A_127 = tpu.memref_squeeze %dma_wait3A_126 : memref<1x256xi32, #tpu.memory_space<vmem>> -> memref<256xi32, #tpu.memory_space<vmem>>
          %dma_wait3A_128 = arith.constant 0 : i32
          %dma_wait3A_129 = arith.constant 0 : i32
          %dma_wait3A_130 = tpu.memref_slice %arg12[%dma_wait3A_128, %dma_wait3A_129] : memref<10008x32xf32, #tpu.memory_space<vmem_shared>> -> memref<10008x32xf32, #tpu.memory_space<vmem_shared>>
          tpu.wait_indirect_dma semaphore(%run_scoped3A_118 : memref<!tpu.dma_semaphore, #tpu.memory_space<semaphore_mem>>) src(%arg11 : memref<256x32xf32, #tpu.memory_space<vmem>>) dst(%dma_wait3A_130 : memref<10008x32xf32, #tpu.memory_space<vmem_shared>>)
          tpu.yield
        }) : () -> ()
        %add3A_111 = arith.constant 4 : i32
        %add3A_112 = arith.addi %add3A_104, %add3A_111 : i32
        %lt3A_113 = arith.constant 80 : i32
        %lt3A_114 = arith.cmpi slt, %add3A_112, %lt3A_113 : i32
        %convert_element_type3A_115 = arith.extui %lt3A_114 : i1 to i32
        %cond3A_116 = arith.constant 0 : i32
        %cond3A_117 = arith.cmpi ne, %convert_element_type3A_115, %cond3A_116 : i32
        scf.if %cond3A_117 {
          %add3A_118 = arith.constant 4 : i32
          %add3A_119 = arith.addi %add3A_104, %add3A_118 : i32
          %dma_start3A_120 = arith.constant 0 : i32
          %dma_start3A_121 = tpu.memref_slice %arg6[%add3A_119, %dma_start3A_120] : memref<80x256xi32, #tpu.memory_space<vmem>> -> memref<1x256xi32, #tpu.memory_space<vmem>>
          %dma_start3A_122 = tpu.memref_squeeze %dma_start3A_121 : memref<1x256xi32, #tpu.memory_space<vmem>> -> memref<256xi32, #tpu.memory_space<vmem>>
          %dma_start3A_123 = arith.constant 0 : i32
          %dma_start3A_124 = arith.constant 0 : i32
          %dma_start3A_125 = tpu.memref_slice %arg14[%dma_start3A_123, %dma_start3A_124] : memref<10000x32xf32, #tpu.memory_space<vmem_shared>> -> memref<10000x32xf32, #tpu.memory_space<vmem_shared>>
          tpu.enqueue_indirect_dma source(%dma_start3A_125 : memref<10000x32xf32, #tpu.memory_space<vmem_shared>>) target(%arg11 : memref<256x32xf32, #tpu.memory_space<vmem>>) offsets(%dma_start3A_122 : memref<256xi32, #tpu.memory_space<vmem>>) semaphore(%arg13 : memref<!tpu.dma_semaphore, #tpu.memory_space<semaphore_mem>>)
        } else {
        }
      }
      %scan3A_51 = arith.constant 20 : i32
    } else {
    }
    %eq3A_2 = arith.constant 1 : i32
    %eq3A_3 = arith.cmpi eq, %arg0, %eq3A_2 : i32
    %convert_element_type3A_4 = arith.extui %eq3A_3 : i1 to i32
    %cond3A_5 = arith.constant 0 : i32
    %cond3A_6 = arith.cmpi ne, %convert_element_type3A_4, %cond3A_5 : i32
    scf.if %cond3A_6 {
      %mul3A_10 = arith.constant 625 : i32
      %mul3A_11 = arith.muli %arg1, %mul3A_10 : i32
      %mul3A_12 = arith.constant 625 : i32
      %mul3A_13 = arith.muli %arg1, %mul3A_12 : i32
      %run_scoped3A = arith.constant 1 : i32
      "tpu.region"() ({
        %run_scoped3A_52 = tpu.sem_alloc : memref<!tpu.dma_semaphore, #tpu.memory_space<semaphore_mem>>
        %dma_start3A_53 = arith.constant 0 : i32
        %dma_start3A_54 = tpu.memref_slice %arg12[%mul3A_13, %dma_start3A_53] : memref<10008x32xf32, #tpu.memory_space<vmem_shared>> -> memref<625x32xf32, #tpu.memory_space<vmem_shared>>
        %dma_start3A_55 = arith.constant 0 : i32
        %dma_start3A_56 = arith.constant 0 : i32
        %dma_start3A_57 = tpu.memref_slice %arg2[%run_scoped3A, %dma_start3A_55, %dma_start3A_56] : memref<2x10000x32xf32, #tpu.memory_space<hbm>> -> memref<1x10000x32xf32, #tpu.memory_space<hbm>>
        %dma_start3A_58 = tpu.memref_squeeze %dma_start3A_57 : memref<1x10000x32xf32, #tpu.memory_space<hbm>> -> memref<10000x32xf32, #tpu.memory_space<hbm>>
        %dma_start3A_59 = arith.constant 0 : i32
        %dma_start3A_60 = tpu.memref_slice %dma_start3A_58[%mul3A_11, %dma_start3A_59] : memref<10000x32xf32, #tpu.memory_space<hbm>> -> memref<625x32xf32, #tpu.memory_space<hbm>>
        tpu.enqueue_dma source(%dma_start3A_60 : memref<625x32xf32, #tpu.memory_space<hbm>>) target(%dma_start3A_54 : memref<625x32xf32, #tpu.memory_space<vmem_shared>>) target_semaphore(%run_scoped3A_52 : memref<!tpu.dma_semaphore, #tpu.memory_space<semaphore_mem>>)
        %dma_wait3A = arith.constant 0 : i32
        %dma_wait3A_61 = tpu.memref_slice %arg12[%mul3A_13, %dma_wait3A] : memref<10008x32xf32, #tpu.memory_space<vmem_shared>> -> memref<625x32xf32, #tpu.memory_space<vmem_shared>>
        %dma_wait3A_62 = arith.constant 0 : i32
        %dma_wait3A_63 = arith.constant 0 : i32
        %dma_wait3A_64 = tpu.memref_slice %arg2[%run_scoped3A, %dma_wait3A_62, %dma_wait3A_63] : memref<2x10000x32xf32, #tpu.memory_space<hbm>> -> memref<1x10000x32xf32, #tpu.memory_space<hbm>>
        %dma_wait3A_65 = tpu.memref_squeeze %dma_wait3A_64 : memref<1x10000x32xf32, #tpu.memory_space<hbm>> -> memref<10000x32xf32, #tpu.memory_space<hbm>>
        %dma_wait3A_66 = arith.constant 0 : i32
        %dma_wait3A_67 = tpu.memref_slice %dma_wait3A_65[%mul3A_11, %dma_wait3A_66] : memref<10000x32xf32, #tpu.memory_space<hbm>> -> memref<625x32xf32, #tpu.memory_space<hbm>>
        tpu.wait_dma2 semaphore(%run_scoped3A_52 : memref<!tpu.dma_semaphore, #tpu.memory_space<semaphore_mem>>) src(%dma_wait3A_67 : memref<625x32xf32, #tpu.memory_space<hbm>>) dst(%dma_wait3A_61 : memref<625x32xf32, #tpu.memory_space<vmem_shared>>)
        tpu.yield
      }) : () -> ()
      %mul3A_14 = arith.constant 625 : i32
      %mul3A_15 = arith.muli %arg1, %mul3A_14 : i32
      %mul3A_16 = arith.constant 625 : i32
      %mul3A_17 = arith.muli %arg1, %mul3A_16 : i32
      %run_scoped3A_18 = arith.constant 1 : i32
      "tpu.region"() ({
        %run_scoped3A_52 = tpu.sem_alloc : memref<!tpu.dma_semaphore, #tpu.memory_space<semaphore_mem>>
        %dma_start3A_53 = arith.constant 0 : i32
        %dma_start3A_54 = tpu.memref_slice %arg14[%mul3A_17, %dma_start3A_53] : memref<10000x32xf32, #tpu.memory_space<vmem_shared>> -> memref<625x32xf32, #tpu.memory_space<vmem_shared>>
        %dma_start3A_55 = arith.constant 0 : i32
        %dma_start3A_56 = arith.constant 0 : i32
        %dma_start3A_57 = tpu.memref_slice %arg2[%run_scoped3A_18, %dma_start3A_55, %dma_start3A_56] : memref<2x10000x32xf32, #tpu.memory_space<hbm>> -> memref<1x10000x32xf32, #tpu.memory_space<hbm>>
        %dma_start3A_58 = tpu.memref_squeeze %dma_start3A_57 : memref<1x10000x32xf32, #tpu.memory_space<hbm>> -> memref<10000x32xf32, #tpu.memory_space<hbm>>
        %dma_start3A_59 = arith.constant 0 : i32
        %dma_start3A_60 = tpu.memref_slice %dma_start3A_58[%mul3A_15, %dma_start3A_59] : memref<10000x32xf32, #tpu.memory_space<hbm>> -> memref<625x32xf32, #tpu.memory_space<hbm>>
        tpu.enqueue_dma source(%dma_start3A_60 : memref<625x32xf32, #tpu.memory_space<hbm>>) target(%dma_start3A_54 : memref<625x32xf32, #tpu.memory_space<vmem_shared>>) target_semaphore(%run_scoped3A_52 : memref<!tpu.dma_semaphore, #tpu.memory_space<semaphore_mem>>)
        %dma_wait3A = arith.constant 0 : i32
        %dma_wait3A_61 = tpu.memref_slice %arg14[%mul3A_17, %dma_wait3A] : memref<10000x32xf32, #tpu.memory_space<vmem_shared>> -> memref<625x32xf32, #tpu.memory_space<vmem_shared>>
        %dma_wait3A_62 = arith.constant 0 : i32
        %dma_wait3A_63 = arith.constant 0 : i32
        %dma_wait3A_64 = tpu.memref_slice %arg2[%run_scoped3A_18, %dma_wait3A_62, %dma_wait3A_63] : memref<2x10000x32xf32, #tpu.memory_space<hbm>> -> memref<1x10000x32xf32, #tpu.memory_space<hbm>>
        %dma_wait3A_65 = tpu.memref_squeeze %dma_wait3A_64 : memref<1x10000x32xf32, #tpu.memory_space<hbm>> -> memref<10000x32xf32, #tpu.memory_space<hbm>>
        %dma_wait3A_66 = arith.constant 0 : i32
        %dma_wait3A_67 = tpu.memref_slice %dma_wait3A_65[%mul3A_15, %dma_wait3A_66] : memref<10000x32xf32, #tpu.memory_space<hbm>> -> memref<625x32xf32, #tpu.memory_space<hbm>>
        tpu.wait_dma2 semaphore(%run_scoped3A_52 : memref<!tpu.dma_semaphore, #tpu.memory_space<semaphore_mem>>) src(%dma_wait3A_67 : memref<625x32xf32, #tpu.memory_space<hbm>>) dst(%dma_wait3A_61 : memref<625x32xf32, #tpu.memory_space<vmem_shared>>)
        tpu.yield
      }) : () -> ()
      %barrier3A_19 = arith.constant 0 : index
      tpu.barrier barrier_id(%barrier3A_19)
      %dma_start3A = arith.constant 0 : i32
      %dma_start3A_20 = arith.constant 0 : i32
      %dma_start3A_21 = tpu.memref_slice %arg6[%dma_start3A, %dma_start3A_20] : memref<80x256xi32, #tpu.memory_space<vmem>> -> memref<1x256xi32, #tpu.memory_space<vmem>>
      %dma_start3A_22 = tpu.memref_squeeze %dma_start3A_21 : memref<1x256xi32, #tpu.memory_space<vmem>> -> memref<256xi32, #tpu.memory_space<vmem>>
      %dma_start3A_23 = arith.constant 0 : i32
      %dma_start3A_24 = arith.constant 0 : i32
      %dma_start3A_25 = tpu.memref_slice %arg14[%dma_start3A_23, %dma_start3A_24] : memref<10000x32xf32, #tpu.memory_space<vmem_shared>> -> memref<10000x32xf32, #tpu.memory_space<vmem_shared>>
      tpu.enqueue_indirect_dma source(%dma_start3A_25 : memref<10000x32xf32, #tpu.memory_space<vmem_shared>>) target(%arg8 : memref<256x32xf32, #tpu.memory_space<vmem>>) offsets(%dma_start3A_22 : memref<256xi32, #tpu.memory_space<vmem>>) semaphore(%arg13 : memref<!tpu.dma_semaphore, #tpu.memory_space<semaphore_mem>>)
      %dma_start3A_26 = arith.constant 1 : i32
      %dma_start3A_27 = arith.constant 0 : i32
      %dma_start3A_28 = tpu.memref_slice %arg6[%dma_start3A_26, %dma_start3A_27] : memref<80x256xi32, #tpu.memory_space<vmem>> -> memref<1x256xi32, #tpu.memory_space<vmem>>
      %dma_start3A_29 = tpu.memref_squeeze %dma_start3A_28 : memref<1x256xi32, #tpu.memory_space<vmem>> -> memref<256xi32, #tpu.memory_space<vmem>>
      %dma_start3A_30 = arith.constant 0 : i32
      %dma_start3A_31 = arith.constant 0 : i32
      %dma_start3A_32 = tpu.memref_slice %arg14[%dma_start3A_30, %dma_start3A_31] : memref<10000x32xf32, #tpu.memory_space<vmem_shared>> -> memref<10000x32xf32, #tpu.memory_space<vmem_shared>>
      tpu.enqueue_indirect_dma source(%dma_start3A_32 : memref<10000x32xf32, #tpu.memory_space<vmem_shared>>) target(%arg9 : memref<256x32xf32, #tpu.memory_space<vmem>>) offsets(%dma_start3A_29 : memref<256xi32, #tpu.memory_space<vmem>>) semaphore(%arg13 : memref<!tpu.dma_semaphore, #tpu.memory_space<semaphore_mem>>)
      %dma_start3A_33 = arith.constant 2 : i32
      %dma_start3A_34 = arith.constant 0 : i32
      %dma_start3A_35 = tpu.memref_slice %arg6[%dma_start3A_33, %dma_start3A_34] : memref<80x256xi32, #tpu.memory_space<vmem>> -> memref<1x256xi32, #tpu.memory_space<vmem>>
      %dma_start3A_36 = tpu.memref_squeeze %dma_start3A_35 : memref<1x256xi32, #tpu.memory_space<vmem>> -> memref<256xi32, #tpu.memory_space<vmem>>
      %dma_start3A_37 = arith.constant 0 : i32
      %dma_start3A_38 = arith.constant 0 : i32
      %dma_start3A_39 = tpu.memref_slice %arg14[%dma_start3A_37, %dma_start3A_38] : memref<10000x32xf32, #tpu.memory_space<vmem_shared>> -> memref<10000x32xf32, #tpu.memory_space<vmem_shared>>
      tpu.enqueue_indirect_dma source(%dma_start3A_39 : memref<10000x32xf32, #tpu.memory_space<vmem_shared>>) target(%arg10 : memref<256x32xf32, #tpu.memory_space<vmem>>) offsets(%dma_start3A_36 : memref<256xi32, #tpu.memory_space<vmem>>) semaphore(%arg13 : memref<!tpu.dma_semaphore, #tpu.memory_space<semaphore_mem>>)
      %dma_start3A_40 = arith.constant 3 : i32
      %dma_start3A_41 = arith.constant 0 : i32
      %dma_start3A_42 = tpu.memref_slice %arg6[%dma_start3A_40, %dma_start3A_41] : memref<80x256xi32, #tpu.memory_space<vmem>> -> memref<1x256xi32, #tpu.memory_space<vmem>>
      %dma_start3A_43 = tpu.memref_squeeze %dma_start3A_42 : memref<1x256xi32, #tpu.memory_space<vmem>> -> memref<256xi32, #tpu.memory_space<vmem>>
      %dma_start3A_44 = arith.constant 0 : i32
      %dma_start3A_45 = arith.constant 0 : i32
      %dma_start3A_46 = tpu.memref_slice %arg14[%dma_start3A_44, %dma_start3A_45] : memref<10000x32xf32, #tpu.memory_space<vmem_shared>> -> memref<10000x32xf32, #tpu.memory_space<vmem_shared>>
      tpu.enqueue_indirect_dma source(%dma_start3A_46 : memref<10000x32xf32, #tpu.memory_space<vmem_shared>>) target(%arg11 : memref<256x32xf32, #tpu.memory_space<vmem>>) offsets(%dma_start3A_43 : memref<256xi32, #tpu.memory_space<vmem>>) semaphore(%arg13 : memref<!tpu.dma_semaphore, #tpu.memory_space<semaphore_mem>>)
      %scan3A = arith.constant 0 : i32
      %scan3A_47 = arith.constant 0 : i32
      %scan3A_48 = arith.constant 20 : i32
      %scan3A_49 = arith.addi %scan3A_47, %scan3A_48 : i32
      %scan3A_50 = arith.constant 1 : i32
      scf.for %scan3A_52 = %scan3A_47 to %scan3A_49 step %scan3A_50  : i32 {
        %mul3A_53 = arith.constant 4 : i32
        %mul3A_54 = arith.muli %scan3A_52, %mul3A_53 : i32
        %add3A = arith.constant 0 : i32
        %add3A_55 = arith.addi %mul3A_54, %add3A : i32
        %dma_wait3A = arith.constant 0 : i32
        %dma_wait3A_56 = tpu.memref_slice %arg6[%add3A_55, %dma_wait3A] : memref<80x256xi32, #tpu.memory_space<vmem>> -> memref<1x256xi32, #tpu.memory_space<vmem>>
        %dma_wait3A_57 = tpu.memref_squeeze %dma_wait3A_56 : memref<1x256xi32, #tpu.memory_space<vmem>> -> memref<256xi32, #tpu.memory_space<vmem>>
        %dma_wait3A_58 = arith.constant 0 : i32
        %dma_wait3A_59 = arith.constant 0 : i32
        %dma_wait3A_60 = tpu.memref_slice %arg14[%dma_wait3A_58, %dma_wait3A_59] : memref<10000x32xf32, #tpu.memory_space<vmem_shared>> -> memref<10000x32xf32, #tpu.memory_space<vmem_shared>>
        tpu.wait_indirect_dma semaphore(%arg13 : memref<!tpu.dma_semaphore, #tpu.memory_space<semaphore_mem>>) src(%dma_wait3A_60 : memref<10000x32xf32, #tpu.memory_space<vmem_shared>>) dst(%arg8 : memref<256x32xf32, #tpu.memory_space<vmem>>)
        "tpu.region"() ({
          %run_scoped3A_118 = tpu.sem_alloc : memref<!tpu.dma_semaphore, #tpu.memory_space<semaphore_mem>>
          %dma_start3A_119 = arith.constant 0 : i32
          %dma_start3A_120 = tpu.memref_slice %arg7[%add3A_55, %dma_start3A_119] : memref<80x256xi32, #tpu.memory_space<vmem>> -> memref<1x256xi32, #tpu.memory_space<vmem>>
          %dma_start3A_121 = tpu.memref_squeeze %dma_start3A_120 : memref<1x256xi32, #tpu.memory_space<vmem>> -> memref<256xi32, #tpu.memory_space<vmem>>
          %dma_start3A_122 = arith.constant 0 : i32
          %dma_start3A_123 = arith.constant 0 : i32
          %dma_start3A_124 = tpu.memref_slice %arg12[%dma_start3A_122, %dma_start3A_123] : memref<10008x32xf32, #tpu.memory_space<vmem_shared>> -> memref<10008x32xf32, #tpu.memory_space<vmem_shared>>
          tpu.enqueue_indirect_dma source(%arg8 : memref<256x32xf32, #tpu.memory_space<vmem>>) target(%dma_start3A_124 : memref<10008x32xf32, #tpu.memory_space<vmem_shared>>) offsets(%dma_start3A_121 : memref<256xi32, #tpu.memory_space<vmem>>) semaphore(%run_scoped3A_118 : memref<!tpu.dma_semaphore, #tpu.memory_space<semaphore_mem>>) {add = true}
          %dma_wait3A_125 = arith.constant 0 : i32
          %dma_wait3A_126 = tpu.memref_slice %arg7[%add3A_55, %dma_wait3A_125] : memref<80x256xi32, #tpu.memory_space<vmem>> -> memref<1x256xi32, #tpu.memory_space<vmem>>
          %dma_wait3A_127 = tpu.memref_squeeze %dma_wait3A_126 : memref<1x256xi32, #tpu.memory_space<vmem>> -> memref<256xi32, #tpu.memory_space<vmem>>
          %dma_wait3A_128 = arith.constant 0 : i32
          %dma_wait3A_129 = arith.constant 0 : i32
          %dma_wait3A_130 = tpu.memref_slice %arg12[%dma_wait3A_128, %dma_wait3A_129] : memref<10008x32xf32, #tpu.memory_space<vmem_shared>> -> memref<10008x32xf32, #tpu.memory_space<vmem_shared>>
          tpu.wait_indirect_dma semaphore(%run_scoped3A_118 : memref<!tpu.dma_semaphore, #tpu.memory_space<semaphore_mem>>) src(%arg8 : memref<256x32xf32, #tpu.memory_space<vmem>>) dst(%dma_wait3A_130 : memref<10008x32xf32, #tpu.memory_space<vmem_shared>>)
          tpu.yield
        }) : () -> ()
        %add3A_61 = arith.constant 4 : i32
        %add3A_62 = arith.addi %add3A_55, %add3A_61 : i32
        %lt3A = arith.constant 80 : i32
        %lt3A_63 = arith.cmpi slt, %add3A_62, %lt3A : i32
        %convert_element_type3A_64 = arith.extui %lt3A_63 : i1 to i32
        %cond3A_65 = arith.constant 0 : i32
        %cond3A_66 = arith.cmpi ne, %convert_element_type3A_64, %cond3A_65 : i32
        scf.if %cond3A_66 {
          %add3A_118 = arith.constant 4 : i32
          %add3A_119 = arith.addi %add3A_55, %add3A_118 : i32
          %dma_start3A_120 = arith.constant 0 : i32
          %dma_start3A_121 = tpu.memref_slice %arg6[%add3A_119, %dma_start3A_120] : memref<80x256xi32, #tpu.memory_space<vmem>> -> memref<1x256xi32, #tpu.memory_space<vmem>>
          %dma_start3A_122 = tpu.memref_squeeze %dma_start3A_121 : memref<1x256xi32, #tpu.memory_space<vmem>> -> memref<256xi32, #tpu.memory_space<vmem>>
          %dma_start3A_123 = arith.constant 0 : i32
          %dma_start3A_124 = arith.constant 0 : i32
          %dma_start3A_125 = tpu.memref_slice %arg14[%dma_start3A_123, %dma_start3A_124] : memref<10000x32xf32, #tpu.memory_space<vmem_shared>> -> memref<10000x32xf32, #tpu.memory_space<vmem_shared>>
          tpu.enqueue_indirect_dma source(%dma_start3A_125 : memref<10000x32xf32, #tpu.memory_space<vmem_shared>>) target(%arg8 : memref<256x32xf32, #tpu.memory_space<vmem>>) offsets(%dma_start3A_122 : memref<256xi32, #tpu.memory_space<vmem>>) semaphore(%arg13 : memref<!tpu.dma_semaphore, #tpu.memory_space<semaphore_mem>>)
        } else {
        }
        %mul3A_67 = arith.constant 4 : i32
        %mul3A_68 = arith.muli %scan3A_52, %mul3A_67 : i32
        %add3A_69 = arith.constant 1 : i32
        %add3A_70 = arith.addi %mul3A_68, %add3A_69 : i32
        %dma_wait3A_71 = arith.constant 0 : i32
        %dma_wait3A_72 = tpu.memref_slice %arg6[%add3A_70, %dma_wait3A_71] : memref<80x256xi32, #tpu.memory_space<vmem>> -> memref<1x256xi32, #tpu.memory_space<vmem>>
        %dma_wait3A_73 = tpu.memref_squeeze %dma_wait3A_72 : memref<1x256xi32, #tpu.memory_space<vmem>> -> memref<256xi32, #tpu.memory_space<vmem>>
        %dma_wait3A_74 = arith.constant 0 : i32
        %dma_wait3A_75 = arith.constant 0 : i32
        %dma_wait3A_76 = tpu.memref_slice %arg14[%dma_wait3A_74, %dma_wait3A_75] : memref<10000x32xf32, #tpu.memory_space<vmem_shared>> -> memref<10000x32xf32, #tpu.memory_space<vmem_shared>>
        tpu.wait_indirect_dma semaphore(%arg13 : memref<!tpu.dma_semaphore, #tpu.memory_space<semaphore_mem>>) src(%dma_wait3A_76 : memref<10000x32xf32, #tpu.memory_space<vmem_shared>>) dst(%arg9 : memref<256x32xf32, #tpu.memory_space<vmem>>)
        "tpu.region"() ({
          %run_scoped3A_118 = tpu.sem_alloc : memref<!tpu.dma_semaphore, #tpu.memory_space<semaphore_mem>>
          %dma_start3A_119 = arith.constant 0 : i32
          %dma_start3A_120 = tpu.memref_slice %arg7[%add3A_70, %dma_start3A_119] : memref<80x256xi32, #tpu.memory_space<vmem>> -> memref<1x256xi32, #tpu.memory_space<vmem>>
          %dma_start3A_121 = tpu.memref_squeeze %dma_start3A_120 : memref<1x256xi32, #tpu.memory_space<vmem>> -> memref<256xi32, #tpu.memory_space<vmem>>
          %dma_start3A_122 = arith.constant 0 : i32
          %dma_start3A_123 = arith.constant 0 : i32
          %dma_start3A_124 = tpu.memref_slice %arg12[%dma_start3A_122, %dma_start3A_123] : memref<10008x32xf32, #tpu.memory_space<vmem_shared>> -> memref<10008x32xf32, #tpu.memory_space<vmem_shared>>
          tpu.enqueue_indirect_dma source(%arg9 : memref<256x32xf32, #tpu.memory_space<vmem>>) target(%dma_start3A_124 : memref<10008x32xf32, #tpu.memory_space<vmem_shared>>) offsets(%dma_start3A_121 : memref<256xi32, #tpu.memory_space<vmem>>) semaphore(%run_scoped3A_118 : memref<!tpu.dma_semaphore, #tpu.memory_space<semaphore_mem>>) {add = true}
          %dma_wait3A_125 = arith.constant 0 : i32
          %dma_wait3A_126 = tpu.memref_slice %arg7[%add3A_70, %dma_wait3A_125] : memref<80x256xi32, #tpu.memory_space<vmem>> -> memref<1x256xi32, #tpu.memory_space<vmem>>
          %dma_wait3A_127 = tpu.memref_squeeze %dma_wait3A_126 : memref<1x256xi32, #tpu.memory_space<vmem>> -> memref<256xi32, #tpu.memory_space<vmem>>
          %dma_wait3A_128 = arith.constant 0 : i32
          %dma_wait3A_129 = arith.constant 0 : i32
          %dma_wait3A_130 = tpu.memref_slice %arg12[%dma_wait3A_128, %dma_wait3A_129] : memref<10008x32xf32, #tpu.memory_space<vmem_shared>> -> memref<10008x32xf32, #tpu.memory_space<vmem_shared>>
          tpu.wait_indirect_dma semaphore(%run_scoped3A_118 : memref<!tpu.dma_semaphore, #tpu.memory_space<semaphore_mem>>) src(%arg9 : memref<256x32xf32, #tpu.memory_space<vmem>>) dst(%dma_wait3A_130 : memref<10008x32xf32, #tpu.memory_space<vmem_shared>>)
          tpu.yield
        }) : () -> ()
        %add3A_77 = arith.constant 4 : i32
        %add3A_78 = arith.addi %add3A_70, %add3A_77 : i32
        %lt3A_79 = arith.constant 80 : i32
        %lt3A_80 = arith.cmpi slt, %add3A_78, %lt3A_79 : i32
        %convert_element_type3A_81 = arith.extui %lt3A_80 : i1 to i32
        %cond3A_82 = arith.constant 0 : i32
        %cond3A_83 = arith.cmpi ne, %convert_element_type3A_81, %cond3A_82 : i32
        scf.if %cond3A_83 {
          %add3A_118 = arith.constant 4 : i32
          %add3A_119 = arith.addi %add3A_70, %add3A_118 : i32
          %dma_start3A_120 = arith.constant 0 : i32
          %dma_start3A_121 = tpu.memref_slice %arg6[%add3A_119, %dma_start3A_120] : memref<80x256xi32, #tpu.memory_space<vmem>> -> memref<1x256xi32, #tpu.memory_space<vmem>>
          %dma_start3A_122 = tpu.memref_squeeze %dma_start3A_121 : memref<1x256xi32, #tpu.memory_space<vmem>> -> memref<256xi32, #tpu.memory_space<vmem>>
          %dma_start3A_123 = arith.constant 0 : i32
          %dma_start3A_124 = arith.constant 0 : i32
          %dma_start3A_125 = tpu.memref_slice %arg14[%dma_start3A_123, %dma_start3A_124] : memref<10000x32xf32, #tpu.memory_space<vmem_shared>> -> memref<10000x32xf32, #tpu.memory_space<vmem_shared>>
          tpu.enqueue_indirect_dma source(%dma_start3A_125 : memref<10000x32xf32, #tpu.memory_space<vmem_shared>>) target(%arg9 : memref<256x32xf32, #tpu.memory_space<vmem>>) offsets(%dma_start3A_122 : memref<256xi32, #tpu.memory_space<vmem>>) semaphore(%arg13 : memref<!tpu.dma_semaphore, #tpu.memory_space<semaphore_mem>>)
        } else {
        }
        %mul3A_84 = arith.constant 4 : i32
        %mul3A_85 = arith.muli %scan3A_52, %mul3A_84 : i32
        %add3A_86 = arith.constant 2 : i32
        %add3A_87 = arith.addi %mul3A_85, %add3A_86 : i32
        %dma_wait3A_88 = arith.constant 0 : i32
        %dma_wait3A_89 = tpu.memref_slice %arg6[%add3A_87, %dma_wait3A_88] : memref<80x256xi32, #tpu.memory_space<vmem>> -> memref<1x256xi32, #tpu.memory_space<vmem>>
        %dma_wait3A_90 = tpu.memref_squeeze %dma_wait3A_89 : memref<1x256xi32, #tpu.memory_space<vmem>> -> memref<256xi32, #tpu.memory_space<vmem>>
        %dma_wait3A_91 = arith.constant 0 : i32
        %dma_wait3A_92 = arith.constant 0 : i32
        %dma_wait3A_93 = tpu.memref_slice %arg14[%dma_wait3A_91, %dma_wait3A_92] : memref<10000x32xf32, #tpu.memory_space<vmem_shared>> -> memref<10000x32xf32, #tpu.memory_space<vmem_shared>>
        tpu.wait_indirect_dma semaphore(%arg13 : memref<!tpu.dma_semaphore, #tpu.memory_space<semaphore_mem>>) src(%dma_wait3A_93 : memref<10000x32xf32, #tpu.memory_space<vmem_shared>>) dst(%arg10 : memref<256x32xf32, #tpu.memory_space<vmem>>)
        "tpu.region"() ({
          %run_scoped3A_118 = tpu.sem_alloc : memref<!tpu.dma_semaphore, #tpu.memory_space<semaphore_mem>>
          %dma_start3A_119 = arith.constant 0 : i32
          %dma_start3A_120 = tpu.memref_slice %arg7[%add3A_87, %dma_start3A_119] : memref<80x256xi32, #tpu.memory_space<vmem>> -> memref<1x256xi32, #tpu.memory_space<vmem>>
          %dma_start3A_121 = tpu.memref_squeeze %dma_start3A_120 : memref<1x256xi32, #tpu.memory_space<vmem>> -> memref<256xi32, #tpu.memory_space<vmem>>
          %dma_start3A_122 = arith.constant 0 : i32
          %dma_start3A_123 = arith.constant 0 : i32
          %dma_start3A_124 = tpu.memref_slice %arg12[%dma_start3A_122, %dma_start3A_123] : memref<10008x32xf32, #tpu.memory_space<vmem_shared>> -> memref<10008x32xf32, #tpu.memory_space<vmem_shared>>
          tpu.enqueue_indirect_dma source(%arg10 : memref<256x32xf32, #tpu.memory_space<vmem>>) target(%dma_start3A_124 : memref<10008x32xf32, #tpu.memory_space<vmem_shared>>) offsets(%dma_start3A_121 : memref<256xi32, #tpu.memory_space<vmem>>) semaphore(%run_scoped3A_118 : memref<!tpu.dma_semaphore, #tpu.memory_space<semaphore_mem>>) {add = true}
          %dma_wait3A_125 = arith.constant 0 : i32
          %dma_wait3A_126 = tpu.memref_slice %arg7[%add3A_87, %dma_wait3A_125] : memref<80x256xi32, #tpu.memory_space<vmem>> -> memref<1x256xi32, #tpu.memory_space<vmem>>
          %dma_wait3A_127 = tpu.memref_squeeze %dma_wait3A_126 : memref<1x256xi32, #tpu.memory_space<vmem>> -> memref<256xi32, #tpu.memory_space<vmem>>
          %dma_wait3A_128 = arith.constant 0 : i32
          %dma_wait3A_129 = arith.constant 0 : i32
          %dma_wait3A_130 = tpu.memref_slice %arg12[%dma_wait3A_128, %dma_wait3A_129] : memref<10008x32xf32, #tpu.memory_space<vmem_shared>> -> memref<10008x32xf32, #tpu.memory_space<vmem_shared>>
          tpu.wait_indirect_dma semaphore(%run_scoped3A_118 : memref<!tpu.dma_semaphore, #tpu.memory_space<semaphore_mem>>) src(%arg10 : memref<256x32xf32, #tpu.memory_space<vmem>>) dst(%dma_wait3A_130 : memref<10008x32xf32, #tpu.memory_space<vmem_shared>>)
          tpu.yield
        }) : () -> ()
        %add3A_94 = arith.constant 4 : i32
        %add3A_95 = arith.addi %add3A_87, %add3A_94 : i32
        %lt3A_96 = arith.constant 80 : i32
        %lt3A_97 = arith.cmpi slt, %add3A_95, %lt3A_96 : i32
        %convert_element_type3A_98 = arith.extui %lt3A_97 : i1 to i32
        %cond3A_99 = arith.constant 0 : i32
        %cond3A_100 = arith.cmpi ne, %convert_element_type3A_98, %cond3A_99 : i32
        scf.if %cond3A_100 {
          %add3A_118 = arith.constant 4 : i32
          %add3A_119 = arith.addi %add3A_87, %add3A_118 : i32
          %dma_start3A_120 = arith.constant 0 : i32
          %dma_start3A_121 = tpu.memref_slice %arg6[%add3A_119, %dma_start3A_120] : memref<80x256xi32, #tpu.memory_space<vmem>> -> memref<1x256xi32, #tpu.memory_space<vmem>>
          %dma_start3A_122 = tpu.memref_squeeze %dma_start3A_121 : memref<1x256xi32, #tpu.memory_space<vmem>> -> memref<256xi32, #tpu.memory_space<vmem>>
          %dma_start3A_123 = arith.constant 0 : i32
          %dma_start3A_124 = arith.constant 0 : i32
          %dma_start3A_125 = tpu.memref_slice %arg14[%dma_start3A_123, %dma_start3A_124] : memref<10000x32xf32, #tpu.memory_space<vmem_shared>> -> memref<10000x32xf32, #tpu.memory_space<vmem_shared>>
          tpu.enqueue_indirect_dma source(%dma_start3A_125 : memref<10000x32xf32, #tpu.memory_space<vmem_shared>>) target(%arg10 : memref<256x32xf32, #tpu.memory_space<vmem>>) offsets(%dma_start3A_122 : memref<256xi32, #tpu.memory_space<vmem>>) semaphore(%arg13 : memref<!tpu.dma_semaphore, #tpu.memory_space<semaphore_mem>>)
        } else {
        }
        %mul3A_101 = arith.constant 4 : i32
        %mul3A_102 = arith.muli %scan3A_52, %mul3A_101 : i32
        %add3A_103 = arith.constant 3 : i32
        %add3A_104 = arith.addi %mul3A_102, %add3A_103 : i32
        %dma_wait3A_105 = arith.constant 0 : i32
        %dma_wait3A_106 = tpu.memref_slice %arg6[%add3A_104, %dma_wait3A_105] : memref<80x256xi32, #tpu.memory_space<vmem>> -> memref<1x256xi32, #tpu.memory_space<vmem>>
        %dma_wait3A_107 = tpu.memref_squeeze %dma_wait3A_106 : memref<1x256xi32, #tpu.memory_space<vmem>> -> memref<256xi32, #tpu.memory_space<vmem>>
        %dma_wait3A_108 = arith.constant 0 : i32
        %dma_wait3A_109 = arith.constant 0 : i32
        %dma_wait3A_110 = tpu.memref_slice %arg14[%dma_wait3A_108, %dma_wait3A_109] : memref<10000x32xf32, #tpu.memory_space<vmem_shared>> -> memref<10000x32xf32, #tpu.memory_space<vmem_shared>>
        tpu.wait_indirect_dma semaphore(%arg13 : memref<!tpu.dma_semaphore, #tpu.memory_space<semaphore_mem>>) src(%dma_wait3A_110 : memref<10000x32xf32, #tpu.memory_space<vmem_shared>>) dst(%arg11 : memref<256x32xf32, #tpu.memory_space<vmem>>)
        "tpu.region"() ({
          %run_scoped3A_118 = tpu.sem_alloc : memref<!tpu.dma_semaphore, #tpu.memory_space<semaphore_mem>>
          %dma_start3A_119 = arith.constant 0 : i32
          %dma_start3A_120 = tpu.memref_slice %arg7[%add3A_104, %dma_start3A_119] : memref<80x256xi32, #tpu.memory_space<vmem>> -> memref<1x256xi32, #tpu.memory_space<vmem>>
          %dma_start3A_121 = tpu.memref_squeeze %dma_start3A_120 : memref<1x256xi32, #tpu.memory_space<vmem>> -> memref<256xi32, #tpu.memory_space<vmem>>
          %dma_start3A_122 = arith.constant 0 : i32
          %dma_start3A_123 = arith.constant 0 : i32
          %dma_start3A_124 = tpu.memref_slice %arg12[%dma_start3A_122, %dma_start3A_123] : memref<10008x32xf32, #tpu.memory_space<vmem_shared>> -> memref<10008x32xf32, #tpu.memory_space<vmem_shared>>
          tpu.enqueue_indirect_dma source(%arg11 : memref<256x32xf32, #tpu.memory_space<vmem>>) target(%dma_start3A_124 : memref<10008x32xf32, #tpu.memory_space<vmem_shared>>) offsets(%dma_start3A_121 : memref<256xi32, #tpu.memory_space<vmem>>) semaphore(%run_scoped3A_118 : memref<!tpu.dma_semaphore, #tpu.memory_space<semaphore_mem>>) {add = true}
          %dma_wait3A_125 = arith.constant 0 : i32
          %dma_wait3A_126 = tpu.memref_slice %arg7[%add3A_104, %dma_wait3A_125] : memref<80x256xi32, #tpu.memory_space<vmem>> -> memref<1x256xi32, #tpu.memory_space<vmem>>
          %dma_wait3A_127 = tpu.memref_squeeze %dma_wait3A_126 : memref<1x256xi32, #tpu.memory_space<vmem>> -> memref<256xi32, #tpu.memory_space<vmem>>
          %dma_wait3A_128 = arith.constant 0 : i32
          %dma_wait3A_129 = arith.constant 0 : i32
          %dma_wait3A_130 = tpu.memref_slice %arg12[%dma_wait3A_128, %dma_wait3A_129] : memref<10008x32xf32, #tpu.memory_space<vmem_shared>> -> memref<10008x32xf32, #tpu.memory_space<vmem_shared>>
          tpu.wait_indirect_dma semaphore(%run_scoped3A_118 : memref<!tpu.dma_semaphore, #tpu.memory_space<semaphore_mem>>) src(%arg11 : memref<256x32xf32, #tpu.memory_space<vmem>>) dst(%dma_wait3A_130 : memref<10008x32xf32, #tpu.memory_space<vmem_shared>>)
          tpu.yield
        }) : () -> ()
        %add3A_111 = arith.constant 4 : i32
        %add3A_112 = arith.addi %add3A_104, %add3A_111 : i32
        %lt3A_113 = arith.constant 80 : i32
        %lt3A_114 = arith.cmpi slt, %add3A_112, %lt3A_113 : i32
        %convert_element_type3A_115 = arith.extui %lt3A_114 : i1 to i32
        %cond3A_116 = arith.constant 0 : i32
        %cond3A_117 = arith.cmpi ne, %convert_element_type3A_115, %cond3A_116 : i32
        scf.if %cond3A_117 {
          %add3A_118 = arith.constant 4 : i32
          %add3A_119 = arith.addi %add3A_104, %add3A_118 : i32
          %dma_start3A_120 = arith.constant 0 : i32
          %dma_start3A_121 = tpu.memref_slice %arg6[%add3A_119, %dma_start3A_120] : memref<80x256xi32, #tpu.memory_space<vmem>> -> memref<1x256xi32, #tpu.memory_space<vmem>>
          %dma_start3A_122 = tpu.memref_squeeze %dma_start3A_121 : memref<1x256xi32, #tpu.memory_space<vmem>> -> memref<256xi32, #tpu.memory_space<vmem>>
          %dma_start3A_123 = arith.constant 0 : i32
          %dma_start3A_124 = arith.constant 0 : i32
          %dma_start3A_125 = tpu.memref_slice %arg14[%dma_start3A_123, %dma_start3A_124] : memref<10000x32xf32, #tpu.memory_space<vmem_shared>> -> memref<10000x32xf32, #tpu.memory_space<vmem_shared>>
          tpu.enqueue_indirect_dma source(%dma_start3A_125 : memref<10000x32xf32, #tpu.memory_space<vmem_shared>>) target(%arg11 : memref<256x32xf32, #tpu.memory_space<vmem>>) offsets(%dma_start3A_122 : memref<256xi32, #tpu.memory_space<vmem>>) semaphore(%arg13 : memref<!tpu.dma_semaphore, #tpu.memory_space<semaphore_mem>>)
        } else {
        }
      }
      %scan3A_51 = arith.constant 20 : i32
    } else {
    }
    %barrier3A = arith.constant 0 : index
    tpu.barrier barrier_id(%barrier3A)
    %mul3A = arith.constant 625 : i32
    %mul3A_7 = arith.muli %arg1, %mul3A : i32
    %mul3A_8 = arith.constant 625 : i32
    %mul3A_9 = arith.muli %arg1, %mul3A_8 : i32
    "tpu.region"() ({
      %run_scoped3A = tpu.sem_alloc : memref<!tpu.dma_semaphore, #tpu.memory_space<semaphore_mem>>
      %dma_start3A = arith.constant 0 : i32
      %dma_start3A_10 = tpu.memref_slice %arg5[%arg0, %mul3A_9, %dma_start3A] : memref<2x10000x32xf32, #tpu.memory_space<hbm>> -> memref<1x625x32xf32, #tpu.memory_space<hbm>>
      %dma_start3A_11 = tpu.memref_squeeze %dma_start3A_10 : memref<1x625x32xf32, #tpu.memory_space<hbm>> -> memref<625x32xf32, #tpu.memory_space<hbm>>
      %dma_start3A_12 = arith.constant 0 : i32
      %dma_start3A_13 = tpu.memref_slice %arg12[%mul3A_7, %dma_start3A_12] : memref<10008x32xf32, #tpu.memory_space<vmem_shared>> -> memref<625x32xf32, #tpu.memory_space<vmem_shared>>
      tpu.enqueue_dma source(%dma_start3A_13 : memref<625x32xf32, #tpu.memory_space<vmem_shared>>) target(%dma_start3A_11 : memref<625x32xf32, #tpu.memory_space<hbm>>) target_semaphore(%run_scoped3A : memref<!tpu.dma_semaphore, #tpu.memory_space<semaphore_mem>>)
      %dma_wait3A = arith.constant 0 : i32
      %dma_wait3A_14 = tpu.memref_slice %arg5[%arg0, %mul3A_9, %dma_wait3A] : memref<2x10000x32xf32, #tpu.memory_space<hbm>> -> memref<1x625x32xf32, #tpu.memory_space<hbm>>
      %dma_wait3A_15 = tpu.memref_squeeze %dma_wait3A_14 : memref<1x625x32xf32, #tpu.memory_space<hbm>> -> memref<625x32xf32, #tpu.memory_space<hbm>>
      %dma_wait3A_16 = arith.constant 0 : i32
      %dma_wait3A_17 = tpu.memref_slice %arg12[%mul3A_7, %dma_wait3A_16] : memref<10008x32xf32, #tpu.memory_space<vmem_shared>> -> memref<625x32xf32, #tpu.memory_space<vmem_shared>>
      tpu.wait_dma2 semaphore(%run_scoped3A : memref<!tpu.dma_semaphore, #tpu.memory_space<semaphore_mem>>) src(%dma_wait3A_17 : memref<625x32xf32, #tpu.memory_space<vmem_shared>>) dst(%dma_wait3A_15 : memref<625x32xf32, #tpu.memory_space<hbm>>)
      tpu.yield
    }) : () -> ()
    return
  }
}

#map = affine_map<(d0, d1) -> (0, 0, 0)>
#map1 = affine_map<(d0, d1) -> (0, 0)>
module attributes {stable_mosaic.version = 14 : i64} {
  func.func @_sc_degree(%arg0: i32, %arg1: i32, %arg2: memref<32x80x128xi32, #tpu.memory_space<hbm>>, %arg3: memref<128x16xf32, #tpu.memory_space<hbm>>, %arg4: memref<10000x16xf32, #tpu.memory_space<hbm>>, %arg5: memref<2x10000x16xf32, #tpu.memory_space<hbm>>, %arg6: memref<80x128xi32, #tpu.memory_space<vmem>>, %arg7: memref<128x16xf32, #tpu.memory_space<vmem>>, %arg8: memref<10008x16xf32, #tpu.memory_space<vmem_shared>>) attributes {dimension_semantics = [#tpu.dimension_semantics<core_parallel>, #tpu.dimension_semantics<subcore_parallel>], iteration_bounds = array<i64: 2, 16>, scalar_prefetch = 0 : i64, scratch_operands = 3 : i64, tpu.core_type = #tpu.core_type<sc_vector_subcore>, window_params = [{transform_indices = #map}, {transform_indices = #map1}, {transform_indices = #map1}, {transform_indices = #map}]} {
    %mul3A = arith.constant 2 : i32
    %mul3A_0 = arith.muli %arg1, %mul3A : i32
    %add3A = arith.addi %mul3A_0, %arg0 : i32
    %mul3A_1 = arith.constant 625 : i32
    %mul3A_2 = arith.muli %arg1, %mul3A_1 : i32
    %mul3A_3 = arith.constant 625 : i32
    %mul3A_4 = arith.muli %arg1, %mul3A_3 : i32
    "tpu.region"() ({
      %run_scoped3A = tpu.sem_alloc : memref<!tpu.dma_semaphore, #tpu.memory_space<semaphore_mem>>
      %dma_start3A = arith.constant 0 : i32
      %dma_start3A_15 = tpu.memref_slice %arg8[%mul3A_4, %dma_start3A] : memref<10008x16xf32, #tpu.memory_space<vmem_shared>> -> memref<625x16xf32, #tpu.memory_space<vmem_shared>>
      %dma_start3A_16 = arith.constant 0 : i32
      %dma_start3A_17 = tpu.memref_slice %arg4[%mul3A_2, %dma_start3A_16] : memref<10000x16xf32, #tpu.memory_space<hbm>> -> memref<625x16xf32, #tpu.memory_space<hbm>>
      tpu.enqueue_dma source(%dma_start3A_17 : memref<625x16xf32, #tpu.memory_space<hbm>>) target(%dma_start3A_15 : memref<625x16xf32, #tpu.memory_space<vmem_shared>>) target_semaphore(%run_scoped3A : memref<!tpu.dma_semaphore, #tpu.memory_space<semaphore_mem>>)
      %dma_wait3A = arith.constant 0 : i32
      %dma_wait3A_18 = tpu.memref_slice %arg8[%mul3A_4, %dma_wait3A] : memref<10008x16xf32, #tpu.memory_space<vmem_shared>> -> memref<625x16xf32, #tpu.memory_space<vmem_shared>>
      %dma_wait3A_19 = arith.constant 0 : i32
      %dma_wait3A_20 = tpu.memref_slice %arg4[%mul3A_2, %dma_wait3A_19] : memref<10000x16xf32, #tpu.memory_space<hbm>> -> memref<625x16xf32, #tpu.memory_space<hbm>>
      tpu.wait_dma2 semaphore(%run_scoped3A : memref<!tpu.dma_semaphore, #tpu.memory_space<semaphore_mem>>) src(%dma_wait3A_20 : memref<625x16xf32, #tpu.memory_space<hbm>>) dst(%dma_wait3A_18 : memref<625x16xf32, #tpu.memory_space<vmem_shared>>)
      tpu.yield
    }) : () -> ()
    "tpu.region"() ({
      %run_scoped3A = tpu.sem_alloc : memref<!tpu.dma_semaphore, #tpu.memory_space<semaphore_mem>>
      %dma_start3A = arith.constant 0 : i32
      %dma_start3A_15 = arith.constant 0 : i32
      %dma_start3A_16 = tpu.memref_slice %arg2[%add3A, %dma_start3A, %dma_start3A_15] : memref<32x80x128xi32, #tpu.memory_space<hbm>> -> memref<1x80x128xi32, #tpu.memory_space<hbm>>
      %dma_start3A_17 = tpu.memref_squeeze %dma_start3A_16 : memref<1x80x128xi32, #tpu.memory_space<hbm>> -> memref<80x128xi32, #tpu.memory_space<hbm>>
      %dma_start3A_18 = arith.constant 0 : i32
      %dma_start3A_19 = arith.constant 0 : i32
      %dma_start3A_20 = tpu.memref_slice %arg2[%add3A, %dma_start3A_18, %dma_start3A_19] : memref<32x80x128xi32, #tpu.memory_space<hbm>> -> memref<1x80x128xi32, #tpu.memory_space<hbm>>
      %dma_start3A_21 = tpu.memref_squeeze %dma_start3A_20 : memref<1x80x128xi32, #tpu.memory_space<hbm>> -> memref<80x128xi32, #tpu.memory_space<hbm>>
      tpu.enqueue_dma source(%dma_start3A_21 : memref<80x128xi32, #tpu.memory_space<hbm>>) target(%arg6 : memref<80x128xi32, #tpu.memory_space<vmem>>) target_semaphore(%run_scoped3A : memref<!tpu.dma_semaphore, #tpu.memory_space<semaphore_mem>>)
      %dma_wait3A = arith.constant 0 : i32
      %dma_wait3A_22 = arith.constant 0 : i32
      %dma_wait3A_23 = tpu.memref_slice %arg2[%add3A, %dma_wait3A, %dma_wait3A_22] : memref<32x80x128xi32, #tpu.memory_space<hbm>> -> memref<1x80x128xi32, #tpu.memory_space<hbm>>
      %dma_wait3A_24 = tpu.memref_squeeze %dma_wait3A_23 : memref<1x80x128xi32, #tpu.memory_space<hbm>> -> memref<80x128xi32, #tpu.memory_space<hbm>>
      %dma_wait3A_25 = arith.constant 0 : i32
      %dma_wait3A_26 = arith.constant 0 : i32
      %dma_wait3A_27 = tpu.memref_slice %arg2[%add3A, %dma_wait3A_25, %dma_wait3A_26] : memref<32x80x128xi32, #tpu.memory_space<hbm>> -> memref<1x80x128xi32, #tpu.memory_space<hbm>>
      %dma_wait3A_28 = tpu.memref_squeeze %dma_wait3A_27 : memref<1x80x128xi32, #tpu.memory_space<hbm>> -> memref<80x128xi32, #tpu.memory_space<hbm>>
      tpu.wait_dma2 semaphore(%run_scoped3A : memref<!tpu.dma_semaphore, #tpu.memory_space<semaphore_mem>>) src(%dma_wait3A_28 : memref<80x128xi32, #tpu.memory_space<hbm>>) dst(%arg6 : memref<80x128xi32, #tpu.memory_space<vmem>>)
      tpu.yield
    }) : () -> ()
    "tpu.region"() ({
      %run_scoped3A = tpu.sem_alloc : memref<!tpu.dma_semaphore, #tpu.memory_space<semaphore_mem>>
      tpu.enqueue_dma source(%arg3 : memref<128x16xf32, #tpu.memory_space<hbm>>) target(%arg7 : memref<128x16xf32, #tpu.memory_space<vmem>>) target_semaphore(%run_scoped3A : memref<!tpu.dma_semaphore, #tpu.memory_space<semaphore_mem>>)
      tpu.wait_dma2 semaphore(%run_scoped3A : memref<!tpu.dma_semaphore, #tpu.memory_space<semaphore_mem>>) src(%arg3 : memref<128x16xf32, #tpu.memory_space<hbm>>) dst(%arg7 : memref<128x16xf32, #tpu.memory_space<vmem>>)
      tpu.yield
    }) : () -> ()
    %barrier3A = arith.constant 0 : index
    tpu.barrier barrier_id(%barrier3A)
    %scan3A = arith.constant 0 : i32
    %scan3A_5 = arith.constant 0 : i32
    %scan3A_6 = arith.constant 80 : i32
    %scan3A_7 = arith.addi %scan3A_5, %scan3A_6 : i32
    %scan3A_8 = arith.constant 1 : i32
    scf.for %scan3A_15 = %scan3A_5 to %scan3A_7 step %scan3A_8  : i32 {
      "tpu.region"() ({
        %run_scoped3A = tpu.sem_alloc : memref<!tpu.dma_semaphore, #tpu.memory_space<semaphore_mem>>
        %dma_start3A = arith.constant 0 : i32
        %dma_start3A_16 = tpu.memref_slice %arg6[%scan3A_15, %dma_start3A] : memref<80x128xi32, #tpu.memory_space<vmem>> -> memref<1x128xi32, #tpu.memory_space<vmem>>
        %dma_start3A_17 = tpu.memref_squeeze %dma_start3A_16 : memref<1x128xi32, #tpu.memory_space<vmem>> -> memref<128xi32, #tpu.memory_space<vmem>>
        %dma_start3A_18 = arith.constant 0 : i32
        %dma_start3A_19 = arith.constant 0 : i32
        %dma_start3A_20 = tpu.memref_slice %arg8[%dma_start3A_18, %dma_start3A_19] : memref<10008x16xf32, #tpu.memory_space<vmem_shared>> -> memref<10008x16xf32, #tpu.memory_space<vmem_shared>>
        tpu.enqueue_indirect_dma source(%arg7 : memref<128x16xf32, #tpu.memory_space<vmem>>) target(%dma_start3A_20 : memref<10008x16xf32, #tpu.memory_space<vmem_shared>>) offsets(%dma_start3A_17 : memref<128xi32, #tpu.memory_space<vmem>>) semaphore(%run_scoped3A : memref<!tpu.dma_semaphore, #tpu.memory_space<semaphore_mem>>) {add = true}
        %dma_wait3A = arith.constant 0 : i32
        %dma_wait3A_21 = tpu.memref_slice %arg6[%scan3A_15, %dma_wait3A] : memref<80x128xi32, #tpu.memory_space<vmem>> -> memref<1x128xi32, #tpu.memory_space<vmem>>
        %dma_wait3A_22 = tpu.memref_squeeze %dma_wait3A_21 : memref<1x128xi32, #tpu.memory_space<vmem>> -> memref<128xi32, #tpu.memory_space<vmem>>
        %dma_wait3A_23 = arith.constant 0 : i32
        %dma_wait3A_24 = arith.constant 0 : i32
        %dma_wait3A_25 = tpu.memref_slice %arg8[%dma_wait3A_23, %dma_wait3A_24] : memref<10008x16xf32, #tpu.memory_space<vmem_shared>> -> memref<10008x16xf32, #tpu.memory_space<vmem_shared>>
        tpu.wait_indirect_dma semaphore(%run_scoped3A : memref<!tpu.dma_semaphore, #tpu.memory_space<semaphore_mem>>) src(%arg7 : memref<128x16xf32, #tpu.memory_space<vmem>>) dst(%dma_wait3A_25 : memref<10008x16xf32, #tpu.memory_space<vmem_shared>>)
        tpu.yield
      }) : () -> ()
    }
    %scan3A_9 = arith.constant 80 : i32
    %barrier3A_10 = arith.constant 0 : index
    tpu.barrier barrier_id(%barrier3A_10)
    %mul3A_11 = arith.constant 625 : i32
    %mul3A_12 = arith.muli %arg1, %mul3A_11 : i32
    %mul3A_13 = arith.constant 625 : i32
    %mul3A_14 = arith.muli %arg1, %mul3A_13 : i32
    "tpu.region"() ({
      %run_scoped3A = tpu.sem_alloc : memref<!tpu.dma_semaphore, #tpu.memory_space<semaphore_mem>>
      %dma_start3A = arith.constant 0 : i32
      %dma_start3A_15 = tpu.memref_slice %arg5[%arg0, %mul3A_14, %dma_start3A] : memref<2x10000x16xf32, #tpu.memory_space<hbm>> -> memref<1x625x16xf32, #tpu.memory_space<hbm>>
      %dma_start3A_16 = tpu.memref_squeeze %dma_start3A_15 : memref<1x625x16xf32, #tpu.memory_space<hbm>> -> memref<625x16xf32, #tpu.memory_space<hbm>>
      %dma_start3A_17 = arith.constant 0 : i32
      %dma_start3A_18 = tpu.memref_slice %arg8[%mul3A_12, %dma_start3A_17] : memref<10008x16xf32, #tpu.memory_space<vmem_shared>> -> memref<625x16xf32, #tpu.memory_space<vmem_shared>>
      tpu.enqueue_dma source(%dma_start3A_18 : memref<625x16xf32, #tpu.memory_space<vmem_shared>>) target(%dma_start3A_16 : memref<625x16xf32, #tpu.memory_space<hbm>>) target_semaphore(%run_scoped3A : memref<!tpu.dma_semaphore, #tpu.memory_space<semaphore_mem>>)
      %dma_wait3A = arith.constant 0 : i32
      %dma_wait3A_19 = tpu.memref_slice %arg5[%arg0, %mul3A_14, %dma_wait3A] : memref<2x10000x16xf32, #tpu.memory_space<hbm>> -> memref<1x625x16xf32, #tpu.memory_space<hbm>>
      %dma_wait3A_20 = tpu.memref_squeeze %dma_wait3A_19 : memref<1x625x16xf32, #tpu.memory_space<hbm>> -> memref<625x16xf32, #tpu.memory_space<hbm>>
      %dma_wait3A_21 = arith.constant 0 : i32
      %dma_wait3A_22 = tpu.memref_slice %arg8[%mul3A_12, %dma_wait3A_21] : memref<10008x16xf32, #tpu.memory_space<vmem_shared>> -> memref<625x16xf32, #tpu.memory_space<vmem_shared>>
      tpu.wait_dma2 semaphore(%run_scoped3A : memref<!tpu.dma_semaphore, #tpu.memory_space<semaphore_mem>>) src(%dma_wait3A_22 : memref<625x16xf32, #tpu.memory_space<vmem_shared>>) dst(%dma_wait3A_20 : memref<625x16xf32, #tpu.memory_space<hbm>>)
      tpu.yield
    }) : () -> ()
    return
  }
}

#map = affine_map<(d0, d1) -> (0, 0, 0)>
module attributes {stable_mosaic.version = 14 : i64} {
  func.func @_sc_segsum(%arg0: i32, %arg1: i32, %arg2: memref<2x10000x64xf32, #tpu.memory_space<hbm>>, %arg3: memref<16x80x256xi32, #tpu.memory_space<hbm>>, %arg4: memref<16x80x256xi32, #tpu.memory_space<hbm>>, %arg5: memref<2x10000x64xf32, #tpu.memory_space<hbm>>, %arg6: memref<80x256xi32, #tpu.memory_space<vmem>>, %arg7: memref<80x256xi32, #tpu.memory_space<vmem>>, %arg8: memref<256x64xf32, #tpu.memory_space<vmem>>, %arg9: memref<256x64xf32, #tpu.memory_space<vmem>>, %arg10: memref<10008x64xf32, #tpu.memory_space<vmem_shared>>, %arg11: memref<!tpu.dma_semaphore, #tpu.memory_space<semaphore_mem>>) attributes {dimension_semantics = [#tpu.dimension_semantics<core_parallel>, #tpu.dimension_semantics<subcore_parallel>], iteration_bounds = array<i64: 2, 16>, scalar_prefetch = 0 : i64, scratch_operands = 6 : i64, tpu.core_type = #tpu.core_type<sc_vector_subcore>, window_params = [{transform_indices = #map}, {transform_indices = #map}, {transform_indices = #map}, {transform_indices = #map}]} {
    "tpu.region"() ({
      %run_scoped3A = tpu.sem_alloc : memref<!tpu.dma_semaphore, #tpu.memory_space<semaphore_mem>>
      %dma_start3A = arith.constant 0 : i32
      %dma_start3A_10 = arith.constant 0 : i32
      %dma_start3A_11 = tpu.memref_slice %arg3[%arg1, %dma_start3A, %dma_start3A_10] : memref<16x80x256xi32, #tpu.memory_space<hbm>> -> memref<1x80x256xi32, #tpu.memory_space<hbm>>
      %dma_start3A_12 = tpu.memref_squeeze %dma_start3A_11 : memref<1x80x256xi32, #tpu.memory_space<hbm>> -> memref<80x256xi32, #tpu.memory_space<hbm>>
      %dma_start3A_13 = arith.constant 0 : i32
      %dma_start3A_14 = arith.constant 0 : i32
      %dma_start3A_15 = tpu.memref_slice %arg3[%arg1, %dma_start3A_13, %dma_start3A_14] : memref<16x80x256xi32, #tpu.memory_space<hbm>> -> memref<1x80x256xi32, #tpu.memory_space<hbm>>
      %dma_start3A_16 = tpu.memref_squeeze %dma_start3A_15 : memref<1x80x256xi32, #tpu.memory_space<hbm>> -> memref<80x256xi32, #tpu.memory_space<hbm>>
      tpu.enqueue_dma source(%dma_start3A_16 : memref<80x256xi32, #tpu.memory_space<hbm>>) target(%arg6 : memref<80x256xi32, #tpu.memory_space<vmem>>) target_semaphore(%run_scoped3A : memref<!tpu.dma_semaphore, #tpu.memory_space<semaphore_mem>>)
      %dma_wait3A = arith.constant 0 : i32
      %dma_wait3A_17 = arith.constant 0 : i32
      %dma_wait3A_18 = tpu.memref_slice %arg3[%arg1, %dma_wait3A, %dma_wait3A_17] : memref<16x80x256xi32, #tpu.memory_space<hbm>> -> memref<1x80x256xi32, #tpu.memory_space<hbm>>
      %dma_wait3A_19 = tpu.memref_squeeze %dma_wait3A_18 : memref<1x80x256xi32, #tpu.memory_space<hbm>> -> memref<80x256xi32, #tpu.memory_space<hbm>>
      %dma_wait3A_20 = arith.constant 0 : i32
      %dma_wait3A_21 = arith.constant 0 : i32
      %dma_wait3A_22 = tpu.memref_slice %arg3[%arg1, %dma_wait3A_20, %dma_wait3A_21] : memref<16x80x256xi32, #tpu.memory_space<hbm>> -> memref<1x80x256xi32, #tpu.memory_space<hbm>>
      %dma_wait3A_23 = tpu.memref_squeeze %dma_wait3A_22 : memref<1x80x256xi32, #tpu.memory_space<hbm>> -> memref<80x256xi32, #tpu.memory_space<hbm>>
      tpu.wait_dma2 semaphore(%run_scoped3A : memref<!tpu.dma_semaphore, #tpu.memory_space<semaphore_mem>>) src(%dma_wait3A_23 : memref<80x256xi32, #tpu.memory_space<hbm>>) dst(%arg6 : memref<80x256xi32, #tpu.memory_space<vmem>>)
      tpu.yield
    }) : () -> ()
    "tpu.region"() ({
      %run_scoped3A = tpu.sem_alloc : memref<!tpu.dma_semaphore, #tpu.memory_space<semaphore_mem>>
      %dma_start3A = arith.constant 0 : i32
      %dma_start3A_10 = arith.constant 0 : i32
      %dma_start3A_11 = tpu.memref_slice %arg4[%arg1, %dma_start3A, %dma_start3A_10] : memref<16x80x256xi32, #tpu.memory_space<hbm>> -> memref<1x80x256xi32, #tpu.memory_space<hbm>>
      %dma_start3A_12 = tpu.memref_squeeze %dma_start3A_11 : memref<1x80x256xi32, #tpu.memory_space<hbm>> -> memref<80x256xi32, #tpu.memory_space<hbm>>
      %dma_start3A_13 = arith.constant 0 : i32
      %dma_start3A_14 = arith.constant 0 : i32
      %dma_start3A_15 = tpu.memref_slice %arg4[%arg1, %dma_start3A_13, %dma_start3A_14] : memref<16x80x256xi32, #tpu.memory_space<hbm>> -> memref<1x80x256xi32, #tpu.memory_space<hbm>>
      %dma_start3A_16 = tpu.memref_squeeze %dma_start3A_15 : memref<1x80x256xi32, #tpu.memory_space<hbm>> -> memref<80x256xi32, #tpu.memory_space<hbm>>
      tpu.enqueue_dma source(%dma_start3A_16 : memref<80x256xi32, #tpu.memory_space<hbm>>) target(%arg7 : memref<80x256xi32, #tpu.memory_space<vmem>>) target_semaphore(%run_scoped3A : memref<!tpu.dma_semaphore, #tpu.memory_space<semaphore_mem>>)
      %dma_wait3A = arith.constant 0 : i32
      %dma_wait3A_17 = arith.constant 0 : i32
      %dma_wait3A_18 = tpu.memref_slice %arg4[%arg1, %dma_wait3A, %dma_wait3A_17] : memref<16x80x256xi32, #tpu.memory_space<hbm>> -> memref<1x80x256xi32, #tpu.memory_space<hbm>>
      %dma_wait3A_19 = tpu.memref_squeeze %dma_wait3A_18 : memref<1x80x256xi32, #tpu.memory_space<hbm>> -> memref<80x256xi32, #tpu.memory_space<hbm>>
      %dma_wait3A_20 = arith.constant 0 : i32
      %dma_wait3A_21 = arith.constant 0 : i32
      %dma_wait3A_22 = tpu.memref_slice %arg4[%arg1, %dma_wait3A_20, %dma_wait3A_21] : memref<16x80x256xi32, #tpu.memory_space<hbm>> -> memref<1x80x256xi32, #tpu.memory_space<hbm>>
      %dma_wait3A_23 = tpu.memref_squeeze %dma_wait3A_22 : memref<1x80x256xi32, #tpu.memory_space<hbm>> -> memref<80x256xi32, #tpu.memory_space<hbm>>
      tpu.wait_dma2 semaphore(%run_scoped3A : memref<!tpu.dma_semaphore, #tpu.memory_space<semaphore_mem>>) src(%dma_wait3A_23 : memref<80x256xi32, #tpu.memory_space<hbm>>) dst(%arg7 : memref<80x256xi32, #tpu.memory_space<vmem>>)
      tpu.yield
    }) : () -> ()
    %eq3A = arith.constant 0 : i32
    %eq3A_0 = arith.cmpi eq, %arg0, %eq3A : i32
    %convert_element_type3A = arith.extui %eq3A_0 : i1 to i32
    %cond3A = arith.constant 0 : i32
    %cond3A_1 = arith.cmpi ne, %convert_element_type3A, %cond3A : i32
    scf.if %cond3A_1 {
      %mul3A_10 = arith.constant 625 : i32
      %mul3A_11 = arith.muli %arg1, %mul3A_10 : i32
      %mul3A_12 = arith.constant 625 : i32
      %mul3A_13 = arith.muli %arg1, %mul3A_12 : i32
      %run_scoped3A = arith.constant 0 : i32
      "tpu.region"() ({
        %run_scoped3A_44 = tpu.sem_alloc : memref<!tpu.dma_semaphore, #tpu.memory_space<semaphore_mem>>
        %dma_start3A_45 = arith.constant 0 : i32
        %dma_start3A_46 = tpu.memref_slice %arg10[%mul3A_13, %dma_start3A_45] : memref<10008x64xf32, #tpu.memory_space<vmem_shared>> -> memref<625x64xf32, #tpu.memory_space<vmem_shared>>
        %dma_start3A_47 = arith.constant 0 : i32
        %dma_start3A_48 = arith.constant 0 : i32
        %dma_start3A_49 = tpu.memref_slice %arg2[%run_scoped3A, %dma_start3A_47, %dma_start3A_48] : memref<2x10000x64xf32, #tpu.memory_space<hbm>> -> memref<1x10000x64xf32, #tpu.memory_space<hbm>>
        %dma_start3A_50 = tpu.memref_squeeze %dma_start3A_49 : memref<1x10000x64xf32, #tpu.memory_space<hbm>> -> memref<10000x64xf32, #tpu.memory_space<hbm>>
        %dma_start3A_51 = arith.constant 0 : i32
        %dma_start3A_52 = tpu.memref_slice %dma_start3A_50[%mul3A_11, %dma_start3A_51] : memref<10000x64xf32, #tpu.memory_space<hbm>> -> memref<625x64xf32, #tpu.memory_space<hbm>>
        tpu.enqueue_dma source(%dma_start3A_52 : memref<625x64xf32, #tpu.memory_space<hbm>>) target(%dma_start3A_46 : memref<625x64xf32, #tpu.memory_space<vmem_shared>>) target_semaphore(%run_scoped3A_44 : memref<!tpu.dma_semaphore, #tpu.memory_space<semaphore_mem>>)
        %dma_wait3A = arith.constant 0 : i32
        %dma_wait3A_53 = tpu.memref_slice %arg10[%mul3A_13, %dma_wait3A] : memref<10008x64xf32, #tpu.memory_space<vmem_shared>> -> memref<625x64xf32, #tpu.memory_space<vmem_shared>>
        %dma_wait3A_54 = arith.constant 0 : i32
        %dma_wait3A_55 = arith.constant 0 : i32
        %dma_wait3A_56 = tpu.memref_slice %arg2[%run_scoped3A, %dma_wait3A_54, %dma_wait3A_55] : memref<2x10000x64xf32, #tpu.memory_space<hbm>> -> memref<1x10000x64xf32, #tpu.memory_space<hbm>>
        %dma_wait3A_57 = tpu.memref_squeeze %dma_wait3A_56 : memref<1x10000x64xf32, #tpu.memory_space<hbm>> -> memref<10000x64xf32, #tpu.memory_space<hbm>>
        %dma_wait3A_58 = arith.constant 0 : i32
        %dma_wait3A_59 = tpu.memref_slice %dma_wait3A_57[%mul3A_11, %dma_wait3A_58] : memref<10000x64xf32, #tpu.memory_space<hbm>> -> memref<625x64xf32, #tpu.memory_space<hbm>>
        tpu.wait_dma2 semaphore(%run_scoped3A_44 : memref<!tpu.dma_semaphore, #tpu.memory_space<semaphore_mem>>) src(%dma_wait3A_59 : memref<625x64xf32, #tpu.memory_space<hbm>>) dst(%dma_wait3A_53 : memref<625x64xf32, #tpu.memory_space<vmem_shared>>)
        tpu.yield
      }) : () -> ()
      %barrier3A_14 = arith.constant 0 : index
      tpu.barrier barrier_id(%barrier3A_14)
      %dma_start3A = arith.constant 0 : i32
      %dma_start3A_15 = arith.constant 0 : i32
      %dma_start3A_16 = arith.constant 0 : i32
      %dma_start3A_17 = tpu.memref_slice %arg6[%dma_start3A_15, %dma_start3A_16] : memref<80x256xi32, #tpu.memory_space<vmem>> -> memref<1x256xi32, #tpu.memory_space<vmem>>
      %dma_start3A_18 = tpu.memref_squeeze %dma_start3A_17 : memref<1x256xi32, #tpu.memory_space<vmem>> -> memref<256xi32, #tpu.memory_space<vmem>>
      %dma_start3A_19 = arith.constant 0 : i32
      %dma_start3A_20 = arith.constant 0 : i32
      %dma_start3A_21 = tpu.memref_slice %arg2[%dma_start3A, %dma_start3A_19, %dma_start3A_20] : memref<2x10000x64xf32, #tpu.memory_space<hbm>> -> memref<1x10000x64xf32, #tpu.memory_space<hbm>>
      %dma_start3A_22 = tpu.memref_squeeze %dma_start3A_21 : memref<1x10000x64xf32, #tpu.memory_space<hbm>> -> memref<10000x64xf32, #tpu.memory_space<hbm>>
      %dma_start3A_23 = arith.constant 0 : i32
      %dma_start3A_24 = arith.constant 0 : i32
      %dma_start3A_25 = tpu.memref_slice %dma_start3A_22[%dma_start3A_23, %dma_start3A_24] : memref<10000x64xf32, #tpu.memory_space<hbm>> -> memref<10000x64xf32, #tpu.memory_space<hbm>>
      tpu.enqueue_indirect_dma source(%dma_start3A_25 : memref<10000x64xf32, #tpu.memory_space<hbm>>) target(%arg8 : memref<256x64xf32, #tpu.memory_space<vmem>>) offsets(%dma_start3A_18 : memref<256xi32, #tpu.memory_space<vmem>>) semaphore(%arg11 : memref<!tpu.dma_semaphore, #tpu.memory_space<semaphore_mem>>)
      %dma_start3A_26 = arith.constant 0 : i32
      %dma_start3A_27 = arith.constant 1 : i32
      %dma_start3A_28 = arith.constant 0 : i32
      %dma_start3A_29 = tpu.memref_slice %arg6[%dma_start3A_27, %dma_start3A_28] : memref<80x256xi32, #tpu.memory_space<vmem>> -> memref<1x256xi32, #tpu.memory_space<vmem>>
      %dma_start3A_30 = tpu.memref_squeeze %dma_start3A_29 : memref<1x256xi32, #tpu.memory_space<vmem>> -> memref<256xi32, #tpu.memory_space<vmem>>
      %dma_start3A_31 = arith.constant 0 : i32
      %dma_start3A_32 = arith.constant 0 : i32
      %dma_start3A_33 = tpu.memref_slice %arg2[%dma_start3A_26, %dma_start3A_31, %dma_start3A_32] : memref<2x10000x64xf32, #tpu.memory_space<hbm>> -> memref<1x10000x64xf32, #tpu.memory_space<hbm>>
      %dma_start3A_34 = tpu.memref_squeeze %dma_start3A_33 : memref<1x10000x64xf32, #tpu.memory_space<hbm>> -> memref<10000x64xf32, #tpu.memory_space<hbm>>
      %dma_start3A_35 = arith.constant 0 : i32
      %dma_start3A_36 = arith.constant 0 : i32
      %dma_start3A_37 = tpu.memref_slice %dma_start3A_34[%dma_start3A_35, %dma_start3A_36] : memref<10000x64xf32, #tpu.memory_space<hbm>> -> memref<10000x64xf32, #tpu.memory_space<hbm>>
      tpu.enqueue_indirect_dma source(%dma_start3A_37 : memref<10000x64xf32, #tpu.memory_space<hbm>>) target(%arg9 : memref<256x64xf32, #tpu.memory_space<vmem>>) offsets(%dma_start3A_30 : memref<256xi32, #tpu.memory_space<vmem>>) semaphore(%arg11 : memref<!tpu.dma_semaphore, #tpu.memory_space<semaphore_mem>>)
      %scan3A = arith.constant 0 : i32
      %scan3A_38 = arith.constant 0 : i32
      %scan3A_39 = arith.constant 0 : i32
      %scan3A_40 = arith.constant 40 : i32
      %scan3A_41 = arith.addi %scan3A_39, %scan3A_40 : i32
      %scan3A_42 = arith.constant 1 : i32
      scf.for %scan3A_44 = %scan3A_39 to %scan3A_41 step %scan3A_42  : i32 {
        %mul3A_45 = arith.constant 2 : i32
        %mul3A_46 = arith.muli %scan3A_44, %mul3A_45 : i32
        %add3A = arith.constant 0 : i32
        %add3A_47 = arith.addi %mul3A_46, %add3A : i32
        %dma_wait3A = arith.constant 0 : i32
        %dma_wait3A_48 = tpu.memref_slice %arg6[%add3A_47, %dma_wait3A] : memref<80x256xi32, #tpu.memory_space<vmem>> -> memref<1x256xi32, #tpu.memory_space<vmem>>
        %dma_wait3A_49 = tpu.memref_squeeze %dma_wait3A_48 : memref<1x256xi32, #tpu.memory_space<vmem>> -> memref<256xi32, #tpu.memory_space<vmem>>
        %dma_wait3A_50 = arith.constant 0 : i32
        %dma_wait3A_51 = arith.constant 0 : i32
        %dma_wait3A_52 = tpu.memref_slice %arg2[%scan3A_38, %dma_wait3A_50, %dma_wait3A_51] : memref<2x10000x64xf32, #tpu.memory_space<hbm>> -> memref<1x10000x64xf32, #tpu.memory_space<hbm>>
        %dma_wait3A_53 = tpu.memref_squeeze %dma_wait3A_52 : memref<1x10000x64xf32, #tpu.memory_space<hbm>> -> memref<10000x64xf32, #tpu.memory_space<hbm>>
        %dma_wait3A_54 = arith.constant 0 : i32
        %dma_wait3A_55 = arith.constant 0 : i32
        %dma_wait3A_56 = tpu.memref_slice %dma_wait3A_53[%dma_wait3A_54, %dma_wait3A_55] : memref<10000x64xf32, #tpu.memory_space<hbm>> -> memref<10000x64xf32, #tpu.memory_space<hbm>>
        tpu.wait_indirect_dma semaphore(%arg11 : memref<!tpu.dma_semaphore, #tpu.memory_space<semaphore_mem>>) src(%dma_wait3A_56 : memref<10000x64xf32, #tpu.memory_space<hbm>>) dst(%arg8 : memref<256x64xf32, #tpu.memory_space<vmem>>)
        "tpu.region"() ({
          %run_scoped3A_84 = tpu.sem_alloc : memref<!tpu.dma_semaphore, #tpu.memory_space<semaphore_mem>>
          %dma_start3A_85 = arith.constant 0 : i32
          %dma_start3A_86 = tpu.memref_slice %arg7[%add3A_47, %dma_start3A_85] : memref<80x256xi32, #tpu.memory_space<vmem>> -> memref<1x256xi32, #tpu.memory_space<vmem>>
          %dma_start3A_87 = tpu.memref_squeeze %dma_start3A_86 : memref<1x256xi32, #tpu.memory_space<vmem>> -> memref<256xi32, #tpu.memory_space<vmem>>
          %dma_start3A_88 = arith.constant 0 : i32
          %dma_start3A_89 = arith.constant 0 : i32
          %dma_start3A_90 = tpu.memref_slice %arg10[%dma_start3A_88, %dma_start3A_89] : memref<10008x64xf32, #tpu.memory_space<vmem_shared>> -> memref<10008x64xf32, #tpu.memory_space<vmem_shared>>
          tpu.enqueue_indirect_dma source(%arg8 : memref<256x64xf32, #tpu.memory_space<vmem>>) target(%dma_start3A_90 : memref<10008x64xf32, #tpu.memory_space<vmem_shared>>) offsets(%dma_start3A_87 : memref<256xi32, #tpu.memory_space<vmem>>) semaphore(%run_scoped3A_84 : memref<!tpu.dma_semaphore, #tpu.memory_space<semaphore_mem>>) {add = true}
          %dma_wait3A_91 = arith.constant 0 : i32
          %dma_wait3A_92 = tpu.memref_slice %arg7[%add3A_47, %dma_wait3A_91] : memref<80x256xi32, #tpu.memory_space<vmem>> -> memref<1x256xi32, #tpu.memory_space<vmem>>
          %dma_wait3A_93 = tpu.memref_squeeze %dma_wait3A_92 : memref<1x256xi32, #tpu.memory_space<vmem>> -> memref<256xi32, #tpu.memory_space<vmem>>
          %dma_wait3A_94 = arith.constant 0 : i32
          %dma_wait3A_95 = arith.constant 0 : i32
          %dma_wait3A_96 = tpu.memref_slice %arg10[%dma_wait3A_94, %dma_wait3A_95] : memref<10008x64xf32, #tpu.memory_space<vmem_shared>> -> memref<10008x64xf32, #tpu.memory_space<vmem_shared>>
          tpu.wait_indirect_dma semaphore(%run_scoped3A_84 : memref<!tpu.dma_semaphore, #tpu.memory_space<semaphore_mem>>) src(%arg8 : memref<256x64xf32, #tpu.memory_space<vmem>>) dst(%dma_wait3A_96 : memref<10008x64xf32, #tpu.memory_space<vmem_shared>>)
          tpu.yield
        }) : () -> ()
        %add3A_57 = arith.constant 2 : i32
        %add3A_58 = arith.addi %add3A_47, %add3A_57 : i32
        %lt3A = arith.constant 80 : i32
        %lt3A_59 = arith.cmpi slt, %add3A_58, %lt3A : i32
        %convert_element_type3A_60 = arith.extui %lt3A_59 : i1 to i32
        %cond3A_61 = arith.constant 0 : i32
        %cond3A_62 = arith.cmpi ne, %convert_element_type3A_60, %cond3A_61 : i32
        scf.if %cond3A_62 {
          %add3A_84 = arith.constant 2 : i32
          %add3A_85 = arith.addi %add3A_47, %add3A_84 : i32
          %dma_start3A_86 = arith.constant 0 : i32
          %dma_start3A_87 = tpu.memref_slice %arg6[%add3A_85, %dma_start3A_86] : memref<80x256xi32, #tpu.memory_space<vmem>> -> memref<1x256xi32, #tpu.memory_space<vmem>>
          %dma_start3A_88 = tpu.memref_squeeze %dma_start3A_87 : memref<1x256xi32, #tpu.memory_space<vmem>> -> memref<256xi32, #tpu.memory_space<vmem>>
          %dma_start3A_89 = arith.constant 0 : i32
          %dma_start3A_90 = arith.constant 0 : i32
          %dma_start3A_91 = tpu.memref_slice %arg2[%scan3A_38, %dma_start3A_89, %dma_start3A_90] : memref<2x10000x64xf32, #tpu.memory_space<hbm>> -> memref<1x10000x64xf32, #tpu.memory_space<hbm>>
          %dma_start3A_92 = tpu.memref_squeeze %dma_start3A_91 : memref<1x10000x64xf32, #tpu.memory_space<hbm>> -> memref<10000x64xf32, #tpu.memory_space<hbm>>
          %dma_start3A_93 = arith.constant 0 : i32
          %dma_start3A_94 = arith.constant 0 : i32
          %dma_start3A_95 = tpu.memref_slice %dma_start3A_92[%dma_start3A_93, %dma_start3A_94] : memref<10000x64xf32, #tpu.memory_space<hbm>> -> memref<10000x64xf32, #tpu.memory_space<hbm>>
          tpu.enqueue_indirect_dma source(%dma_start3A_95 : memref<10000x64xf32, #tpu.memory_space<hbm>>) target(%arg8 : memref<256x64xf32, #tpu.memory_space<vmem>>) offsets(%dma_start3A_88 : memref<256xi32, #tpu.memory_space<vmem>>) semaphore(%arg11 : memref<!tpu.dma_semaphore, #tpu.memory_space<semaphore_mem>>)
        } else {
        }
        %mul3A_63 = arith.constant 2 : i32
        %mul3A_64 = arith.muli %scan3A_44, %mul3A_63 : i32
        %add3A_65 = arith.constant 1 : i32
        %add3A_66 = arith.addi %mul3A_64, %add3A_65 : i32
        %dma_wait3A_67 = arith.constant 0 : i32
        %dma_wait3A_68 = tpu.memref_slice %arg6[%add3A_66, %dma_wait3A_67] : memref<80x256xi32, #tpu.memory_space<vmem>> -> memref<1x256xi32, #tpu.memory_space<vmem>>
        %dma_wait3A_69 = tpu.memref_squeeze %dma_wait3A_68 : memref<1x256xi32, #tpu.memory_space<vmem>> -> memref<256xi32, #tpu.memory_space<vmem>>
        %dma_wait3A_70 = arith.constant 0 : i32
        %dma_wait3A_71 = arith.constant 0 : i32
        %dma_wait3A_72 = tpu.memref_slice %arg2[%scan3A_38, %dma_wait3A_70, %dma_wait3A_71] : memref<2x10000x64xf32, #tpu.memory_space<hbm>> -> memref<1x10000x64xf32, #tpu.memory_space<hbm>>
        %dma_wait3A_73 = tpu.memref_squeeze %dma_wait3A_72 : memref<1x10000x64xf32, #tpu.memory_space<hbm>> -> memref<10000x64xf32, #tpu.memory_space<hbm>>
        %dma_wait3A_74 = arith.constant 0 : i32
        %dma_wait3A_75 = arith.constant 0 : i32
        %dma_wait3A_76 = tpu.memref_slice %dma_wait3A_73[%dma_wait3A_74, %dma_wait3A_75] : memref<10000x64xf32, #tpu.memory_space<hbm>> -> memref<10000x64xf32, #tpu.memory_space<hbm>>
        tpu.wait_indirect_dma semaphore(%arg11 : memref<!tpu.dma_semaphore, #tpu.memory_space<semaphore_mem>>) src(%dma_wait3A_76 : memref<10000x64xf32, #tpu.memory_space<hbm>>) dst(%arg9 : memref<256x64xf32, #tpu.memory_space<vmem>>)
        "tpu.region"() ({
          %run_scoped3A_84 = tpu.sem_alloc : memref<!tpu.dma_semaphore, #tpu.memory_space<semaphore_mem>>
          %dma_start3A_85 = arith.constant 0 : i32
          %dma_start3A_86 = tpu.memref_slice %arg7[%add3A_66, %dma_start3A_85] : memref<80x256xi32, #tpu.memory_space<vmem>> -> memref<1x256xi32, #tpu.memory_space<vmem>>
          %dma_start3A_87 = tpu.memref_squeeze %dma_start3A_86 : memref<1x256xi32, #tpu.memory_space<vmem>> -> memref<256xi32, #tpu.memory_space<vmem>>
          %dma_start3A_88 = arith.constant 0 : i32
          %dma_start3A_89 = arith.constant 0 : i32
          %dma_start3A_90 = tpu.memref_slice %arg10[%dma_start3A_88, %dma_start3A_89] : memref<10008x64xf32, #tpu.memory_space<vmem_shared>> -> memref<10008x64xf32, #tpu.memory_space<vmem_shared>>
          tpu.enqueue_indirect_dma source(%arg9 : memref<256x64xf32, #tpu.memory_space<vmem>>) target(%dma_start3A_90 : memref<10008x64xf32, #tpu.memory_space<vmem_shared>>) offsets(%dma_start3A_87 : memref<256xi32, #tpu.memory_space<vmem>>) semaphore(%run_scoped3A_84 : memref<!tpu.dma_semaphore, #tpu.memory_space<semaphore_mem>>) {add = true}
          %dma_wait3A_91 = arith.constant 0 : i32
          %dma_wait3A_92 = tpu.memref_slice %arg7[%add3A_66, %dma_wait3A_91] : memref<80x256xi32, #tpu.memory_space<vmem>> -> memref<1x256xi32, #tpu.memory_space<vmem>>
          %dma_wait3A_93 = tpu.memref_squeeze %dma_wait3A_92 : memref<1x256xi32, #tpu.memory_space<vmem>> -> memref<256xi32, #tpu.memory_space<vmem>>
          %dma_wait3A_94 = arith.constant 0 : i32
          %dma_wait3A_95 = arith.constant 0 : i32
          %dma_wait3A_96 = tpu.memref_slice %arg10[%dma_wait3A_94, %dma_wait3A_95] : memref<10008x64xf32, #tpu.memory_space<vmem_shared>> -> memref<10008x64xf32, #tpu.memory_space<vmem_shared>>
          tpu.wait_indirect_dma semaphore(%run_scoped3A_84 : memref<!tpu.dma_semaphore, #tpu.memory_space<semaphore_mem>>) src(%arg9 : memref<256x64xf32, #tpu.memory_space<vmem>>) dst(%dma_wait3A_96 : memref<10008x64xf32, #tpu.memory_space<vmem_shared>>)
          tpu.yield
        }) : () -> ()
        %add3A_77 = arith.constant 2 : i32
        %add3A_78 = arith.addi %add3A_66, %add3A_77 : i32
        %lt3A_79 = arith.constant 80 : i32
        %lt3A_80 = arith.cmpi slt, %add3A_78, %lt3A_79 : i32
        %convert_element_type3A_81 = arith.extui %lt3A_80 : i1 to i32
        %cond3A_82 = arith.constant 0 : i32
        %cond3A_83 = arith.cmpi ne, %convert_element_type3A_81, %cond3A_82 : i32
        scf.if %cond3A_83 {
          %add3A_84 = arith.constant 2 : i32
          %add3A_85 = arith.addi %add3A_66, %add3A_84 : i32
          %dma_start3A_86 = arith.constant 0 : i32
          %dma_start3A_87 = tpu.memref_slice %arg6[%add3A_85, %dma_start3A_86] : memref<80x256xi32, #tpu.memory_space<vmem>> -> memref<1x256xi32, #tpu.memory_space<vmem>>
          %dma_start3A_88 = tpu.memref_squeeze %dma_start3A_87 : memref<1x256xi32, #tpu.memory_space<vmem>> -> memref<256xi32, #tpu.memory_space<vmem>>
          %dma_start3A_89 = arith.constant 0 : i32
          %dma_start3A_90 = arith.constant 0 : i32
          %dma_start3A_91 = tpu.memref_slice %arg2[%scan3A_38, %dma_start3A_89, %dma_start3A_90] : memref<2x10000x64xf32, #tpu.memory_space<hbm>> -> memref<1x10000x64xf32, #tpu.memory_space<hbm>>
          %dma_start3A_92 = tpu.memref_squeeze %dma_start3A_91 : memref<1x10000x64xf32, #tpu.memory_space<hbm>> -> memref<10000x64xf32, #tpu.memory_space<hbm>>
          %dma_start3A_93 = arith.constant 0 : i32
          %dma_start3A_94 = arith.constant 0 : i32
          %dma_start3A_95 = tpu.memref_slice %dma_start3A_92[%dma_start3A_93, %dma_start3A_94] : memref<10000x64xf32, #tpu.memory_space<hbm>> -> memref<10000x64xf32, #tpu.memory_space<hbm>>
          tpu.enqueue_indirect_dma source(%dma_start3A_95 : memref<10000x64xf32, #tpu.memory_space<hbm>>) target(%arg9 : memref<256x64xf32, #tpu.memory_space<vmem>>) offsets(%dma_start3A_88 : memref<256xi32, #tpu.memory_space<vmem>>) semaphore(%arg11 : memref<!tpu.dma_semaphore, #tpu.memory_space<semaphore_mem>>)
        } else {
        }
      }
      %scan3A_43 = arith.constant 40 : i32
    } else {
    }
    %eq3A_2 = arith.constant 1 : i32
    %eq3A_3 = arith.cmpi eq, %arg0, %eq3A_2 : i32
    %convert_element_type3A_4 = arith.extui %eq3A_3 : i1 to i32
    %cond3A_5 = arith.constant 0 : i32
    %cond3A_6 = arith.cmpi ne, %convert_element_type3A_4, %cond3A_5 : i32
    scf.if %cond3A_6 {
      %mul3A_10 = arith.constant 625 : i32
      %mul3A_11 = arith.muli %arg1, %mul3A_10 : i32
      %mul3A_12 = arith.constant 625 : i32
      %mul3A_13 = arith.muli %arg1, %mul3A_12 : i32
      %run_scoped3A = arith.constant 1 : i32
      "tpu.region"() ({
        %run_scoped3A_44 = tpu.sem_alloc : memref<!tpu.dma_semaphore, #tpu.memory_space<semaphore_mem>>
        %dma_start3A_45 = arith.constant 0 : i32
        %dma_start3A_46 = tpu.memref_slice %arg10[%mul3A_13, %dma_start3A_45] : memref<10008x64xf32, #tpu.memory_space<vmem_shared>> -> memref<625x64xf32, #tpu.memory_space<vmem_shared>>
        %dma_start3A_47 = arith.constant 0 : i32
        %dma_start3A_48 = arith.constant 0 : i32
        %dma_start3A_49 = tpu.memref_slice %arg2[%run_scoped3A, %dma_start3A_47, %dma_start3A_48] : memref<2x10000x64xf32, #tpu.memory_space<hbm>> -> memref<1x10000x64xf32, #tpu.memory_space<hbm>>
        %dma_start3A_50 = tpu.memref_squeeze %dma_start3A_49 : memref<1x10000x64xf32, #tpu.memory_space<hbm>> -> memref<10000x64xf32, #tpu.memory_space<hbm>>
        %dma_start3A_51 = arith.constant 0 : i32
        %dma_start3A_52 = tpu.memref_slice %dma_start3A_50[%mul3A_11, %dma_start3A_51] : memref<10000x64xf32, #tpu.memory_space<hbm>> -> memref<625x64xf32, #tpu.memory_space<hbm>>
        tpu.enqueue_dma source(%dma_start3A_52 : memref<625x64xf32, #tpu.memory_space<hbm>>) target(%dma_start3A_46 : memref<625x64xf32, #tpu.memory_space<vmem_shared>>) target_semaphore(%run_scoped3A_44 : memref<!tpu.dma_semaphore, #tpu.memory_space<semaphore_mem>>)
        %dma_wait3A = arith.constant 0 : i32
        %dma_wait3A_53 = tpu.memref_slice %arg10[%mul3A_13, %dma_wait3A] : memref<10008x64xf32, #tpu.memory_space<vmem_shared>> -> memref<625x64xf32, #tpu.memory_space<vmem_shared>>
        %dma_wait3A_54 = arith.constant 0 : i32
        %dma_wait3A_55 = arith.constant 0 : i32
        %dma_wait3A_56 = tpu.memref_slice %arg2[%run_scoped3A, %dma_wait3A_54, %dma_wait3A_55] : memref<2x10000x64xf32, #tpu.memory_space<hbm>> -> memref<1x10000x64xf32, #tpu.memory_space<hbm>>
        %dma_wait3A_57 = tpu.memref_squeeze %dma_wait3A_56 : memref<1x10000x64xf32, #tpu.memory_space<hbm>> -> memref<10000x64xf32, #tpu.memory_space<hbm>>
        %dma_wait3A_58 = arith.constant 0 : i32
        %dma_wait3A_59 = tpu.memref_slice %dma_wait3A_57[%mul3A_11, %dma_wait3A_58] : memref<10000x64xf32, #tpu.memory_space<hbm>> -> memref<625x64xf32, #tpu.memory_space<hbm>>
        tpu.wait_dma2 semaphore(%run_scoped3A_44 : memref<!tpu.dma_semaphore, #tpu.memory_space<semaphore_mem>>) src(%dma_wait3A_59 : memref<625x64xf32, #tpu.memory_space<hbm>>) dst(%dma_wait3A_53 : memref<625x64xf32, #tpu.memory_space<vmem_shared>>)
        tpu.yield
      }) : () -> ()
      %barrier3A_14 = arith.constant 0 : index
      tpu.barrier barrier_id(%barrier3A_14)
      %dma_start3A = arith.constant 1 : i32
      %dma_start3A_15 = arith.constant 0 : i32
      %dma_start3A_16 = arith.constant 0 : i32
      %dma_start3A_17 = tpu.memref_slice %arg6[%dma_start3A_15, %dma_start3A_16] : memref<80x256xi32, #tpu.memory_space<vmem>> -> memref<1x256xi32, #tpu.memory_space<vmem>>
      %dma_start3A_18 = tpu.memref_squeeze %dma_start3A_17 : memref<1x256xi32, #tpu.memory_space<vmem>> -> memref<256xi32, #tpu.memory_space<vmem>>
      %dma_start3A_19 = arith.constant 0 : i32
      %dma_start3A_20 = arith.constant 0 : i32
      %dma_start3A_21 = tpu.memref_slice %arg2[%dma_start3A, %dma_start3A_19, %dma_start3A_20] : memref<2x10000x64xf32, #tpu.memory_space<hbm>> -> memref<1x10000x64xf32, #tpu.memory_space<hbm>>
      %dma_start3A_22 = tpu.memref_squeeze %dma_start3A_21 : memref<1x10000x64xf32, #tpu.memory_space<hbm>> -> memref<10000x64xf32, #tpu.memory_space<hbm>>
      %dma_start3A_23 = arith.constant 0 : i32
      %dma_start3A_24 = arith.constant 0 : i32
      %dma_start3A_25 = tpu.memref_slice %dma_start3A_22[%dma_start3A_23, %dma_start3A_24] : memref<10000x64xf32, #tpu.memory_space<hbm>> -> memref<10000x64xf32, #tpu.memory_space<hbm>>
      tpu.enqueue_indirect_dma source(%dma_start3A_25 : memref<10000x64xf32, #tpu.memory_space<hbm>>) target(%arg8 : memref<256x64xf32, #tpu.memory_space<vmem>>) offsets(%dma_start3A_18 : memref<256xi32, #tpu.memory_space<vmem>>) semaphore(%arg11 : memref<!tpu.dma_semaphore, #tpu.memory_space<semaphore_mem>>)
      %dma_start3A_26 = arith.constant 1 : i32
      %dma_start3A_27 = arith.constant 1 : i32
      %dma_start3A_28 = arith.constant 0 : i32
      %dma_start3A_29 = tpu.memref_slice %arg6[%dma_start3A_27, %dma_start3A_28] : memref<80x256xi32, #tpu.memory_space<vmem>> -> memref<1x256xi32, #tpu.memory_space<vmem>>
      %dma_start3A_30 = tpu.memref_squeeze %dma_start3A_29 : memref<1x256xi32, #tpu.memory_space<vmem>> -> memref<256xi32, #tpu.memory_space<vmem>>
      %dma_start3A_31 = arith.constant 0 : i32
      %dma_start3A_32 = arith.constant 0 : i32
      %dma_start3A_33 = tpu.memref_slice %arg2[%dma_start3A_26, %dma_start3A_31, %dma_start3A_32] : memref<2x10000x64xf32, #tpu.memory_space<hbm>> -> memref<1x10000x64xf32, #tpu.memory_space<hbm>>
      %dma_start3A_34 = tpu.memref_squeeze %dma_start3A_33 : memref<1x10000x64xf32, #tpu.memory_space<hbm>> -> memref<10000x64xf32, #tpu.memory_space<hbm>>
      %dma_start3A_35 = arith.constant 0 : i32
      %dma_start3A_36 = arith.constant 0 : i32
      %dma_start3A_37 = tpu.memref_slice %dma_start3A_34[%dma_start3A_35, %dma_start3A_36] : memref<10000x64xf32, #tpu.memory_space<hbm>> -> memref<10000x64xf32, #tpu.memory_space<hbm>>
      tpu.enqueue_indirect_dma source(%dma_start3A_37 : memref<10000x64xf32, #tpu.memory_space<hbm>>) target(%arg9 : memref<256x64xf32, #tpu.memory_space<vmem>>) offsets(%dma_start3A_30 : memref<256xi32, #tpu.memory_space<vmem>>) semaphore(%arg11 : memref<!tpu.dma_semaphore, #tpu.memory_space<semaphore_mem>>)
      %scan3A = arith.constant 0 : i32
      %scan3A_38 = arith.constant 1 : i32
      %scan3A_39 = arith.constant 0 : i32
      %scan3A_40 = arith.constant 40 : i32
      %scan3A_41 = arith.addi %scan3A_39, %scan3A_40 : i32
      %scan3A_42 = arith.constant 1 : i32
      scf.for %scan3A_44 = %scan3A_39 to %scan3A_41 step %scan3A_42  : i32 {
        %mul3A_45 = arith.constant 2 : i32
        %mul3A_46 = arith.muli %scan3A_44, %mul3A_45 : i32
        %add3A = arith.constant 0 : i32
        %add3A_47 = arith.addi %mul3A_46, %add3A : i32
        %dma_wait3A = arith.constant 0 : i32
        %dma_wait3A_48 = tpu.memref_slice %arg6[%add3A_47, %dma_wait3A] : memref<80x256xi32, #tpu.memory_space<vmem>> -> memref<1x256xi32, #tpu.memory_space<vmem>>
        %dma_wait3A_49 = tpu.memref_squeeze %dma_wait3A_48 : memref<1x256xi32, #tpu.memory_space<vmem>> -> memref<256xi32, #tpu.memory_space<vmem>>
        %dma_wait3A_50 = arith.constant 0 : i32
        %dma_wait3A_51 = arith.constant 0 : i32
        %dma_wait3A_52 = tpu.memref_slice %arg2[%scan3A_38, %dma_wait3A_50, %dma_wait3A_51] : memref<2x10000x64xf32, #tpu.memory_space<hbm>> -> memref<1x10000x64xf32, #tpu.memory_space<hbm>>
        %dma_wait3A_53 = tpu.memref_squeeze %dma_wait3A_52 : memref<1x10000x64xf32, #tpu.memory_space<hbm>> -> memref<10000x64xf32, #tpu.memory_space<hbm>>
        %dma_wait3A_54 = arith.constant 0 : i32
        %dma_wait3A_55 = arith.constant 0 : i32
        %dma_wait3A_56 = tpu.memref_slice %dma_wait3A_53[%dma_wait3A_54, %dma_wait3A_55] : memref<10000x64xf32, #tpu.memory_space<hbm>> -> memref<10000x64xf32, #tpu.memory_space<hbm>>
        tpu.wait_indirect_dma semaphore(%arg11 : memref<!tpu.dma_semaphore, #tpu.memory_space<semaphore_mem>>) src(%dma_wait3A_56 : memref<10000x64xf32, #tpu.memory_space<hbm>>) dst(%arg8 : memref<256x64xf32, #tpu.memory_space<vmem>>)
        "tpu.region"() ({
          %run_scoped3A_84 = tpu.sem_alloc : memref<!tpu.dma_semaphore, #tpu.memory_space<semaphore_mem>>
          %dma_start3A_85 = arith.constant 0 : i32
          %dma_start3A_86 = tpu.memref_slice %arg7[%add3A_47, %dma_start3A_85] : memref<80x256xi32, #tpu.memory_space<vmem>> -> memref<1x256xi32, #tpu.memory_space<vmem>>
          %dma_start3A_87 = tpu.memref_squeeze %dma_start3A_86 : memref<1x256xi32, #tpu.memory_space<vmem>> -> memref<256xi32, #tpu.memory_space<vmem>>
          %dma_start3A_88 = arith.constant 0 : i32
          %dma_start3A_89 = arith.constant 0 : i32
          %dma_start3A_90 = tpu.memref_slice %arg10[%dma_start3A_88, %dma_start3A_89] : memref<10008x64xf32, #tpu.memory_space<vmem_shared>> -> memref<10008x64xf32, #tpu.memory_space<vmem_shared>>
          tpu.enqueue_indirect_dma source(%arg8 : memref<256x64xf32, #tpu.memory_space<vmem>>) target(%dma_start3A_90 : memref<10008x64xf32, #tpu.memory_space<vmem_shared>>) offsets(%dma_start3A_87 : memref<256xi32, #tpu.memory_space<vmem>>) semaphore(%run_scoped3A_84 : memref<!tpu.dma_semaphore, #tpu.memory_space<semaphore_mem>>) {add = true}
          %dma_wait3A_91 = arith.constant 0 : i32
          %dma_wait3A_92 = tpu.memref_slice %arg7[%add3A_47, %dma_wait3A_91] : memref<80x256xi32, #tpu.memory_space<vmem>> -> memref<1x256xi32, #tpu.memory_space<vmem>>
          %dma_wait3A_93 = tpu.memref_squeeze %dma_wait3A_92 : memref<1x256xi32, #tpu.memory_space<vmem>> -> memref<256xi32, #tpu.memory_space<vmem>>
          %dma_wait3A_94 = arith.constant 0 : i32
          %dma_wait3A_95 = arith.constant 0 : i32
          %dma_wait3A_96 = tpu.memref_slice %arg10[%dma_wait3A_94, %dma_wait3A_95] : memref<10008x64xf32, #tpu.memory_space<vmem_shared>> -> memref<10008x64xf32, #tpu.memory_space<vmem_shared>>
          tpu.wait_indirect_dma semaphore(%run_scoped3A_84 : memref<!tpu.dma_semaphore, #tpu.memory_space<semaphore_mem>>) src(%arg8 : memref<256x64xf32, #tpu.memory_space<vmem>>) dst(%dma_wait3A_96 : memref<10008x64xf32, #tpu.memory_space<vmem_shared>>)
          tpu.yield
        }) : () -> ()
        %add3A_57 = arith.constant 2 : i32
        %add3A_58 = arith.addi %add3A_47, %add3A_57 : i32
        %lt3A = arith.constant 80 : i32
        %lt3A_59 = arith.cmpi slt, %add3A_58, %lt3A : i32
        %convert_element_type3A_60 = arith.extui %lt3A_59 : i1 to i32
        %cond3A_61 = arith.constant 0 : i32
        %cond3A_62 = arith.cmpi ne, %convert_element_type3A_60, %cond3A_61 : i32
        scf.if %cond3A_62 {
          %add3A_84 = arith.constant 2 : i32
          %add3A_85 = arith.addi %add3A_47, %add3A_84 : i32
          %dma_start3A_86 = arith.constant 0 : i32
          %dma_start3A_87 = tpu.memref_slice %arg6[%add3A_85, %dma_start3A_86] : memref<80x256xi32, #tpu.memory_space<vmem>> -> memref<1x256xi32, #tpu.memory_space<vmem>>
          %dma_start3A_88 = tpu.memref_squeeze %dma_start3A_87 : memref<1x256xi32, #tpu.memory_space<vmem>> -> memref<256xi32, #tpu.memory_space<vmem>>
          %dma_start3A_89 = arith.constant 0 : i32
          %dma_start3A_90 = arith.constant 0 : i32
          %dma_start3A_91 = tpu.memref_slice %arg2[%scan3A_38, %dma_start3A_89, %dma_start3A_90] : memref<2x10000x64xf32, #tpu.memory_space<hbm>> -> memref<1x10000x64xf32, #tpu.memory_space<hbm>>
          %dma_start3A_92 = tpu.memref_squeeze %dma_start3A_91 : memref<1x10000x64xf32, #tpu.memory_space<hbm>> -> memref<10000x64xf32, #tpu.memory_space<hbm>>
          %dma_start3A_93 = arith.constant 0 : i32
          %dma_start3A_94 = arith.constant 0 : i32
          %dma_start3A_95 = tpu.memref_slice %dma_start3A_92[%dma_start3A_93, %dma_start3A_94] : memref<10000x64xf32, #tpu.memory_space<hbm>> -> memref<10000x64xf32, #tpu.memory_space<hbm>>
          tpu.enqueue_indirect_dma source(%dma_start3A_95 : memref<10000x64xf32, #tpu.memory_space<hbm>>) target(%arg8 : memref<256x64xf32, #tpu.memory_space<vmem>>) offsets(%dma_start3A_88 : memref<256xi32, #tpu.memory_space<vmem>>) semaphore(%arg11 : memref<!tpu.dma_semaphore, #tpu.memory_space<semaphore_mem>>)
        } else {
        }
        %mul3A_63 = arith.constant 2 : i32
        %mul3A_64 = arith.muli %scan3A_44, %mul3A_63 : i32
        %add3A_65 = arith.constant 1 : i32
        %add3A_66 = arith.addi %mul3A_64, %add3A_65 : i32
        %dma_wait3A_67 = arith.constant 0 : i32
        %dma_wait3A_68 = tpu.memref_slice %arg6[%add3A_66, %dma_wait3A_67] : memref<80x256xi32, #tpu.memory_space<vmem>> -> memref<1x256xi32, #tpu.memory_space<vmem>>
        %dma_wait3A_69 = tpu.memref_squeeze %dma_wait3A_68 : memref<1x256xi32, #tpu.memory_space<vmem>> -> memref<256xi32, #tpu.memory_space<vmem>>
        %dma_wait3A_70 = arith.constant 0 : i32
        %dma_wait3A_71 = arith.constant 0 : i32
        %dma_wait3A_72 = tpu.memref_slice %arg2[%scan3A_38, %dma_wait3A_70, %dma_wait3A_71] : memref<2x10000x64xf32, #tpu.memory_space<hbm>> -> memref<1x10000x64xf32, #tpu.memory_space<hbm>>
        %dma_wait3A_73 = tpu.memref_squeeze %dma_wait3A_72 : memref<1x10000x64xf32, #tpu.memory_space<hbm>> -> memref<10000x64xf32, #tpu.memory_space<hbm>>
        %dma_wait3A_74 = arith.constant 0 : i32
        %dma_wait3A_75 = arith.constant 0 : i32
        %dma_wait3A_76 = tpu.memref_slice %dma_wait3A_73[%dma_wait3A_74, %dma_wait3A_75] : memref<10000x64xf32, #tpu.memory_space<hbm>> -> memref<10000x64xf32, #tpu.memory_space<hbm>>
        tpu.wait_indirect_dma semaphore(%arg11 : memref<!tpu.dma_semaphore, #tpu.memory_space<semaphore_mem>>) src(%dma_wait3A_76 : memref<10000x64xf32, #tpu.memory_space<hbm>>) dst(%arg9 : memref<256x64xf32, #tpu.memory_space<vmem>>)
        "tpu.region"() ({
          %run_scoped3A_84 = tpu.sem_alloc : memref<!tpu.dma_semaphore, #tpu.memory_space<semaphore_mem>>
          %dma_start3A_85 = arith.constant 0 : i32
          %dma_start3A_86 = tpu.memref_slice %arg7[%add3A_66, %dma_start3A_85] : memref<80x256xi32, #tpu.memory_space<vmem>> -> memref<1x256xi32, #tpu.memory_space<vmem>>
          %dma_start3A_87 = tpu.memref_squeeze %dma_start3A_86 : memref<1x256xi32, #tpu.memory_space<vmem>> -> memref<256xi32, #tpu.memory_space<vmem>>
          %dma_start3A_88 = arith.constant 0 : i32
          %dma_start3A_89 = arith.constant 0 : i32
          %dma_start3A_90 = tpu.memref_slice %arg10[%dma_start3A_88, %dma_start3A_89] : memref<10008x64xf32, #tpu.memory_space<vmem_shared>> -> memref<10008x64xf32, #tpu.memory_space<vmem_shared>>
          tpu.enqueue_indirect_dma source(%arg9 : memref<256x64xf32, #tpu.memory_space<vmem>>) target(%dma_start3A_90 : memref<10008x64xf32, #tpu.memory_space<vmem_shared>>) offsets(%dma_start3A_87 : memref<256xi32, #tpu.memory_space<vmem>>) semaphore(%run_scoped3A_84 : memref<!tpu.dma_semaphore, #tpu.memory_space<semaphore_mem>>) {add = true}
          %dma_wait3A_91 = arith.constant 0 : i32
          %dma_wait3A_92 = tpu.memref_slice %arg7[%add3A_66, %dma_wait3A_91] : memref<80x256xi32, #tpu.memory_space<vmem>> -> memref<1x256xi32, #tpu.memory_space<vmem>>
          %dma_wait3A_93 = tpu.memref_squeeze %dma_wait3A_92 : memref<1x256xi32, #tpu.memory_space<vmem>> -> memref<256xi32, #tpu.memory_space<vmem>>
          %dma_wait3A_94 = arith.constant 0 : i32
          %dma_wait3A_95 = arith.constant 0 : i32
          %dma_wait3A_96 = tpu.memref_slice %arg10[%dma_wait3A_94, %dma_wait3A_95] : memref<10008x64xf32, #tpu.memory_space<vmem_shared>> -> memref<10008x64xf32, #tpu.memory_space<vmem_shared>>
          tpu.wait_indirect_dma semaphore(%run_scoped3A_84 : memref<!tpu.dma_semaphore, #tpu.memory_space<semaphore_mem>>) src(%arg9 : memref<256x64xf32, #tpu.memory_space<vmem>>) dst(%dma_wait3A_96 : memref<10008x64xf32, #tpu.memory_space<vmem_shared>>)
          tpu.yield
        }) : () -> ()
        %add3A_77 = arith.constant 2 : i32
        %add3A_78 = arith.addi %add3A_66, %add3A_77 : i32
        %lt3A_79 = arith.constant 80 : i32
        %lt3A_80 = arith.cmpi slt, %add3A_78, %lt3A_79 : i32
        %convert_element_type3A_81 = arith.extui %lt3A_80 : i1 to i32
        %cond3A_82 = arith.constant 0 : i32
        %cond3A_83 = arith.cmpi ne, %convert_element_type3A_81, %cond3A_82 : i32
        scf.if %cond3A_83 {
          %add3A_84 = arith.constant 2 : i32
          %add3A_85 = arith.addi %add3A_66, %add3A_84 : i32
          %dma_start3A_86 = arith.constant 0 : i32
          %dma_start3A_87 = tpu.memref_slice %arg6[%add3A_85, %dma_start3A_86] : memref<80x256xi32, #tpu.memory_space<vmem>> -> memref<1x256xi32, #tpu.memory_space<vmem>>
          %dma_start3A_88 = tpu.memref_squeeze %dma_start3A_87 : memref<1x256xi32, #tpu.memory_space<vmem>> -> memref<256xi32, #tpu.memory_space<vmem>>
          %dma_start3A_89 = arith.constant 0 : i32
          %dma_start3A_90 = arith.constant 0 : i32
          %dma_start3A_91 = tpu.memref_slice %arg2[%scan3A_38, %dma_start3A_89, %dma_start3A_90] : memref<2x10000x64xf32, #tpu.memory_space<hbm>> -> memref<1x10000x64xf32, #tpu.memory_space<hbm>>
          %dma_start3A_92 = tpu.memref_squeeze %dma_start3A_91 : memref<1x10000x64xf32, #tpu.memory_space<hbm>> -> memref<10000x64xf32, #tpu.memory_space<hbm>>
          %dma_start3A_93 = arith.constant 0 : i32
          %dma_start3A_94 = arith.constant 0 : i32
          %dma_start3A_95 = tpu.memref_slice %dma_start3A_92[%dma_start3A_93, %dma_start3A_94] : memref<10000x64xf32, #tpu.memory_space<hbm>> -> memref<10000x64xf32, #tpu.memory_space<hbm>>
          tpu.enqueue_indirect_dma source(%dma_start3A_95 : memref<10000x64xf32, #tpu.memory_space<hbm>>) target(%arg9 : memref<256x64xf32, #tpu.memory_space<vmem>>) offsets(%dma_start3A_88 : memref<256xi32, #tpu.memory_space<vmem>>) semaphore(%arg11 : memref<!tpu.dma_semaphore, #tpu.memory_space<semaphore_mem>>)
        } else {
        }
      }
      %scan3A_43 = arith.constant 40 : i32
    } else {
    }
    %barrier3A = arith.constant 0 : index
    tpu.barrier barrier_id(%barrier3A)
    %mul3A = arith.constant 625 : i32
    %mul3A_7 = arith.muli %arg1, %mul3A : i32
    %mul3A_8 = arith.constant 625 : i32
    %mul3A_9 = arith.muli %arg1, %mul3A_8 : i32
    "tpu.region"() ({
      %run_scoped3A = tpu.sem_alloc : memref<!tpu.dma_semaphore, #tpu.memory_space<semaphore_mem>>
      %dma_start3A = arith.constant 0 : i32
      %dma_start3A_10 = tpu.memref_slice %arg5[%arg0, %mul3A_9, %dma_start3A] : memref<2x10000x64xf32, #tpu.memory_space<hbm>> -> memref<1x625x64xf32, #tpu.memory_space<hbm>>
      %dma_start3A_11 = tpu.memref_squeeze %dma_start3A_10 : memref<1x625x64xf32, #tpu.memory_space<hbm>> -> memref<625x64xf32, #tpu.memory_space<hbm>>
      %dma_start3A_12 = arith.constant 0 : i32
      %dma_start3A_13 = tpu.memref_slice %arg10[%mul3A_7, %dma_start3A_12] : memref<10008x64xf32, #tpu.memory_space<vmem_shared>> -> memref<625x64xf32, #tpu.memory_space<vmem_shared>>
      tpu.enqueue_dma source(%dma_start3A_13 : memref<625x64xf32, #tpu.memory_space<vmem_shared>>) target(%dma_start3A_11 : memref<625x64xf32, #tpu.memory_space<hbm>>) target_semaphore(%run_scoped3A : memref<!tpu.dma_semaphore, #tpu.memory_space<semaphore_mem>>)
      %dma_wait3A = arith.constant 0 : i32
      %dma_wait3A_14 = tpu.memref_slice %arg5[%arg0, %mul3A_9, %dma_wait3A] : memref<2x10000x64xf32, #tpu.memory_space<hbm>> -> memref<1x625x64xf32, #tpu.memory_space<hbm>>
      %dma_wait3A_15 = tpu.memref_squeeze %dma_wait3A_14 : memref<1x625x64xf32, #tpu.memory_space<hbm>> -> memref<625x64xf32, #tpu.memory_space<hbm>>
      %dma_wait3A_16 = arith.constant 0 : i32
      %dma_wait3A_17 = tpu.memref_slice %arg10[%mul3A_7, %dma_wait3A_16] : memref<10008x64xf32, #tpu.memory_space<vmem_shared>> -> memref<625x64xf32, #tpu.memory_space<vmem_shared>>
      tpu.wait_dma2 semaphore(%run_scoped3A : memref<!tpu.dma_semaphore, #tpu.memory_space<semaphore_mem>>) src(%dma_wait3A_17 : memref<625x64xf32, #tpu.memory_space<vmem_shared>>) dst(%dma_wait3A_15 : memref<625x64xf32, #tpu.memory_space<hbm>>)
      tpu.yield
    }) : () -> ()
    return
  }
}

module attributes {stable_mosaic.version = 14 : i64} {
  func.func @body(%arg0: i32, %arg1: memref<1000x128xf32, #tpu.memory_space<vmem>>, %arg2: memref<128x128xf32, #tpu.memory_space<vmem>>, %arg3: memref<1000x128xf32, #tpu.memory_space<vmem>>) attributes {dimension_semantics = [#tpu.dimension_semantics<arbitrary>], iteration_bounds = array<i64: 10>, scalar_prefetch = 0 : i64, scratch_operands = 0 : i64, tpu.core_type = #tpu.core_type<tc>, window_params = [{transform_indices = @transform_0, window_bounds = array<i64: 1000, 128>}, {pipeline_mode = #tpu.pipeline_mode<synchronous>, transform_indices = @transform_1, window_bounds = array<i64: 128, 128>}, {transform_indices = @transform_2, window_bounds = array<i64: 1000, 128>}]} {
    %get3A = arith.constant 0 : index
    %get3A_0 = arith.constant 0 : index
    %get3A_1 = vector.load %arg1[%get3A, %get3A_0] : memref<1000x128xf32, #tpu.memory_space<vmem>>, vector<1000x128xf32>
    %get3A_2 = arith.constant 0 : index
    %get3A_3 = arith.constant 0 : index
    %get3A_4 = vector.load %arg2[%get3A_2, %get3A_3] : memref<128x128xf32, #tpu.memory_space<vmem>>, vector<128x128xf32>
    %dot_general3A = arith.constant dense<0.000000e+00> : vector<1000x128xf32>
    %dot_general3A_5 = tpu.matmul %get3A_1, %get3A_4, %dot_general3A {dimension_numbers = #tpu.dot_dimension_numbers<[1], [0], [0], [1], [0, 0, 1, 1], [], []>, transpose_lhs_hint = false} : vector<1000x128xf32>, vector<128x128xf32>, vector<1000x128xf32> -> vector<1000x128xf32>
    %swap3A = arith.constant 0 : index
    %swap3A_6 = arith.constant 0 : index
    %swap3A_7 = vector.load %arg3[%swap3A, %swap3A_6] : memref<1000x128xf32, #tpu.memory_space<vmem>>, vector<1000x128xf32>
    tpu.vector_store %arg3[%swap3A, %swap3A_6], %dot_general3A_5 {strides = array<i32>} : memref<1000x128xf32, #tpu.memory_space<vmem>>, vector<1000x128xf32>,
    return
  }
  func.func @transform_0(%arg0: i32) -> (i32, i32) {
    %c0_i32 = arith.constant 0 : i32
    %c0_i32_0 = arith.constant 0 : i32
    return %arg0, %c0_i32 : i32, i32
  }
  func.func @transform_1(%arg0: i32) -> (i32, i32) {
    %c0_i32 = arith.constant 0 : i32
    %c0_i32_0 = arith.constant 0 : i32
    %c0_i32_1 = arith.constant 0 : i32
    return %c0_i32, %c0_i32_0 : i32, i32
  }
  func.func @transform_2(%arg0: i32) -> (i32, i32) {
    %c0_i32 = arith.constant 0 : i32
    %c0_i32_0 = arith.constant 0 : i32
    return %arg0, %c0_i32 : i32, i32
  }
}

module attributes {stable_mosaic.version = 14 : i64} {
  func.func @body(%arg0: i32, %arg1: memref<1000x128xf32, #tpu.memory_space<vmem>>, %arg2: memref<1000x16xf32, #tpu.memory_space<vmem>>, %arg3: memref<1000x16xf32, #tpu.memory_space<vmem>>, %arg4: memref<2x1000x64xf32, #tpu.memory_space<vmem>>) attributes {dimension_semantics = [#tpu.dimension_semantics<arbitrary>], iteration_bounds = array<i64: 10>, scalar_prefetch = 0 : i64, scratch_operands = 0 : i64, tpu.core_type = #tpu.core_type<tc>, window_params = [{transform_indices = @transform_0, window_bounds = array<i64: 1000, 128>}, {transform_indices = @transform_1, window_bounds = array<i64: 1000, 16>}, {transform_indices = @transform_2, window_bounds = array<i64: 1000, 16>}, {transform_indices = @transform_3, window_bounds = array<i64: 2, 1000, 64>}]} {
    %get3A = arith.constant 0 : index
    %get3A_0 = arith.constant 0 : index
    %get3A_1 = vector.load %arg2[%get3A, %get3A_0] : memref<1000x16xf32, #tpu.memory_space<vmem>>, vector<1000x1xf32>
    %add3A = arith.constant 1.000000e+00 : f32
    %add3A_2 = vector.broadcast %add3A : f32 to vector<1000x1xf32>
    %add3A_3 = arith.addf %add3A_2, %get3A_1 : vector<1000x1xf32>
    %get3A_4 = arith.constant 0 : index
    %get3A_5 = arith.constant 0 : index
    %get3A_6 = vector.load %arg3[%get3A_4, %get3A_5] : memref<1000x16xf32, #tpu.memory_space<vmem>>, vector<1000x1xf32>
    %add3A_7 = arith.addf %add3A_3, %get3A_6 : vector<1000x1xf32>
    %rsqrt3A = math.rsqrt %add3A_7 : vector<1000x1xf32>
    %get3A_8 = arith.constant 0 : index
    %get3A_9 = arith.constant 0 : index
    %get3A_10 = vector.load %arg1[%get3A_8, %get3A_9] : memref<1000x128xf32, #tpu.memory_space<vmem>>, vector<1000x128xf32>
    %mul3A = vector.broadcast %rsqrt3A : vector<1000x1xf32> to vector<1000x128xf32>
    %mul3A_11 = arith.mulf %get3A_10, %mul3A : vector<1000x128xf32>
    %slice3A = vector.extract_strided_slice %mul3A_11 {offsets = [0, 0], sizes = [1000, 64], strides = [1, 1]} : vector<1000x128xf32> to vector<1000x64xf32>
    %swap3A = arith.constant 0 : index
    %swap3A_12 = arith.constant 0 : index
    %swap3A_13 = arith.constant 0 : index
    %swap3A_14 = vector.load %arg4[%swap3A, %swap3A_12, %swap3A_13] : memref<2x1000x64xf32, #tpu.memory_space<vmem>>, vector<1x1000x64xf32>
    %swap3A_15 = vector.shape_cast %swap3A_14 : vector<1x1000x64xf32> to vector<1000x64xf32>
    %swap3A_16 = vector.shape_cast %slice3A : vector<1000x64xf32> to vector<1x1000x64xf32>
    tpu.vector_store %arg4[%swap3A, %swap3A_12, %swap3A_13], %swap3A_16 {strides = array<i32>} : memref<2x1000x64xf32, #tpu.memory_space<vmem>>, vector<1x1000x64xf32>,
    %slice3A_17 = vector.extract_strided_slice %mul3A_11 {offsets = [0, 64], sizes = [1000, 64], strides = [1, 1]} : vector<1000x128xf32> to vector<1000x64xf32>
    %swap3A_18 = arith.constant 1 : index
    %swap3A_19 = arith.constant 0 : index
    %swap3A_20 = arith.constant 0 : index
    %swap3A_21 = vector.load %arg4[%swap3A_18, %swap3A_19, %swap3A_20] : memref<2x1000x64xf32, #tpu.memory_space<vmem>>, vector<1x1000x64xf32>
    %swap3A_22 = vector.shape_cast %swap3A_21 : vector<1x1000x64xf32> to vector<1000x64xf32>
    %swap3A_23 = vector.shape_cast %slice3A_17 : vector<1000x64xf32> to vector<1x1000x64xf32>
    tpu.vector_store %arg4[%swap3A_18, %swap3A_19, %swap3A_20], %swap3A_23 {strides = array<i32>} : memref<2x1000x64xf32, #tpu.memory_space<vmem>>, vector<1x1000x64xf32>,
    return
  }
  func.func @transform_0(%arg0: i32) -> (i32, i32) {
    %c0_i32 = arith.constant 0 : i32
    %c0_i32_0 = arith.constant 0 : i32
    return %arg0, %c0_i32 : i32, i32
  }
  func.func @transform_1(%arg0: i32) -> (i32, i32) {
    %c0_i32 = arith.constant 0 : i32
    %c0_i32_0 = arith.constant 0 : i32
    return %arg0, %c0_i32 : i32, i32
  }
  func.func @transform_2(%arg0: i32) -> (i32, i32) {
    %c0_i32 = arith.constant 0 : i32
    %c0_i32_0 = arith.constant 0 : i32
    return %arg0, %c0_i32 : i32, i32
  }
  func.func @transform_3(%arg0: i32) -> (i32, i32, i32) {
    %c0_i32 = arith.constant 0 : i32
    %c0_i32_0 = arith.constant 0 : i32
    %c0_i32_1 = arith.constant 0 : i32
    return %c0_i32, %arg0, %c0_i32_0 : i32, i32, i32
  }
}

module attributes {stable_mosaic.version = 14 : i64} {
  func.func @body(%arg0: i32, %arg1: memref<2x1000x64xf32, #tpu.memory_space<vmem>>, %arg2: memref<1000x16xf32, #tpu.memory_space<vmem>>, %arg3: memref<1000x16xf32, #tpu.memory_space<vmem>>, %arg4: memref<1x128xf32, #tpu.memory_space<vmem>>, %arg5: memref<128x64xf32, #tpu.memory_space<vmem>>, %arg6: memref<2x1000x32xf32, #tpu.memory_space<vmem>>) attributes {dimension_semantics = [#tpu.dimension_semantics<arbitrary>], iteration_bounds = array<i64: 10>, scalar_prefetch = 0 : i64, scratch_operands = 0 : i64, tpu.core_type = #tpu.core_type<tc>, window_params = [{transform_indices = @transform_0, window_bounds = array<i64: 2, 1000, 64>}, {transform_indices = @transform_1, window_bounds = array<i64: 1000, 16>}, {transform_indices = @transform_2, window_bounds = array<i64: 1000, 16>}, {pipeline_mode = #tpu.pipeline_mode<synchronous>, transform_indices = @transform_3, window_bounds = array<i64: 1, 128>}, {pipeline_mode = #tpu.pipeline_mode<synchronous>, transform_indices = @transform_4, window_bounds = array<i64: 128, 64>}, {transform_indices = @transform_5, window_bounds = array<i64: 2, 1000, 32>}]} {
    %get3A = arith.constant 0 : index
    %get3A_0 = arith.constant 0 : index
    %get3A_1 = vector.load %arg2[%get3A, %get3A_0] : memref<1000x16xf32, #tpu.memory_space<vmem>>, vector<1000x1xf32>
    %add3A = arith.constant 1.000000e+00 : f32
    %add3A_2 = vector.broadcast %add3A : f32 to vector<1000x1xf32>
    %add3A_3 = arith.addf %add3A_2, %get3A_1 : vector<1000x1xf32>
    %get3A_4 = arith.constant 0 : index
    %get3A_5 = arith.constant 0 : index
    %get3A_6 = vector.load %arg3[%get3A_4, %get3A_5] : memref<1000x16xf32, #tpu.memory_space<vmem>>, vector<1000x1xf32>
    %add3A_7 = arith.addf %add3A_3, %get3A_6 : vector<1000x1xf32>
    %rsqrt3A = math.rsqrt %add3A_7 : vector<1000x1xf32>
    %get3A_8 = arith.constant 0 : index
    %get3A_9 = arith.constant 0 : index
    %get3A_10 = arith.constant 0 : index
    %get3A_11 = vector.load %arg1[%get3A_8, %get3A_9, %get3A_10] : memref<2x1000x64xf32, #tpu.memory_space<vmem>>, vector<1x1000x64xf32>
    %get3A_12 = vector.shape_cast %get3A_11 : vector<1x1000x64xf32> to vector<1000x64xf32>
    %get3A_13 = arith.constant 1 : index
    %get3A_14 = arith.constant 0 : index
    %get3A_15 = arith.constant 0 : index
    %get3A_16 = vector.load %arg1[%get3A_13, %get3A_14, %get3A_15] : memref<2x1000x64xf32, #tpu.memory_space<vmem>>, vector<1x1000x64xf32>
    %get3A_17 = vector.shape_cast %get3A_16 : vector<1x1000x64xf32> to vector<1000x64xf32>
    %concatenate3A = tpu.concatenate %get3A_12, %get3A_17 in 1 : vector<1000x64xf32>, vector<1000x64xf32> -> vector<1000x128xf32>
    %mul3A = vector.broadcast %rsqrt3A : vector<1000x1xf32> to vector<1000x128xf32>
    %mul3A_18 = arith.mulf %mul3A, %concatenate3A : vector<1000x128xf32>
    %get3A_19 = arith.constant 0 : index
    %get3A_20 = arith.constant 0 : index
    %get3A_21 = vector.load %arg4[%get3A_19, %get3A_20] : memref<1x128xf32, #tpu.memory_space<vmem>>, vector<1x128xf32>
    %add3A_22 = vector.broadcast %get3A_21 : vector<1x128xf32> to vector<1000x128xf32>
    %add3A_23 = arith.addf %mul3A_18, %add3A_22 : vector<1000x128xf32>
    %max3A = arith.constant 0.000000e+00 : f32
    %max3A_24 = vector.broadcast %max3A : f32 to vector<1000x128xf32>
    %max3A_25 = arith.maximumf %add3A_23, %max3A_24 : vector<1000x128xf32>
    %get3A_26 = arith.constant 0 : index
    %get3A_27 = arith.constant 0 : index
    %get3A_28 = vector.load %arg5[%get3A_26, %get3A_27] : memref<128x64xf32, #tpu.memory_space<vmem>>, vector<128x64xf32>
    %dot_general3A = arith.constant dense<0.000000e+00> : vector<1000x64xf32>
    %dot_general3A_29 = tpu.matmul %max3A_25, %get3A_28, %dot_general3A {dimension_numbers = #tpu.dot_dimension_numbers<[1], [0], [0], [1], [0, 0, 1, 1], [], []>, transpose_lhs_hint = false} : vector<1000x128xf32>, vector<128x64xf32>, vector<1000x64xf32> -> vector<1000x64xf32>
    %mul3A_30 = vector.broadcast %rsqrt3A : vector<1000x1xf32> to vector<1000x64xf32>
    %mul3A_31 = arith.mulf %dot_general3A_29, %mul3A_30 : vector<1000x64xf32>
    %slice3A = vector.extract_strided_slice %mul3A_31 {offsets = [0, 0], sizes = [1000, 32], strides = [1, 1]} : vector<1000x64xf32> to vector<1000x32xf32>
    %swap3A = arith.constant 0 : index
    %swap3A_32 = arith.constant 0 : index
    %swap3A_33 = arith.constant 0 : index
    %swap3A_34 = vector.load %arg6[%swap3A, %swap3A_32, %swap3A_33] : memref<2x1000x32xf32, #tpu.memory_space<vmem>>, vector<1x1000x32xf32>
    %swap3A_35 = vector.shape_cast %swap3A_34 : vector<1x1000x32xf32> to vector<1000x32xf32>
    %swap3A_36 = vector.shape_cast %slice3A : vector<1000x32xf32> to vector<1x1000x32xf32>
    tpu.vector_store %arg6[%swap3A, %swap3A_32, %swap3A_33], %swap3A_36 {strides = array<i32>} : memref<2x1000x32xf32, #tpu.memory_space<vmem>>, vector<1x1000x32xf32>,
    %slice3A_37 = vector.extract_strided_slice %mul3A_31 {offsets = [0, 32], sizes = [1000, 32], strides = [1, 1]} : vector<1000x64xf32> to vector<1000x32xf32>
    %swap3A_38 = arith.constant 1 : index
    %swap3A_39 = arith.constant 0 : index
    %swap3A_40 = arith.constant 0 : index
    %swap3A_41 = vector.load %arg6[%swap3A_38, %swap3A_39, %swap3A_40] : memref<2x1000x32xf32, #tpu.memory_space<vmem>>, vector<1x1000x32xf32>
    %swap3A_42 = vector.shape_cast %swap3A_41 : vector<1x1000x32xf32> to vector<1000x32xf32>
    %swap3A_43 = vector.shape_cast %slice3A_37 : vector<1000x32xf32> to vector<1x1000x32xf32>
    tpu.vector_store %arg6[%swap3A_38, %swap3A_39, %swap3A_40], %swap3A_43 {strides = array<i32>} : memref<2x1000x32xf32, #tpu.memory_space<vmem>>, vector<1x1000x32xf32>,
    return
  }
  func.func @transform_0(%arg0: i32) -> (i32, i32, i32) {
    %c0_i32 = arith.constant 0 : i32
    %c0_i32_0 = arith.constant 0 : i32
    %c0_i32_1 = arith.constant 0 : i32
    return %c0_i32, %arg0, %c0_i32_0 : i32, i32, i32
  }
  func.func @transform_1(%arg0: i32) -> (i32, i32) {
    %c0_i32 = arith.constant 0 : i32
    %c0_i32_0 = arith.constant 0 : i32
    return %arg0, %c0_i32 : i32, i32
  }
  func.func @transform_2(%arg0: i32) -> (i32, i32) {
    %c0_i32 = arith.constant 0 : i32
    %c0_i32_0 = arith.constant 0 : i32
    return %arg0, %c0_i32 : i32, i32
  }
  func.func @transform_3(%arg0: i32) -> (i32, i32) {
    %c0_i32 = arith.constant 0 : i32
    %c0_i32_0 = arith.constant 0 : i32
    %c0_i32_1 = arith.constant 0 : i32
    return %c0_i32, %c0_i32_0 : i32, i32
  }
  func.func @transform_4(%arg0: i32) -> (i32, i32) {
    %c0_i32 = arith.constant 0 : i32
    %c0_i32_0 = arith.constant 0 : i32
    %c0_i32_1 = arith.constant 0 : i32
    return %c0_i32, %c0_i32_0 : i32, i32
  }
  func.func @transform_5(%arg0: i32) -> (i32, i32, i32) {
    %c0_i32 = arith.constant 0 : i32
    %c0_i32_0 = arith.constant 0 : i32
    %c0_i32_1 = arith.constant 0 : i32
    return %c0_i32, %arg0, %c0_i32_0 : i32, i32, i32
  }
}

module attributes {stable_mosaic.version = 14 : i64} {
  func.func @body(%arg0: i32, %arg1: memref<2x1000x32xf32, #tpu.memory_space<vmem>>, %arg2: memref<1000x16xf32, #tpu.memory_space<vmem>>, %arg3: memref<1000x16xf32, #tpu.memory_space<vmem>>, %arg4: memref<1x64xf32, #tpu.memory_space<vmem>>, %arg5: memref<1000x64xf32, #tpu.memory_space<vmem>>) attributes {dimension_semantics = [#tpu.dimension_semantics<arbitrary>], iteration_bounds = array<i64: 10>, scalar_prefetch = 0 : i64, scratch_operands = 0 : i64, tpu.core_type = #tpu.core_type<tc>, window_params = [{transform_indices = @transform_0, window_bounds = array<i64: 2, 1000, 32>}, {transform_indices = @transform_1, window_bounds = array<i64: 1000, 16>}, {transform_indices = @transform_2, window_bounds = array<i64: 1000, 16>}, {pipeline_mode = #tpu.pipeline_mode<synchronous>, transform_indices = @transform_3, window_bounds = array<i64: 1, 64>}, {transform_indices = @transform_4, window_bounds = array<i64: 1000, 64>}]} {
    %get3A = arith.constant 0 : index
    %get3A_0 = arith.constant 0 : index
    %get3A_1 = vector.load %arg2[%get3A, %get3A_0] : memref<1000x16xf32, #tpu.memory_space<vmem>>, vector<1000x1xf32>
    %add3A = arith.constant 1.000000e+00 : f32
    %add3A_2 = vector.broadcast %add3A : f32 to vector<1000x1xf32>
    %add3A_3 = arith.addf %add3A_2, %get3A_1 : vector<1000x1xf32>
    %get3A_4 = arith.constant 0 : index
    %get3A_5 = arith.constant 0 : index
    %get3A_6 = vector.load %arg3[%get3A_4, %get3A_5] : memref<1000x16xf32, #tpu.memory_space<vmem>>, vector<1000x1xf32>
    %add3A_7 = arith.addf %add3A_3, %get3A_6 : vector<1000x1xf32>
    %rsqrt3A = math.rsqrt %add3A_7 : vector<1000x1xf32>
    %get3A_8 = arith.constant 0 : index
    %get3A_9 = arith.constant 0 : index
    %get3A_10 = arith.constant 0 : index
    %get3A_11 = vector.load %arg1[%get3A_8, %get3A_9, %get3A_10] : memref<2x1000x32xf32, #tpu.memory_space<vmem>>, vector<1x1000x32xf32>
    %get3A_12 = vector.shape_cast %get3A_11 : vector<1x1000x32xf32> to vector<1000x32xf32>
    %get3A_13 = arith.constant 1 : index
    %get3A_14 = arith.constant 0 : index
    %get3A_15 = arith.constant 0 : index
    %get3A_16 = vector.load %arg1[%get3A_13, %get3A_14, %get3A_15] : memref<2x1000x32xf32, #tpu.memory_space<vmem>>, vector<1x1000x32xf32>
    %get3A_17 = vector.shape_cast %get3A_16 : vector<1x1000x32xf32> to vector<1000x32xf32>
    %concatenate3A = tpu.concatenate %get3A_12, %get3A_17 in 1 : vector<1000x32xf32>, vector<1000x32xf32> -> vector<1000x64xf32>
    %mul3A = vector.broadcast %rsqrt3A : vector<1000x1xf32> to vector<1000x64xf32>
    %mul3A_18 = arith.mulf %mul3A, %concatenate3A : vector<1000x64xf32>
    %get3A_19 = arith.constant 0 : index
    %get3A_20 = arith.constant 0 : index
    %get3A_21 = vector.load %arg4[%get3A_19, %get3A_20] : memref<1x64xf32, #tpu.memory_space<vmem>>, vector<1x64xf32>
    %add3A_22 = vector.broadcast %get3A_21 : vector<1x64xf32> to vector<1000x64xf32>
    %add3A_23 = arith.addf %mul3A_18, %add3A_22 : vector<1000x64xf32>
    %swap3A = arith.constant 0 : index
    %swap3A_24 = arith.constant 0 : index
    %swap3A_25 = vector.load %arg5[%swap3A, %swap3A_24] : memref<1000x64xf32, #tpu.memory_space<vmem>>, vector<1000x64xf32>
    tpu.vector_store %arg5[%swap3A, %swap3A_24], %add3A_23 {strides = array<i32>} : memref<1000x64xf32, #tpu.memory_space<vmem>>, vector<1000x64xf32>,
    return
  }
  func.func @transform_0(%arg0: i32) -> (i32, i32, i32) {
    %c0_i32 = arith.constant 0 : i32
    %c0_i32_0 = arith.constant 0 : i32
    %c0_i32_1 = arith.constant 0 : i32
    return %c0_i32, %arg0, %c0_i32_0 : i32, i32, i32
  }
  func.func @transform_1(%arg0: i32) -> (i32, i32) {
    %c0_i32 = arith.constant 0 : i32
    %c0_i32_0 = arith.constant 0 : i32
    return %arg0, %c0_i32 : i32, i32
  }
  func.func @transform_2(%arg0: i32) -> (i32, i32) {
    %c0_i32 = arith.constant 0 : i32
    %c0_i32_0 = arith.constant 0 : i32
    return %arg0, %c0_i32 : i32, i32
  }
  func.func @transform_3(%arg0: i32) -> (i32, i32) {
    %c0_i32 = arith.constant 0 : i32
    %c0_i32_0 = arith.constant 0 : i32
    %c0_i32_1 = arith.constant 0 : i32
    return %c0_i32, %c0_i32_0 : i32, i32
  }
  func.func @transform_4(%arg0: i32) -> (i32, i32) {
    %c0_i32 = arith.constant 0 : i32
    %c0_i32_0 = arith.constant 0 : i32
    return %arg0, %c0_i32 : i32, i32
  }
}

</mosaic_0001>

<sc_bundles>
// kernel: kernel.12.cloned.1.call-start
scs
__scs_entry_jumppad:
0x0: {  	(pc) =	sbr.rel $0x88, $3  }
0x1: {  	(tag) =	ssettag $0x0;
	lr =	simm.s32 $0x1  }
0x2: {  	[smem:$0x3F9B] =	sst lr;
	_ =	strace $0xD0000000  }
0x3: {  	_ = 	snop  }
0x4: {  	_ = 	snop  }
0x5: {  	_ = 	snop  }
0x6: {  	_ = 	snop  }
0x7: {  	_ = 	snop  }
__scs_overlays_trampoline_lowered:
0x8: {  	[smem:$0x3FAA] =	sst s0  }
0x9: {  	[smem:$0x3FAB] =	sst s1  }
0xa: {  	[smem:$0x3FAC] =	sst s2  }
0xb: {  	[smem:$0x3FAD] =	sst s3  }
0xc: {  	[smem:$0x3FAE] =	sst s4  }
0xd: {  	[smem:$0x3FAF] =	sst s5  }
0xe: {  	[smem:$0x3FB0] =	sst s6  }
0xf: {  	[smem:$0x3FB1] =	sst s7  }
0x10: {  	[smem:$0x3FB2] =	sst s8  }
0x11: {  	[smem:$0x3FB3] =	sst s9;
	s0 =	simm.s32 @!p0 $0x0  }
0x12: {  	s1 =	sld [smem:$0x3F99];
	s0 =	simm.s32 @p0 $0x1  }
0x13: {  	[smem:$0x3FB4] =	sst s0;
	s0 =	simm.s32 @!p1 $0x0  }
0x14: {  	s2 =	sld [smem:$0x3F98];
	s0 =	simm.s32 @p1 $0x1  }
0x15: {  	[smem:$0x3FB5] =	sst s0;
	s0 =	simm.s32 @!p2 $0x0  }
0x16: {  	s3 =	sld [smem:$0x3FDB];
	s0 =	simm.s32 @p2 $0x1  }
0x17: {  	s4 =	simm.s32 $0x1BF5;
	[smem:$0x3FB7] =	sst s0  }
0x18: {  	s0 =	sld [smem:$0x3F9A];
	_ =	swait.ge [sflag:s4], $0x0  }
0x19: {  	s7 =	sld [smem:$0x3F9B]  }
0x1a: {  	s8 =	sadd.s32 $0xFFFFE003, lr  }
0x1b: {  	s9 =	sadd.s32 $0xFFFFFEF7, lr;
	s5 =	simm.s32 $0xFFFFFFFF;
	p2 =	slt.u32 s8, $0xFFFFF086  }
0x1c: {  	p1 =	slt.u32 s9, $0xF7A;
	s5 =	simm.s32 @!p2 $0x0  }
0x1d: {  	s5 =	simm.s32 @p1 $0x1;
	p0 =	seq.s32 s7, s2  }
0x1e: {  	s7 =	smul.u32 @!p0 $0xF7A, s2;
	p2 =	seq.s32 @!p0 s5, $0x0  }
0x1f: {  	s9 =	smul.u32 $0xF7A, s1;
	s8 =	simm.s32 @!p0 $0x1BF5;
	p2 =	por !p2, p0  }
0x20: {  	[sflag:s8] =	ssyncset.s32 @!p0 $0xFFFFF086;
	s6 =	sadd.s32 @!p0 s3, s7;
	s7 =	simm.s32 @!p0 $0x108  }
0x21: {  	s3 =	sadd.s32 s3, s9;
	s6 =	sadd.s32 @!p0 $0x88, s6;
	s7 =	simm.s32 @p2 $0x1082  }
0x22: {  	[simem:s7], [sflag:s8] =	dma.local @!p0 [hbm:s6], $0xF7A  }
0x23: {  	s9 =	sor.u32 $0xD0000000, s2;
	s6 =	simm.s32 $0x108;
	_ =	swait.ge @!p0 [sflag:s8], $0x0  }
0x24: {  	s3 =	sadd.s32 $0x88, s3;
	s6 =	simm.s32 @!p1 $0x1082;
	[sflag:s4] =	ssyncset.s32 $0xFFFFF086  }
0x25: {  	[simem:s6], [sflag:s4] =	dma.local [hbm:s3], $0xF7A  }
0x26: {  	[smem:$0x3F9B] =	sst s1;
	(tag) =	ssettag s2;
	_ =	strace s9  }
0x27: {  	s1 =	sld [smem:$0x3FAB]  }
0x28: {  	s2 =	sld [smem:$0x3FAC]  }
0x29: {  	s4 =	sld [smem:$0x3FAE]  }
0x2a: {  	p0 =	seq.s32 s5, $0x0;
	s5 =	sld [smem:$0x3FAF]  }
0x2b: {  	s6 =	sld [smem:$0x3FB0]  }
0x2c: {  	s7 =	sld [smem:$0x3FB1]  }
0x2d: {  	s3 =	simm.s32 $0x108;
	s8 =	sld [smem:$0x3FB2]  }
0x2e: {  	s3 =	simm.s32 @!p0 $0x1082;
	s9 =	sld [smem:$0x3FB3]  }
0x2f: {  	lr =	sadd.s32 s0, s3;
	s0 =	sld [smem:$0x3FAA]  }
0x30: {  	s3 =	sld [smem:$0x3FAD]  }
0x31: {  	[smem:$0x3FB6] =	sst s10  }
0x32: {  	s10 =	sld [smem:$0x3FB4];
	_ =	sdelay $0x3  }
0x33: {  	p0 =	seq.s32 s10, $0x1;
	s10 =	sld [smem:$0x3FB6];
	_ =	sdelay $0x3  }
0x34: {  	[smem:$0x3FB6] =	sst s10  }
0x35: {  	s10 =	sld [smem:$0x3FB5];
	_ =	sdelay $0x3  }
0x36: {  	p1 =	seq.s32 s10, $0x1;
	s10 =	sld [smem:$0x3FB6];
	_ =	sdelay $0x3  }
0x37: {  	[smem:$0x3FB6] =	sst s10  }
0x38: {  	s10 =	sld [smem:$0x3FB7]  }
0x39: {  	_ = 	snop;
	(pc) =	sbr.ind lr, $3  }
0x3a: {  	_ = 	snop  }
0x3b: {  	_ = 	snop  }
0x3c: {  	p2 =	seq.s32 s10, $0x1;
	s10 =	sld [smem:$0x3FB6]  }
0x3d: {  	_ =	shalt  }
0x3e: {  	_ =	shalt  }
0x3f: {  	_ =	shalt  }
0x40: {  	_ =	shalt  }
0x41: {  	_ =	shalt  }
0x42: {  	_ =	shalt  }
0x43: {  	_ =	shalt  }
0x44: {  	_ =	shalt  }
0x45: {  	_ =	shalt  }
0x46: {  	_ =	shalt  }
0x47: {  	_ =	shalt  }
0x48: {  	_ =	shalt  }
0x49: {  	_ =	shalt  }
0x4a: {  	_ =	shalt  }
0x4b: {  	_ =	shalt  }
0x4c: {  	_ =	shalt  }
0x4d: {  	_ =	shalt  }
0x4e: {  	_ =	shalt  }
0x4f: {  	_ =	shalt  }
0x50: {  	_ =	shalt  }
0x51: {  	_ =	shalt  }
0x52: {  	_ =	shalt  }
0x53: {  	_ =	shalt  }
0x54: {  	_ =	shalt  }
0x55: {  	_ =	shalt  }
0x56: {  	_ =	shalt  }
0x57: {  	_ =	shalt  }
0x58: {  	_ =	shalt  }
0x59: {  	_ =	shalt  }
0x5a: {  	_ =	shalt  }
0x5b: {  	_ =	shalt  }
0x5c: {  	_ =	shalt  }
0x5d: {  	_ =	shalt  }
0x5e: {  	_ =	shalt  }
0x5f: {  	_ =	shalt  }
0x60: {  	_ =	shalt  }
0x61: {  	_ =	shalt  }
0x62: {  	_ =	shalt  }
0x63: {  	_ =	shalt  }
0x64: {  	_ =	shalt  }
0x65: {  	_ =	shalt  }
0x66: {  	_ =	shalt  }
0x67: {  	_ =	shalt  }
0x68: {  	_ =	shalt  }
0x69: {  	_ =	shalt  }
0x6a: {  	_ =	shalt  }
0x6b: {  	_ =	shalt  }
0x6c: {  	_ =	shalt  }
0x6d: {  	_ =	shalt  }
0x6e: {  	_ =	shalt  }
0x6f: {  	_ =	shalt  }
0x70: {  	_ =	shalt  }
0x71: {  	_ =	shalt  }
0x72: {  	_ =	shalt  }
0x73: {  	_ =	shalt  }
0x74: {  	_ =	shalt  }
0x75: {  	_ =	shalt  }
0x76: {  	_ =	shalt  }
0x77: {  	_ =	shalt  }
0x78: {  	_ =	shalt  }
0x79: {  	_ =	shalt  }
0x7a: {  	_ =	shalt  }
0x7b: {  	_ =	shalt  }
0x7c: {  	_ =	shalt  }
0x7d: {  	_ =	shalt  }
0x7e: {  	_ =	shalt  }
0x7f: {  	_ =	shalt  }
0x80: {  	_ =	shalt  }
0x81: {  	_ =	shalt  }
0x82: {  	_ =	shalt  }
0x83: {  	_ =	shalt  }
0x84: {  	_ =	shalt  }
0x85: {  	_ =	shalt  }
0x86: {  	_ =	shalt  }
0x87: {  	_ =	shalt  }
.Lfunc_end0:
.L_simem_size_0:
called_computation.1_lowered:
.L_overlay_start_0:
0x88: {  	s2 =	sld [smem:$0x3FD9]  }
0x89: {  	s3 =	sld [smem:$0x3FFE];
	_ =	sdelay $0x1  }
0x8a: {  	s1 =	srdreg.scid  }
0x8b: {  	s0 =	sand.u32 $0x1, s1  }
0x8c: {  	s16 =	sshll.u32 s0, $0xA;
	s2 =	sadd.s32 s3, s2  }
0x8d: {  	s2 =	sadd.s32 s2, s16  }
0x8e: {  	[smem:$0x3FC2] =	sst s2  }
0x8f: {  	_ = 	snop  }
0x90: {  	(tm) =	ssettm $0x1  }
0x91: {  	s17 =	sld [smem:$0x3FFB];
	_ =	sdelay $0x3  }
0x92: {  	_ =	strace s17  }
0x93: {  	s2 =	sld [smem:$0x3FFC];
	_ =	sdelay $0x3  }
0x94: {  	_ =	strace s2  }
0x95: {  	s2 =	sld [smem:$0x3FFD];
	_ =	sdelay $0x3  }
0x96: {  	_ =	strace s2  }
0x97: {  	_ =	strace $0x8FFFFFFF  }
0x98: {  	s18 =	sld [smem:$0x3FDB];
	_ =	sdelay $0x1  }
0x99: {  	s19 =	simm.s32 $_scs_section_size  }
0x9a: {  	s4 =	simm.s32 $_size__tile_overlayer_lowered;
	s5 =	simm.s32 $_tile_overlayer_lowered  }
0x9b: {  	s22 =	simm.s32 $0x1BFF;
	s21 =	sshll.u32 s5, $0x1;
	s2 =	sadd.s32 s19, s18  }
0x9c: {  	s6 =	simm.s32 $0x0;
	s20 =	sshll.u32 s4, $0x1;
	s4 =	sadd.s32 s21, s2  }
0x9d: {  	[timem:s6], [sflag:s22] =	dma.local [hbm:s4], s20  }
0x9e: {  	_ =	swait.ge [sflag:s22], s20  }
0x9f: {  	s3 =	ssub.s32 $0x0, s20;
	[sflag:s22] =	ssyncset.done $0x0  }
0xa0: {  	[sflag:s22] =	ssyncadd.s32 s3;
	_ =	sdelay $0x1  }
0xa1: {  	s23 =	simm.s32 $0x1B8B  }
0xa2: {  	_ =	swait.ge [sflag:s23], $0x1  }
0xa3: {  	[sflag:s23] =	ssyncset.done $0x0  }
0xa4: {  	s25 =	simm.s32 $0x1B8E;
	s24 =	sld [smem:$0x3FFE];
	[sflag:s23] =	ssyncadd.s32 $0xFFFFFFFF  }
0xa5: {  	s26 =	simm.s32 $execute0_lowered;
	[smem:$0x3FD2] =	sst s25  }
0xa6: {  	s4 =	sshll.u32 s26, $0x1;
	_ =	strace $0x80000049;
	[dreg:$0x1] =	wrdreg $0xFFFFFFFF  }
0xa7: {  	s28 =	simm.s32 $_size_execute0_lowered;
	s2 =	sadd.s32 s2, s4;
	[dreg:$0x0] =	wrdreg $0x0  }
0xa8: {  	s4 =	sshll.u32 s28, $0x1;
	[dreg:$0x2] =	wrdreg s2  }
0xa9: {  	[dreg:$0x3] =	wrdreg s4  }
0xaa: {  	[dreg:$0x4] =	wrdreg $0xC0  }
0xab: {  	_ =	task [dreg:s6], $0x5FFFF  }
0xac: {  	[dreg:$0x1] =	wrdreg $0xFFFFFFFF  }
0xad: {  	[dreg:$0x0] =	wrdreg $0x60  }
0xae: {  	[dreg:$0x2] =	wrdreg s24  }
0xaf: {  	[dreg:$0x3] =	wrdreg $0x120000  }
0xb0: {  	[dreg:$0x4] =	wrdreg $0x9  }
0xb1: {  	_ =	task.clear_ibuf [dreg:s6], $0x5FFFF;
	_ =	strace $0x90000049  }
0xb2: {  	s29 =	simm.s32 $0x9;
	_ =	strace $0x8000004B  }
0xb3: {  	_ =	swait.ge [sflag:s29], $0x1  }
0xb4: {  	[sflag:s29] =	ssyncadd.s32 $0xFFFFFFFF  }
0xb5: {  	_ =	strace $0x9000004B  }
0xb6: {  	_ =	sfence  }
0xb7: {  	s30 =	sld [smem:$0x0];
	_ =	sdelay $0x2  }
0xb8: {  	s31 =	sshll.u32 s1, $0xD;
	s1 =	sshrl.u32 s1, $0x2  }
0xb9: {  	s3 =	sand.u32 $0x4000, s31;
	s1 =	sadd.s32 s1, s30  }
0xba: {  	s0 =	sor.u32 s3, s0;
	s1 =	sshll.u32 s1, $0x11  }
0xbb: {  	s0 =	sor.u32 s1, s0  }
0xbc: {  	s0 =	sadd.s32 $0x8F2B, s0  }
0xbd: {  	[sflag:s0] =	ssyncadd.remote.s32 $0x1  }
0xbe: {  	_ =	sfence.sel $0xFFFF  }
0xbf: {  	[dreg:$0x0] =	wrdreg $0xFFFFFFFF;
	(pc) =	sbr.abs _section_cstart, $3  }
0xc0: {  	[dreg:$0x1] =	wrdreg $0xFFFFFFFF  }
0xc1: {  	_ =	task.clear_ibuf [dreg:s6], $0x2FFFF;
	_ =	strace $0x9FFFFFFF  }
0xc2: {  	(tm) =	ssettm $0x7FFFFFFF  }
0xc3: {  	_ =	shalt  }
tec
execute0_lowered:
.L_overlay_start_1:
0x0: {  	(tag) =	ssettag $0x1  }
0x1: {  	s8 =	rddreg [dreg:$0x0]  }
0x2: {  	s2 =	rddreg [dreg:$0x1]  }
0x3: {  	s0 =	rddreg [dreg:$0x2];
	s1 =	stileid.u32  }
0x4: {  	s4 =	srdreg.scid;
	s3 =	simm.s32 $0x0;
	s16 =	simm.s32 $0x100  }
0x5: {  	s17 =	simm.s32 $0xA000;
	s18 =	simm.s32 $0xE000;
	s19 =	simm.s32 $0x1  }
0x6: {  	s20 =	simm.s32 $0x9E00;
	s21 =	simm.s32 $0x9F00;
	s22 =	simm.s32 $0x0  }
0x7: {  	s7 =	sand.u32 $0x1, s4;
	s9 =	smul.u32 $0x9C40, s1;
	[smem:$0x7FF] =	sst s3  }
0x8: {  	s6 =	smul.u32 $0xA00, s1;
	s4 =	sadd.s32 $0x68A00, s8;
	s14 =	sshll.u32 s1, $0x6  }
0x9: {  	s5 =	smul.u32 $0x9C400, s7;
	_ =	strace $0x8000004A;
	s10 =	ssub.s32 $0x2, s7  }
0xa: {  	p0 =	seq.s32 s7, $0x1;
	s14 =	sor.u32 $0x1C02, s14;
	s6 =	sadd.s32 s6, s8  }
0xb: {  	s11 =	sshrl.u32 s10, $0x1;
	s13 =	sshrl.u32 s9, $0x3;
	s15 =	sadd.s32 s9, s2  }
.Ltmp0:
0xc: {  	s5 =	sadd.s32 s9, s5;
	s10 =	ssub.s32 s10, s11;
	(pc) =	sbr.rel .LBB2_1-.Ltmp0, $4  }
0xd: {  	s7 =	sadd.s32 s4, s13;
	s11 =	simm.s32 $0x2;
	s5 =	sshrl.u32 s5, $0x3  }
0xe: {  	s15 =	sshrl.u32 s15, $0x3;
	s10 =	smax.u32 s10, $0x1;
	s12 =	sadd.s32 s5, s8  }
0xf: {  	s5 =	sadd.s32 $0x10800, s6;
	s6 =	sadd.s32 $0x1600, s6;
	s8 =	sadd.s32 $0x7C280, s8  }
0x10: {  	s9 =	sadd.s32 $0x1A800, s12;
	s12 =	simm.s32 $0x5000;
	s13 =	sadd.s32 s13, s8  }
.LBB2_7:
0x11: {  	[tilespmem:s18], [sflag:$0x1] =	stream.indirect.gather [hbm4b:s8+s16], $0x40, s24, s16, $0xb8;
	[tilespmem:$0x1BC60] =	vst v63  }
.LBB2_8:
0x12: {  	_ =	swait.ge [sflag:s19], $0x4000  }
0x13: {  	[sflag:s19] =	ssyncset.done $0x0  }
0x14: {  	[sflag:s19] =	ssyncadd.s32 $0xFFFFC000  }
0x15: {  	[spmem:s2] =	stream.indirect.scatter.add.f32 [tilespmem:s17], [sflag:$0x2], $0x40, s20, s16, $0xb8;
	[tilespmem:$0x1BC60] =	vst v63  }
0x16: {  	_ =	swait.ge [sflag:s11], $0x4000  }
0x17: {  	[sflag:s11] =	ssyncset.done $0x0  }
0x18: {  	[sflag:s11] =	ssyncadd.s32 $0xFFFFC000  }
0x19: {  	_ =	swait.ge [sflag:s19], $0x4000  }
0x1a: {  	[sflag:s19] =	ssyncset.done $0x0  }
0x1b: {  	[sflag:s19] =	ssyncadd.s32 $0xFFFFC000  }
0x1c: {  	[spmem:s2] =	stream.indirect.scatter.add.f32 [tilespmem:s18], [sflag:$0x2], $0x40, s21, s16, $0xb8;
	[tilespmem:$0x1BC60] =	vst v63  }
0x1d: {  	_ =	swait.ge [sflag:s11], $0x4000  }
0x1e: {  	s22 =	sadd.s32 $0x1, s22;
	[sflag:s11] =	ssyncset.done $0x0  }
0x1f: {  	p1 =	sne.s32 s22, s10;
	[sflag:s11] =	ssyncadd.s32 $0xFFFFC000  }
.Ltmp1:
0x20: {  	[bflag:$0x0] =	sbarrier.arrive $0xFFFF;
	(pc) =	sbr.rel @!p1 .LBB2_9-.Ltmp1, $4  }
0x21: {  	[hbm:s9], [sflag:s14] =	dma.local [spmem:s15], $0x1388  }
0x22: {  	_ =	swait.ge [sflag:s11], $0x1388  }
0x23: {  	[sflag:s11] =	ssyncset.done $0x0  }
0x24: {  	[sflag:s11] =	ssyncadd.s32 $0xFFFFEC78  }
.LBB2_1:
0x25: {  	[tilespmem:s3], [sflag:$0x2] =	stream.linear.gather [hbm4b:s5+s3], $0x5000, $0x38;
	[tilespmem:$0x1BC60] =	vst v63  }
0x26: {  	_ =	swait.ge [sflag:s11], $0x5000  }
0x27: {  	[sflag:s11] =	ssyncset.done $0x0  }
.Ltmp2:
0x28: {  	[sflag:s11] =	ssyncadd.s32 $0xFFFFB000;
	(pc) =	sbr.rel @!p0 .LBB2_2-.Ltmp2, $4  }
0x29: {  	[tilespmem:s12], [sflag:$0x2] =	stream.linear.gather [hbm4b:s6+s3], $0x5000, $0x38;
	[tilespmem:$0x1BC60] =	vst v63  }
0x2a: {  	_ =	swait.ge [sflag:s11], $0x5000  }
0x2b: {  	[sflag:s11] =	ssyncset.done $0x0  }
0x2c: {  	[sflag:s11] =	ssyncadd.s32 $0xFFFFB000  }
0x2d: {  	[spmem:s15], [sflag:s14] =	dma.local [hbm:s13], $0x1388  }
0x2e: {  	_ =	swait.ge [sflag:s11], $0x1388  }
0x2f: {  	[sflag:s11] =	ssyncset.done $0x0  }
0x30: {  	[sflag:s11] =	ssyncadd.s32 $0xFFFFEC78  }
0x31: {  	s23 =	simm.s32 $0x0;
	[bflag:$0x0] =	sbarrier.arrive $0xFFFF  }
0x32: {  	[tilespmem:s17], [sflag:$0x1] =	stream.indirect.gather [hbm4b:s8+s16], $0x40, s23, s16, $0xb8;
	[tilespmem:$0x1BC60] =	vst v63  }
0x33: {  	_ = 	snop  }
0x34: {  	[tilespmem:s18], [sflag:$0x1] =	stream.indirect.gather [hbm4b:s8+s16], $0x40, s16, s16, $0xb8;
	[tilespmem:$0x1BC60] =	vst v63  }
0x35: {  	_ =	swait.ge [sflag:s19], $0x4000  }
0x36: {  	[sflag:s19] =	ssyncset.done $0x0  }
0x37: {  	s29 =	simm.s32 $0x5000;
	[sflag:s19] =	ssyncadd.s32 $0xFFFFC000  }
0x38: {  	[spmem:s2] =	stream.indirect.scatter.add.f32 [tilespmem:s17], [sflag:$0x2], $0x40, s29, s16, $0xb8;
	[tilespmem:$0x1BC60] =	vst v63  }
0x39: {  	_ =	swait.ge [sflag:s11], $0x4000  }
0x3a: {  	[sflag:s11] =	ssyncset.done $0x0  }
0x3b: {  	s30 =	simm.s32 $0x200;
	[sflag:s11] =	ssyncadd.s32 $0xFFFFC000  }
0x3c: {  	[tilespmem:s17], [sflag:$0x1] =	stream.indirect.gather [hbm4b:s8+s16], $0x40, s30, s16, $0xb8;
	[tilespmem:$0x1BC60] =	vst v63  }
0x3d: {  	_ =	swait.ge [sflag:s19], $0x4000  }
0x3e: {  	[sflag:s19] =	ssyncset.done $0x0  }
0x3f: {  	s31 =	simm.s32 $0x5100;
	[sflag:s19] =	ssyncadd.s32 $0xFFFFC000  }
0x40: {  	[spmem:s2] =	stream.indirect.scatter.add.f32 [tilespmem:s18], [sflag:$0x2], $0x40, s31, s16, $0xb8;
	[tilespmem:$0x1BC60] =	vst v63  }
0x41: {  	_ =	swait.ge [sflag:s11], $0x4000  }
0x42: {  	[sflag:s11] =	ssyncset.done $0x0  }
0x43: {  	s24 =	simm.s32 $0x300;
	s23 =	simm.s32 $0x800;
	[sflag:s11] =	ssyncadd.s32 $0xFFFFC000  }
.LBB2_6:
0x44: {  	[tilespmem:s18], [sflag:$0x1] =	stream.indirect.gather [hbm4b:s8+s16], $0x40, s24, s16, $0xb8;
	[tilespmem:$0x1BC60] =	vst v63  }
0x45: {  	s24 =	smov.u32 s23  }
0x46: {  	p1 =	sne.s32 s23, $0x13000;
	s23 =	sadd.s32 $0x800, s23;
	_ =	swait.ge [sflag:s19], $0x4000  }
0x47: {  	s24 =	sshra.s32 s24, $0x2;
	[sflag:s19] =	ssyncset.done $0x0  }
0x48: {  	s25 =	sadd.s32 $0x5000, s24;
	[sflag:s19] =	ssyncadd.s32 $0xFFFFC000  }
0x49: {  	[spmem:s2] =	stream.indirect.scatter.add.f32 [tilespmem:s17], [sflag:$0x2], $0x40, s25, s16, $0xb8;
	[tilespmem:$0x1BC60] =	vst v63  }
0x4a: {  	_ =	swait.ge [sflag:s11], $0x4000  }
0x4b: {  	[sflag:s11] =	ssyncset.done $0x0  }
0x4c: {  	s25 =	sadd.s32 $0x200, s24;
	[sflag:s11] =	ssyncadd.s32 $0xFFFFC000  }
0x4d: {  	[tilespmem:s17], [sflag:$0x1] =	stream.indirect.gather [hbm4b:s8+s16], $0x40, s25, s16, $0xb8;
	[tilespmem:$0x1BC60] =	vst v63  }
0x4e: {  	_ =	swait.ge [sflag:s19], $0x4000  }
0x4f: {  	[sflag:s19] =	ssyncset.done $0x0  }
.Ltmp3:
0x50: {  	s25 =	sadd.s32 $0x5100, s24;
	[sflag:s19] =	ssyncadd.s32 $0xFFFFC000;
	(pc) =	sbr.rel @p1 .LBB2_6-.Ltmp3, $4  }
0x51: {  	[spmem:s2] =	stream.indirect.scatter.add.f32 [tilespmem:s18], [sflag:$0x2], $0x40, s25, s16, $0xb8;
	[tilespmem:$0x1BC60] =	vst v63  }
0x52: {  	_ =	swait.ge [sflag:s11], $0x4000  }
0x53: {  	[sflag:s11] =	ssyncset.done $0x0  }
0x54: {  	s24 =	sadd.s32 $0x300, s24;
	[sflag:s11] =	ssyncadd.s32 $0xFFFFC000  }
.Ltmp4:
0x55: {  	_ = 	snop;
	(pc) =	sbr.rel .LBB2_7-.Ltmp4, $1  }
0x56: {  	_ =	sdelay $0x3  }
.LBB2_2:
0x57: {  	[spmem:s15], [sflag:s14] =	dma.local [hbm:s7], $0x1388  }
0x58: {  	_ =	swait.ge [sflag:s11], $0x1388  }
0x59: {  	[sflag:s11] =	ssyncset.done $0x0  }
0x5a: {  	[sflag:s11] =	ssyncadd.s32 $0xFFFFEC78  }
0x5b: {  	s23 =	simm.s32 $0x0;
	[bflag:$0x0] =	sbarrier.arrive $0xFFFF  }
0x5c: {  	[tilespmem:s17], [sflag:$0x1] =	stream.indirect.gather [hbm4b:s4+s16], $0x40, s23, s16, $0xb8;
	[tilespmem:$0x1BC60] =	vst v63  }
0x5d: {  	_ = 	snop  }
0x5e: {  	[tilespmem:s18], [sflag:$0x1] =	stream.indirect.gather [hbm4b:s4+s16], $0x40, s16, s16, $0xb8;
	[tilespmem:$0x1BC60] =	vst v63  }
0x5f: {  	_ =	swait.ge [sflag:s19], $0x4000  }
0x60: {  	[sflag:s19] =	ssyncset.done $0x0  }
0x61: {  	s29 =	simm.s32 $0x5000;
	[sflag:s19] =	ssyncadd.s32 $0xFFFFC000  }
0x62: {  	[spmem:s2] =	stream.indirect.scatter.add.f32 [tilespmem:s17], [sflag:$0x2], $0x40, s29, s16, $0xb8;
	[tilespmem:$0x1BC60] =	vst v63  }
0x63: {  	_ =	swait.ge [sflag:s11], $0x4000  }
0x64: {  	[sflag:s11] =	ssyncset.done $0x0  }
0x65: {  	s30 =	simm.s32 $0x200;
	[sflag:s11] =	ssyncadd.s32 $0xFFFFC000  }
0x66: {  	[tilespmem:s17], [sflag:$0x1] =	stream.indirect.gather [hbm4b:s4+s16], $0x40, s30, s16, $0xb8;
	[tilespmem:$0x1BC60] =	vst v63  }
0x67: {  	_ =	swait.ge [sflag:s19], $0x4000  }
0x68: {  	[sflag:s19] =	ssyncset.done $0x0  }
0x69: {  	s31 =	simm.s32 $0x5100;
	[sflag:s19] =	ssyncadd.s32 $0xFFFFC000  }
0x6a: {  	[spmem:s2] =	stream.indirect.scatter.add.f32 [tilespmem:s18], [sflag:$0x2], $0x40, s31, s16, $0xb8;
	[tilespmem:$0x1BC60] =	vst v63  }
0x6b: {  	_ =	swait.ge [sflag:s11], $0x4000  }
0x6c: {  	[sflag:s11] =	ssyncset.done $0x0  }
0x6d: {  	s24 =	simm.s32 $0x300;
	s23 =	simm.s32 $0x800;
	[sflag:s11] =	ssyncadd.s32 $0xFFFFC000  }
.LBB2_3:
0x6e: {  	[tilespmem:s18], [sflag:$0x1] =	stream.indirect.gather [hbm4b:s4+s16], $0x40, s24, s16, $0xb8;
	[tilespmem:$0x1BC60] =	vst v63  }
0x6f: {  	s24 =	smov.u32 s23  }
0x70: {  	p1 =	seq.s32 s23, $0x13000;
	s23 =	sadd.s32 $0x800, s23;
	_ =	swait.ge [sflag:s19], $0x4000  }
0x71: {  	s24 =	sshra.s32 s24, $0x2;
	[sflag:s19] =	ssyncset.done $0x0  }
0x72: {  	s25 =	sadd.s32 $0x5000, s24;
	[sflag:s19] =	ssyncadd.s32 $0xFFFFC000  }
0x73: {  	[spmem:s2] =	stream.indirect.scatter.add.f32 [tilespmem:s17], [sflag:$0x2], $0x40, s25, s16, $0xb8;
	[tilespmem:$0x1BC60] =	vst v63  }
0x74: {  	_ =	swait.ge [sflag:s11], $0x4000  }
0x75: {  	[sflag:s11] =	ssyncset.done $0x0  }
0x76: {  	s25 =	sadd.s32 $0x200, s24;
	[sflag:s11] =	ssyncadd.s32 $0xFFFFC000  }
0x77: {  	[tilespmem:s17], [sflag:$0x1] =	stream.indirect.gather [hbm4b:s4+s16], $0x40, s25, s16, $0xb8;
	[tilespmem:$0x1BC60] =	vst v63  }
0x78: {  	_ =	swait.ge [sflag:s19], $0x4000  }
0x79: {  	[sflag:s19] =	ssyncset.done $0x0  }
.Ltmp5:
0x7a: {  	s25 =	sadd.s32 $0x5100, s24;
	[sflag:s19] =	ssyncadd.s32 $0xFFFFC000;
	(pc) =	sbr.rel @!p1 .LBB2_3-.Ltmp5, $4  }
0x7b: {  	[spmem:s2] =	stream.indirect.scatter.add.f32 [tilespmem:s18], [sflag:$0x2], $0x40, s25, s16, $0xb8;
	[tilespmem:$0x1BC60] =	vst v63  }
0x7c: {  	_ =	swait.ge [sflag:s11], $0x4000  }
0x7d: {  	[sflag:s11] =	ssyncset.done $0x0  }
0x7e: {  	s24 =	sadd.s32 $0x300, s24;
	[sflag:s11] =	ssyncadd.s32 $0xFFFFC000  }
.Ltmp6:
0x7f: {  	(pc) =	sbr.rel .LBB2_8-.Ltmp6, $2  }
0x80: {  	_ =	sdelay $0x2  }
0x81: {  	[tilespmem:s18], [sflag:$0x1] =	stream.indirect.gather [hbm4b:s4+s16], $0x40, s24, s16, $0xb8;
	[tilespmem:$0x1BC60] =	vst v63  }
.LBB2_9:
0x82: {  	_ =	sfence.sel $0x180000  }
0x83: {  	[bflag:$0x0] =	sbarrier.arrive $0xFFFF  }
0x84: {  	p0 =	sne.s32 s1, $0x0;
	_ =	strace $0x9000004A  }
0x85: {  	s0 =	sadd.s32 @!p0 $0x100000, s0;
	[bflag:$0x2] =	sbarrier.arrive $0xFFFF  }
0x86: {  	[sflag:s0] =	ssyncadd.tile.s32 @!p0 $0x1;
	_ =	shalt  }
.Lfunc_end2:
_tile_overlayer_lowered:
.L_overlay_start_2:
0x87: {  	(tag) =	ssettag $0x2  }
0x88: {  	s0 =	rddreg [dreg:$0x0];
	s2 =	stileid.u32  }
0x89: {  	s1 =	rddreg [dreg:$0x1];
	p0 =	sne.s32 s2, $0x0  }
0x8a: {  	s3 =	rddreg [dreg:$0x2];
	[bflag:$0x3] =	sbarrier.arrive $0xFFFF;
	s2 =	simm.s32 @!p0 $0x1C02  }
0x8b: {  	[timem:s3], [sflag:s2] =	dma.local @!p0 [hbm:s0], s1  }
0x8c: {  	s0 =	simm.s32 @!p0 $0x2  }
0x8d: {  	_ =	swait.ge @!p0 [sflag:s0], s1  }
0x8e: {  	s1 =	ssub.s32 @!p0 $0x0, s1;
	[sflag:s0] =	ssyncset.done @!p0 $0x0  }
0x8f: {  	[sflag:s0] =	ssyncadd.s32 @!p0 s1  }
0x90: {  	[bflag:$0x3] =	sbarrier.arrive $0xFFFF  }
0x91: {  	_ =	shalt  }

// kernel: kernel.15.cloned.1.call-start
scs
__scs_entry_jumppad:
0x0: {  	(pc) =	sbr.rel $0x88, $3  }
0x1: {  	(tag) =	ssettag $0x0;
	lr =	simm.s32 $0x1  }
0x2: {  	[smem:$0x3F9B] =	sst lr;
	_ =	strace $0xD0000000  }
0x3: {  	_ = 	snop  }
0x4: {  	_ = 	snop  }
0x5: {  	_ = 	snop  }
0x6: {  	_ = 	snop  }
0x7: {  	_ = 	snop  }
__scs_overlays_trampoline_lowered:
0x8: {  	[smem:$0x3FAA] =	sst s0  }
0x9: {  	[smem:$0x3FAB] =	sst s1  }
0xa: {  	[smem:$0x3FAC] =	sst s2  }
0xb: {  	[smem:$0x3FAD] =	sst s3  }
0xc: {  	[smem:$0x3FAE] =	sst s4  }
0xd: {  	[smem:$0x3FAF] =	sst s5  }
0xe: {  	[smem:$0x3FB0] =	sst s6  }
0xf: {  	[smem:$0x3FB1] =	sst s7  }
0x10: {  	[smem:$0x3FB2] =	sst s8  }
0x11: {  	[smem:$0x3FB3] =	sst s9;
	s0 =	simm.s32 @!p0 $0x0  }
0x12: {  	s1 =	sld [smem:$0x3F99];
	s0 =	simm.s32 @p0 $0x1  }
0x13: {  	[smem:$0x3FB4] =	sst s0;
	s0 =	simm.s32 @!p1 $0x0  }
0x14: {  	s2 =	sld [smem:$0x3F98];
	s0 =	simm.s32 @p1 $0x1  }
0x15: {  	[smem:$0x3FB5] =	sst s0;
	s0 =	simm.s32 @!p2 $0x0  }
0x16: {  	s3 =	sld [smem:$0x3FDB];
	s0 =	simm.s32 @p2 $0x1  }
0x17: {  	s4 =	simm.s32 $0x1BF5;
	[smem:$0x3FB7] =	sst s0  }
0x18: {  	s0 =	sld [smem:$0x3F9A];
	_ =	swait.ge [sflag:s4], $0x0  }
0x19: {  	s7 =	sld [smem:$0x3F9B]  }
0x1a: {  	s8 =	sadd.s32 $0xFFFFE003, lr  }
0x1b: {  	s9 =	sadd.s32 $0xFFFFFEF7, lr;
	s5 =	simm.s32 $0xFFFFFFFF;
	p2 =	slt.u32 s8, $0xFFFFF086  }
0x1c: {  	p1 =	slt.u32 s9, $0xF7A;
	s5 =	simm.s32 @!p2 $0x0  }
0x1d: {  	s5 =	simm.s32 @p1 $0x1;
	p0 =	seq.s32 s7, s2  }
0x1e: {  	s7 =	smul.u32 @!p0 $0xF7A, s2;
	p2 =	seq.s32 @!p0 s5, $0x0  }
0x1f: {  	s9 =	smul.u32 $0xF7A, s1;
	s8 =	simm.s32 @!p0 $0x1BF5;
	p2 =	por !p2, p0  }
0x20: {  	[sflag:s8] =	ssyncset.s32 @!p0 $0xFFFFF086;
	s6 =	sadd.s32 @!p0 s3, s7;
	s7 =	simm.s32 @!p0 $0x108  }
0x21: {  	s3 =	sadd.s32 s3, s9;
	s6 =	sadd.s32 @!p0 $0x88, s6;
	s7 =	simm.s32 @p2 $0x1082  }
0x22: {  	[simem:s7], [sflag:s8] =	dma.local @!p0 [hbm:s6], $0xF7A  }
0x23: {  	s9 =	sor.u32 $0xD0000000, s2;
	s6 =	simm.s32 $0x108;
	_ =	swait.ge @!p0 [sflag:s8], $0x0  }
0x24: {  	s3 =	sadd.s32 $0x88, s3;
	s6 =	simm.s32 @!p1 $0x1082;
	[sflag:s4] =	ssyncset.s32 $0xFFFFF086  }
0x25: {  	[simem:s6], [sflag:s4] =	dma.local [hbm:s3], $0xF7A  }
0x26: {  	[smem:$0x3F9B] =	sst s1;
	(tag) =	ssettag s2;
	_ =	strace s9  }
0x27: {  	s1 =	sld [smem:$0x3FAB]  }
0x28: {  	s2 =	sld [smem:$0x3FAC]  }
0x29: {  	s4 =	sld [smem:$0x3FAE]  }
0x2a: {  	p0 =	seq.s32 s5, $0x0;
	s5 =	sld [smem:$0x3FAF]  }
0x2b: {  	s6 =	sld [smem:$0x3FB0]  }
0x2c: {  	s7 =	sld [smem:$0x3FB1]  }
0x2d: {  	s3 =	simm.s32 $0x108;
	s8 =	sld [smem:$0x3FB2]  }
0x2e: {  	s3 =	simm.s32 @!p0 $0x1082;
	s9 =	sld [smem:$0x3FB3]  }
0x2f: {  	lr =	sadd.s32 s0, s3;
	s0 =	sld [smem:$0x3FAA]  }
0x30: {  	s3 =	sld [smem:$0x3FAD]  }
0x31: {  	[smem:$0x3FB6] =	sst s10  }
0x32: {  	s10 =	sld [smem:$0x3FB4];
	_ =	sdelay $0x3  }
0x33: {  	p0 =	seq.s32 s10, $0x1;
	s10 =	sld [smem:$0x3FB6];
	_ =	sdelay $0x3  }
0x34: {  	[smem:$0x3FB6] =	sst s10  }
0x35: {  	s10 =	sld [smem:$0x3FB5];
	_ =	sdelay $0x3  }
0x36: {  	p1 =	seq.s32 s10, $0x1;
	s10 =	sld [smem:$0x3FB6];
	_ =	sdelay $0x3  }
0x37: {  	[smem:$0x3FB6] =	sst s10  }
0x38: {  	s10 =	sld [smem:$0x3FB7]  }
0x39: {  	_ = 	snop;
	(pc) =	sbr.ind lr, $3  }
0x3a: {  	_ = 	snop  }
0x3b: {  	_ = 	snop  }
0x3c: {  	p2 =	seq.s32 s10, $0x1;
	s10 =	sld [smem:$0x3FB6]  }
0x3d: {  	_ =	shalt  }
0x3e: {  	_ =	shalt  }
0x3f: {  	_ =	shalt  }
0x40: {  	_ =	shalt  }
0x41: {  	_ =	shalt  }
0x42: {  	_ =	shalt  }
0x43: {  	_ =	shalt  }
0x44: {  	_ =	shalt  }
0x45: {  	_ =	shalt  }
0x46: {  	_ =	shalt  }
0x47: {  	_ =	shalt  }
0x48: {  	_ =	shalt  }
0x49: {  	_ =	shalt  }
0x4a: {  	_ =	shalt  }
0x4b: {  	_ =	shalt  }
0x4c: {  	_ =	shalt  }
0x4d: {  	_ =	shalt  }
0x4e: {  	_ =	shalt  }
0x4f: {  	_ =	shalt  }
0x50: {  	_ =	shalt  }
0x51: {  	_ =	shalt  }
0x52: {  	_ =	shalt  }
0x53: {  	_ =	shalt  }
0x54: {  	_ =	shalt  }
0x55: {  	_ =	shalt  }
0x56: {  	_ =	shalt  }
0x57: {  	_ =	shalt  }
0x58: {  	_ =	shalt  }
0x59: {  	_ =	shalt  }
0x5a: {  	_ =	shalt  }
0x5b: {  	_ =	shalt  }
0x5c: {  	_ =	shalt  }
0x5d: {  	_ =	shalt  }
0x5e: {  	_ =	shalt  }
0x5f: {  	_ =	shalt  }
0x60: {  	_ =	shalt  }
0x61: {  	_ =	shalt  }
0x62: {  	_ =	shalt  }
0x63: {  	_ =	shalt  }
0x64: {  	_ =	shalt  }
0x65: {  	_ =	shalt  }
0x66: {  	_ =	shalt  }
0x67: {  	_ =	shalt  }
0x68: {  	_ =	shalt  }
0x69: {  	_ =	shalt  }
0x6a: {  	_ =	shalt  }
0x6b: {  	_ =	shalt  }
0x6c: {  	_ =	shalt  }
0x6d: {  	_ =	shalt  }
0x6e: {  	_ =	shalt  }
0x6f: {  	_ =	shalt  }
0x70: {  	_ =	shalt  }
0x71: {  	_ =	shalt  }
0x72: {  	_ =	shalt  }
0x73: {  	_ =	shalt  }
0x74: {  	_ =	shalt  }
0x75: {  	_ =	shalt  }
0x76: {  	_ =	shalt  }
0x77: {  	_ =	shalt  }
0x78: {  	_ =	shalt  }
0x79: {  	_ =	shalt  }
0x7a: {  	_ =	shalt  }
0x7b: {  	_ =	shalt  }
0x7c: {  	_ =	shalt  }
0x7d: {  	_ =	shalt  }
0x7e: {  	_ =	shalt  }
0x7f: {  	_ =	shalt  }
0x80: {  	_ =	shalt  }
0x81: {  	_ =	shalt  }
0x82: {  	_ =	shalt  }
0x83: {  	_ =	shalt  }
0x84: {  	_ =	shalt  }
0x85: {  	_ =	shalt  }
0x86: {  	_ =	shalt  }
0x87: {  	_ =	shalt  }
.Lfunc_end0:
.L_simem_size_0:
called_computation.2_lowered:
.L_overlay_start_0:
0x88: {  	s2 =	sld [smem:$0x3FD9]  }
0x89: {  	s3 =	sld [smem:$0x3FFE];
	_ =	sdelay $0x1  }
0x8a: {  	s1 =	srdreg.scid  }
0x8b: {  	s0 =	sand.u32 $0x1, s1  }
0x8c: {  	s17 =	sshll.u32 s0, $0xA;
	s2 =	sadd.s32 s3, s2  }
0x8d: {  	s2 =	sadd.s32 s2, s17  }
0x8e: {  	[smem:$0x3FC2] =	sst s2  }
0x8f: {  	_ = 	snop  }
0x90: {  	s2 =	sld [smem:$0x3FD0];
	(tm) =	ssettm $0x1  }
0x91: {  	s18 =	sld [smem:$0x3FFB];
	_ =	sdelay $0x3  }
0x92: {  	_ =	strace s18  }
0x93: {  	s3 =	sld [smem:$0x3FFC];
	_ =	sdelay $0x3  }
0x94: {  	_ =	strace s3  }
0x95: {  	s3 =	sld [smem:$0x3FFD];
	_ =	sdelay $0x3  }
0x96: {  	_ =	strace s3  }
0x97: {  	_ =	strace $0x8FFFFFFF  }
0x98: {  	s19 =	sld [smem:$0x3FDB];
	_ =	sdelay $0x1  }
0x99: {  	s4 =	simm.s32 $_scs_section_size  }
0x9a: {  	s5 =	simm.s32 $_size__tile_overlayer_lowered;
	s6 =	simm.s32 $_tile_overlayer_lowered  }
0x9b: {  	s22 =	simm.s32 $0x1BFF;
	s21 =	sshll.u32 s6, $0x1;
	s3 =	sadd.s32 s4, s19  }
0x9c: {  	s7 =	simm.s32 $0x0;
	s20 =	sshll.u32 s5, $0x1;
	s5 =	sadd.s32 s21, s3  }
0x9d: {  	[timem:s7], [sflag:s22] =	dma.local [hbm:s5], s20  }
0x9e: {  	_ =	swait.ge [sflag:s22], s20  }
0x9f: {  	s4 =	ssub.s32 $0x0, s20;
	[sflag:s22] =	ssyncset.done $0x0  }
0xa0: {  	[sflag:s22] =	ssyncadd.s32 s4;
	_ =	sdelay $0x1  }
0xa1: {  	s23 =	simm.s32 $0x1B8B  }
0xa2: {  	_ =	swait.ge [sflag:s23], $0x1  }
0xa3: {  	[sflag:s23] =	ssyncset.done $0x0  }
0xa4: {  	s25 =	simm.s32 $0x1B8E;
	s24 =	sld [smem:$0x3FFE];
	[sflag:s23] =	ssyncadd.s32 $0xFFFFFFFF  }
0xa5: {  	s26 =	simm.s32 $execute0_lowered;
	[smem:$0x3FD2] =	sst s25  }
0xa6: {  	s5 =	sshll.u32 s26, $0x1;
	_ =	strace $0x8000004C;
	[dreg:$0x1] =	wrdreg $0xFFFFFFFF  }
0xa7: {  	s28 =	simm.s32 $_size_execute0_lowered;
	s3 =	sadd.s32 s3, s5;
	[dreg:$0x0] =	wrdreg $0x0  }
0xa8: {  	s5 =	sshll.u32 s28, $0x1;
	[dreg:$0x2] =	wrdreg s3  }
0xa9: {  	[dreg:$0x3] =	wrdreg s5  }
0xaa: {  	[dreg:$0x4] =	wrdreg $0xC0  }
0xab: {  	_ =	task [dreg:s7], $0x5FFFF  }
0xac: {  	[dreg:$0x1] =	wrdreg $0xFFFFFFFF  }
0xad: {  	[dreg:$0x0] =	wrdreg $0x60  }
0xae: {  	[dreg:$0x2] =	wrdreg s2  }
0xaf: {  	[dreg:$0x3] =	wrdreg s24  }
0xb0: {  	[dreg:$0x4] =	wrdreg $0x120000  }
0xb1: {  	[dreg:$0x5] =	wrdreg $0x16E300  }
0xb2: {  	[dreg:$0x6] =	wrdreg $0x9  }
0xb3: {  	_ =	task.clear_ibuf [dreg:s7], $0x7FFFF;
	_ =	strace $0x9000004C  }
0xb4: {  	s29 =	simm.s32 $0x9;
	_ =	strace $0x8000004E  }
0xb5: {  	_ =	swait.ge [sflag:s29], $0x1  }
0xb6: {  	[sflag:s29] =	ssyncadd.s32 $0xFFFFFFFF  }
0xb7: {  	_ =	strace $0x9000004E  }
0xb8: {  	_ =	sfence  }
0xb9: {  	s30 =	sld [smem:$0x0];
	_ =	sdelay $0x2  }
0xba: {  	s31 =	sshll.u32 s1, $0xD;
	s1 =	sshrl.u32 s1, $0x2  }
0xbb: {  	s3 =	sand.u32 $0x4000, s31;
	s1 =	sadd.s32 s1, s30  }
0xbc: {  	s0 =	sor.u32 s3, s0;
	s1 =	sshll.u32 s1, $0x11  }
0xbd: {  	s0 =	sor.u32 s1, s0  }
0xbe: {  	s0 =	sadd.s32 $0x8F2B, s0  }
0xbf: {  	[sflag:s0] =	ssyncadd.remote.s32 $0x1  }
0xc0: {  	_ =	sfence.sel $0xFFFF  }
0xc1: {  	[dreg:$0x0] =	wrdreg $0xFFFFFFFF;
	(pc) =	sbr.abs _section_cstart, $3  }
0xc2: {  	[dreg:$0x1] =	wrdreg $0xFFFFFFFF  }
0xc3: {  	_ =	task.clear_ibuf [dreg:s7], $0x2FFFF;
	_ =	strace $0x9FFFFFFF  }
0xc4: {  	(tm) =	ssettm $0x7FFFFFFF  }
0xc5: {  	_ =	shalt  }
tec
execute0_lowered:
.L_overlay_start_1:
0x0: {  	(tag) =	ssettag $0x1  }
0x1: {  	s8 =	rddreg [dreg:$0x0]  }
0x2: {  	s5 =	rddreg [dreg:$0x1]  }
0x3: {  	s2 =	rddreg [dreg:$0x2];
	s0 =	stileid.u32  }
0x4: {  	s1 =	srdreg.scid;
	s3 =	rddreg [dreg:$0x3]  }
0x5: {  	s4 =	simm.s32 $0x0;
	s17 =	simm.s32 $0xA000;
	s18 =	simm.s32 $0xC000  }
0x6: {  	s19 =	simm.s32 $0x200;
	s20 =	simm.s32 $0xE000;
	s21 =	simm.s32 $0x300  }
0x7: {  	s22 =	simm.s32 $0x10000;
	s23 =	simm.s32 $0x1;
	s24 =	simm.s32 $0x9C00  }
0x8: {  	s25 =	simm.s32 $0x9D00;
	s26 =	simm.s32 $0x9E00;
	s28 =	simm.s32 $0x9F00  }
0x9: {  	s29 =	simm.s32 $0x0;
	s7 =	sand.u32 $0x1, s1;
	s9 =	smul.u32 $0x4E20, s0  }
0xa: {  	[smem:$0x7FF] =	sst s4;
	s10 =	smul.u32 $0xA00, s0;
	s16 =	sadd.s32 $0x9C40, s8  }
0xb: {  	s31 =	sshll.u32 s0, $0x6;
	s6 =	smul.u32 $0x4E200, s7;
	s11 =	ssub.s32 $0x2, s7  }
0xc: {  	_ =	strace $0x8000004D;
	p0 =	seq.s32 s7, $0x1;
	s12 =	sshrl.u32 s11, $0x1  }
0xd: {  	s10 =	sadd.s32 s10, s5;
	s30 =	sshrl.u32 s9, $0x3;
	s14 =	sadd.s32 s9, s2  }
0xe: {  	s15 =	sadd.s32 s9, s3;
	s6 =	sadd.s32 s9, s6;
	s11 =	ssub.s32 s11, s12  }
.Ltmp0:
0xf: {  	s7 =	sadd.s32 s8, s30;
	s12 =	sadd.s32 s30, s16;
	(pc) =	sbr.rel .LBB2_1-.Ltmp0, $4  }
0x10: {  	s14 =	sshrl.u32 s14, $0x3;
	s15 =	sshrl.u32 s15, $0x3;
	s16 =	simm.s32 $0x100  }
0x11: {  	s6 =	sshrl.u32 s6, $0x3;
	s9 =	smax.u32 s11, $0x1;
	s11 =	simm.s32 $0x5000  }
0x12: {  	s13 =	sadd.s32 s6, s5;
	s5 =	sadd.s32 $0x10800, s10;
	s6 =	sadd.s32 $0x1600, s10  }
0x13: {  	s10 =	simm.s32 $0x2;
	s8 =	sadd.s32 $0x1A800, s13;
	s13 =	sor.u32 $0x1C02, s31  }
.LBB2_7:
0x14: {  	[tilespmem:s22], [sflag:$0x1] =	stream.indirect.gather [spmem:s3], $0x20, s31, s16, $0xb8;
	[tilespmem:$0x1BC50] =	vst v63  }
.LBB2_8:
0x15: {  	_ =	swait.ge [sflag:s23], $0x2000  }
0x16: {  	[sflag:s23] =	ssyncset.done $0x0  }
0x17: {  	[sflag:s23] =	ssyncadd.s32 $0xFFFFE000  }
0x18: {  	[spmem:s2] =	stream.indirect.scatter.add.f32 [tilespmem:s17], [sflag:$0x2], $0x20, s24, s16, $0xb8;
	[tilespmem:$0x1BC50] =	vst v63  }
0x19: {  	_ =	swait.ge [sflag:s10], $0x2000  }
0x1a: {  	[sflag:s10] =	ssyncset.done $0x0  }
0x1b: {  	[sflag:s10] =	ssyncadd.s32 $0xFFFFE000  }
0x1c: {  	_ =	swait.ge [sflag:s23], $0x2000  }
0x1d: {  	[sflag:s23] =	ssyncset.done $0x0  }
0x1e: {  	[sflag:s23] =	ssyncadd.s32 $0xFFFFE000  }
0x1f: {  	[spmem:s2] =	stream.indirect.scatter.add.f32 [tilespmem:s18], [sflag:$0x2], $0x20, s25, s16, $0xb8;
	[tilespmem:$0x1BC50] =	vst v63  }
0x20: {  	_ =	swait.ge [sflag:s10], $0x2000  }
0x21: {  	[sflag:s10] =	ssyncset.done $0x0  }
0x22: {  	[sflag:s10] =	ssyncadd.s32 $0xFFFFE000  }
0x23: {  	_ =	swait.ge [sflag:s23], $0x2000  }
0x24: {  	[sflag:s23] =	ssyncset.done $0x0  }
0x25: {  	[sflag:s23] =	ssyncadd.s32 $0xFFFFE000  }
0x26: {  	[spmem:s2] =	stream.indirect.scatter.add.f32 [tilespmem:s20], [sflag:$0x2], $0x20, s26, s16, $0xb8;
	[tilespmem:$0x1BC50] =	vst v63  }
0x27: {  	_ =	swait.ge [sflag:s10], $0x2000  }
0x28: {  	[sflag:s10] =	ssyncset.done $0x0  }
0x29: {  	[sflag:s10] =	ssyncadd.s32 $0xFFFFE000  }
0x2a: {  	_ =	swait.ge [sflag:s23], $0x2000  }
0x2b: {  	[sflag:s23] =	ssyncset.done $0x0  }
0x2c: {  	[sflag:s23] =	ssyncadd.s32 $0xFFFFE000  }
0x2d: {  	[spmem:s2] =	stream.indirect.scatter.add.f32 [tilespmem:s22], [sflag:$0x2], $0x20, s28, s16, $0xb8;
	[tilespmem:$0x1BC50] =	vst v63  }
0x2e: {  	_ =	swait.ge [sflag:s10], $0x2000  }
0x2f: {  	s29 =	sadd.s32 $0x1, s29;
	[sflag:s10] =	ssyncset.done $0x0  }
0x30: {  	p1 =	sne.s32 s29, s9;
	[sflag:s10] =	ssyncadd.s32 $0xFFFFE000  }
.Ltmp1:
0x31: {  	[bflag:$0x0] =	sbarrier.arrive $0xFFFF;
	(pc) =	sbr.rel @!p1 .LBB2_9-.Ltmp1, $4  }
0x32: {  	[hbm:s8], [sflag:s13] =	dma.local [spmem:s14], $0x9C4  }
0x33: {  	_ =	swait.ge [sflag:s10], $0x9C4  }
0x34: {  	[sflag:s10] =	ssyncset.done $0x0  }
0x35: {  	[sflag:s10] =	ssyncadd.s32 $0xFFFFF63C  }
.LBB2_1:
0x36: {  	[tilespmem:s4], [sflag:$0x2] =	stream.linear.gather [hbm4b:s5+s4], $0x5000, $0x38;
	[tilespmem:$0x1BC50] =	vst v63  }
0x37: {  	_ =	swait.ge [sflag:s10], $0x5000  }
0x38: {  	[sflag:s10] =	ssyncset.done $0x0  }
.Ltmp2:
0x39: {  	[sflag:s10] =	ssyncadd.s32 $0xFFFFB000;
	(pc) =	sbr.rel @!p0 .LBB2_2-.Ltmp2, $4  }
0x3a: {  	[tilespmem:s11], [sflag:$0x2] =	stream.linear.gather [hbm4b:s6+s4], $0x5000, $0x38;
	[tilespmem:$0x1BC50] =	vst v63  }
0x3b: {  	_ =	swait.ge [sflag:s10], $0x5000  }
0x3c: {  	[sflag:s10] =	ssyncset.done $0x0  }
0x3d: {  	[sflag:s10] =	ssyncadd.s32 $0xFFFFB000  }
0x3e: {  	[spmem:s14], [sflag:s13] =	dma.local [hbm:s12], $0x9C4  }
0x3f: {  	_ =	swait.ge [sflag:s10], $0x9C4  }
0x40: {  	[sflag:s10] =	ssyncset.done $0x0  }
0x41: {  	[sflag:s10] =	ssyncadd.s32 $0xFFFFF63C  }
0x42: {  	[spmem:s15], [sflag:s13] =	dma.local [hbm:s12], $0x9C4  }
0x43: {  	_ =	swait.ge [sflag:s10], $0x9C4  }
0x44: {  	[sflag:s10] =	ssyncset.done $0x0  }
0x45: {  	[sflag:s10] =	ssyncadd.s32 $0xFFFFF63C  }
0x46: {  	s1 =	simm.s32 $0x0;
	[bflag:$0x0] =	sbarrier.arrive $0xFFFF  }
0x47: {  	[tilespmem:s17], [sflag:$0x1] =	stream.indirect.gather [spmem:s3], $0x20, s1, s16, $0xb8;
	[tilespmem:$0x1BC50] =	vst v63  }
0x48: {  	_ = 	snop  }
0x49: {  	[tilespmem:s18], [sflag:$0x1] =	stream.indirect.gather [spmem:s3], $0x20, s16, s16, $0xb8;
	[tilespmem:$0x1BC50] =	vst v63  }
0x4a: {  	_ = 	snop  }
0x4b: {  	[tilespmem:s20], [sflag:$0x1] =	stream.indirect.gather [spmem:s3], $0x20, s19, s16, $0xb8;
	[tilespmem:$0x1BC50] =	vst v63  }
0x4c: {  	_ = 	snop  }
0x4d: {  	[tilespmem:s22], [sflag:$0x1] =	stream.indirect.gather [spmem:s3], $0x20, s21, s16, $0xb8;
	[tilespmem:$0x1BC50] =	vst v63  }
0x4e: {  	_ =	swait.ge [sflag:s23], $0x2000  }
0x4f: {  	[sflag:s23] =	ssyncset.done $0x0  }
0x50: {  	s1 =	simm.s32 $0x5000;
	[sflag:s23] =	ssyncadd.s32 $0xFFFFE000  }
0x51: {  	[spmem:s2] =	stream.indirect.scatter.add.f32 [tilespmem:s17], [sflag:$0x2], $0x20, s1, s16, $0xb8;
	[tilespmem:$0x1BC50] =	vst v63  }
0x52: {  	_ =	swait.ge [sflag:s10], $0x2000  }
0x53: {  	[sflag:s10] =	ssyncset.done $0x0  }
0x54: {  	s1 =	simm.s32 $0x400;
	[sflag:s10] =	ssyncadd.s32 $0xFFFFE000  }
0x55: {  	[tilespmem:s17], [sflag:$0x1] =	stream.indirect.gather [spmem:s3], $0x20, s1, s16, $0xb8;
	[tilespmem:$0x1BC50] =	vst v63  }
0x56: {  	_ =	swait.ge [sflag:s23], $0x2000  }
0x57: {  	[sflag:s23] =	ssyncset.done $0x0  }
0x58: {  	s1 =	simm.s32 $0x5100;
	[sflag:s23] =	ssyncadd.s32 $0xFFFFE000  }
0x59: {  	[spmem:s2] =	stream.indirect.scatter.add.f32 [tilespmem:s18], [sflag:$0x2], $0x20, s1, s16, $0xb8;
	[tilespmem:$0x1BC50] =	vst v63  }
0x5a: {  	_ =	swait.ge [sflag:s10], $0x2000  }
0x5b: {  	[sflag:s10] =	ssyncset.done $0x0  }
0x5c: {  	s1 =	simm.s32 $0x500;
	[sflag:s10] =	ssyncadd.s32 $0xFFFFE000  }
0x5d: {  	[tilespmem:s18], [sflag:$0x1] =	stream.indirect.gather [spmem:s3], $0x20, s1, s16, $0xb8;
	[tilespmem:$0x1BC50] =	vst v63  }
0x5e: {  	_ =	swait.ge [sflag:s23], $0x2000  }
0x5f: {  	[sflag:s23] =	ssyncset.done $0x0  }
0x60: {  	s1 =	simm.s32 $0x5200;
	[sflag:s23] =	ssyncadd.s32 $0xFFFFE000  }
0x61: {  	[spmem:s2] =	stream.indirect.scatter.add.f32 [tilespmem:s20], [sflag:$0x2], $0x20, s1, s16, $0xb8;
	[tilespmem:$0x1BC50] =	vst v63  }
0x62: {  	_ =	swait.ge [sflag:s10], $0x2000  }
0x63: {  	[sflag:s10] =	ssyncset.done $0x0  }
0x64: {  	s1 =	simm.s32 $0x600;
	[sflag:s10] =	ssyncadd.s32 $0xFFFFE000  }
0x65: {  	[tilespmem:s20], [sflag:$0x1] =	stream.indirect.gather [spmem:s3], $0x20, s1, s16, $0xb8;
	[tilespmem:$0x1BC50] =	vst v63  }
0x66: {  	_ =	swait.ge [sflag:s23], $0x2000  }
0x67: {  	[sflag:s23] =	ssyncset.done $0x0  }
0x68: {  	s1 =	simm.s32 $0x5300;
	[sflag:s23] =	ssyncadd.s32 $0xFFFFE000  }
0x69: {  	[spmem:s2] =	stream.indirect.scatter.add.f32 [tilespmem:s22], [sflag:$0x2], $0x20, s1, s16, $0xb8;
	[tilespmem:$0x1BC50] =	vst v63  }
0x6a: {  	_ =	swait.ge [sflag:s10], $0x2000  }
0x6b: {  	[sflag:s10] =	ssyncset.done $0x0  }
0x6c: {  	s30 =	simm.s32 $0x1000;
	s31 =	simm.s32 $0x700;
	[sflag:s10] =	ssyncadd.s32 $0xFFFFE000  }
.LBB2_6:
0x6d: {  	[tilespmem:s22], [sflag:$0x1] =	stream.indirect.gather [spmem:s3], $0x20, s31, s16, $0xb8;
	[tilespmem:$0x1BC50] =	vst v63  }
0x6e: {  	s1 =	smov.u32 s30  }
0x6f: {  	p1 =	sne.s32 s30, $0x12000;
	s30 =	sadd.s32 $0x1000, s30;
	_ =	swait.ge [sflag:s23], $0x2000  }
0x70: {  	s31 =	sshra.s32 s1, $0x2;
	[sflag:s23] =	ssyncset.done $0x0  }
0x71: {  	s1 =	sadd.s32 $0x5000, s31;
	[sflag:s23] =	ssyncadd.s32 $0xFFFFE000  }
0x72: {  	[spmem:s2] =	stream.indirect.scatter.add.f32 [tilespmem:s17], [sflag:$0x2], $0x20, s1, s16, $0xb8;
	[tilespmem:$0x1BC50] =	vst v63  }
0x73: {  	_ =	swait.ge [sflag:s10], $0x2000  }
0x74: {  	[sflag:s10] =	ssyncset.done $0x0  }
0x75: {  	s1 =	sadd.s32 $0x400, s31;
	[sflag:s10] =	ssyncadd.s32 $0xFFFFE000  }
0x76: {  	[tilespmem:s17], [sflag:$0x1] =	stream.indirect.gather [spmem:s3], $0x20, s1, s16, $0xb8;
	[tilespmem:$0x1BC50] =	vst v63  }
0x77: {  	_ =	swait.ge [sflag:s23], $0x2000  }
0x78: {  	[sflag:s23] =	ssyncset.done $0x0  }
0x79: {  	s1 =	sadd.s32 $0x5100, s31;
	[sflag:s23] =	ssyncadd.s32 $0xFFFFE000  }
0x7a: {  	[spmem:s2] =	stream.indirect.scatter.add.f32 [tilespmem:s18], [sflag:$0x2], $0x20, s1, s16, $0xb8;
	[tilespmem:$0x1BC50] =	vst v63  }
0x7b: {  	_ =	swait.ge [sflag:s10], $0x2000  }
0x7c: {  	[sflag:s10] =	ssyncset.done $0x0  }
0x7d: {  	s1 =	sadd.s32 $0x500, s31;
	[sflag:s10] =	ssyncadd.s32 $0xFFFFE000  }
0x7e: {  	[tilespmem:s18], [sflag:$0x1] =	stream.indirect.gather [spmem:s3], $0x20, s1, s16, $0xb8;
	[tilespmem:$0x1BC50] =	vst v63  }
0x7f: {  	_ =	swait.ge [sflag:s23], $0x2000  }
0x80: {  	[sflag:s23] =	ssyncset.done $0x0  }
0x81: {  	s1 =	sadd.s32 $0x5200, s31;
	[sflag:s23] =	ssyncadd.s32 $0xFFFFE000  }
0x82: {  	[spmem:s2] =	stream.indirect.scatter.add.f32 [tilespmem:s20], [sflag:$0x2], $0x20, s1, s16, $0xb8;
	[tilespmem:$0x1BC50] =	vst v63  }
0x83: {  	_ =	swait.ge [sflag:s10], $0x2000  }
0x84: {  	[sflag:s10] =	ssyncset.done $0x0  }
0x85: {  	s1 =	sadd.s32 $0x600, s31;
	[sflag:s10] =	ssyncadd.s32 $0xFFFFE000  }
0x86: {  	[tilespmem:s20], [sflag:$0x1] =	stream.indirect.gather [spmem:s3], $0x20, s1, s16, $0xb8;
	[tilespmem:$0x1BC50] =	vst v63  }
0x87: {  	_ =	swait.ge [sflag:s23], $0x2000  }
0x88: {  	[sflag:s23] =	ssyncset.done $0x0  }
.Ltmp3:
0x89: {  	s1 =	sadd.s32 $0x5300, s31;
	[sflag:s23] =	ssyncadd.s32 $0xFFFFE000;
	(pc) =	sbr.rel @p1 .LBB2_6-.Ltmp3, $4  }
0x8a: {  	[spmem:s2] =	stream.indirect.scatter.add.f32 [tilespmem:s22], [sflag:$0x2], $0x20, s1, s16, $0xb8;
	[tilespmem:$0x1BC50] =	vst v63  }
0x8b: {  	_ =	swait.ge [sflag:s10], $0x2000  }
0x8c: {  	[sflag:s10] =	ssyncset.done $0x0  }
0x8d: {  	s31 =	sadd.s32 $0x700, s31;
	[sflag:s10] =	ssyncadd.s32 $0xFFFFE000  }
.Ltmp4:
0x8e: {  	_ = 	snop;
	(pc) =	sbr.rel .LBB2_7-.Ltmp4, $1  }
0x8f: {  	_ =	sdelay $0x3  }
.LBB2_2:
0x90: {  	[spmem:s14], [sflag:s13] =	dma.local [hbm:s7], $0x9C4  }
0x91: {  	_ =	swait.ge [sflag:s10], $0x9C4  }
0x92: {  	[sflag:s10] =	ssyncset.done $0x0  }
0x93: {  	[sflag:s10] =	ssyncadd.s32 $0xFFFFF63C  }
0x94: {  	[spmem:s15], [sflag:s13] =	dma.local [hbm:s7], $0x9C4  }
0x95: {  	_ =	swait.ge [sflag:s10], $0x9C4  }
0x96: {  	[sflag:s10] =	ssyncset.done $0x0  }
0x97: {  	[sflag:s10] =	ssyncadd.s32 $0xFFFFF63C  }
0x98: {  	s30 =	simm.s32 $0x0;
	[bflag:$0x0] =	sbarrier.arrive $0xFFFF  }
0x99: {  	[tilespmem:s17], [sflag:$0x1] =	stream.indirect.gather [spmem:s3], $0x20, s30, s16, $0xb8;
	[tilespmem:$0x1BC50] =	vst v63  }
0x9a: {  	_ = 	snop  }
0x9b: {  	[tilespmem:s18], [sflag:$0x1] =	stream.indirect.gather [spmem:s3], $0x20, s16, s16, $0xb8;
	[tilespmem:$0x1BC50] =	vst v63  }
0x9c: {  	_ = 	snop  }
0x9d: {  	[tilespmem:s20], [sflag:$0x1] =	stream.indirect.gather [spmem:s3], $0x20, s19, s16, $0xb8;
	[tilespmem:$0x1BC50] =	vst v63  }
0x9e: {  	_ = 	snop  }
0x9f: {  	[tilespmem:s22], [sflag:$0x1] =	stream.indirect.gather [spmem:s3], $0x20, s21, s16, $0xb8;
	[tilespmem:$0x1BC50] =	vst v63  }
0xa0: {  	_ =	swait.ge [sflag:s23], $0x2000  }
0xa1: {  	[sflag:s23] =	ssyncset.done $0x0  }
0xa2: {  	s30 =	simm.s32 $0x5000;
	[sflag:s23] =	ssyncadd.s32 $0xFFFFE000  }
0xa3: {  	[spmem:s2] =	stream.indirect.scatter.add.f32 [tilespmem:s17], [sflag:$0x2], $0x20, s30, s16, $0xb8;
	[tilespmem:$0x1BC50] =	vst v63  }
0xa4: {  	_ =	swait.ge [sflag:s10], $0x2000  }
0xa5: {  	[sflag:s10] =	ssyncset.done $0x0  }
0xa6: {  	s30 =	simm.s32 $0x400;
	[sflag:s10] =	ssyncadd.s32 $0xFFFFE000  }
0xa7: {  	[tilespmem:s17], [sflag:$0x1] =	stream.indirect.gather [spmem:s3], $0x20, s30, s16, $0xb8;
	[tilespmem:$0x1BC50] =	vst v63  }
0xa8: {  	_ =	swait.ge [sflag:s23], $0x2000  }
0xa9: {  	[sflag:s23] =	ssyncset.done $0x0  }
0xaa: {  	s30 =	simm.s32 $0x5100;
	[sflag:s23] =	ssyncadd.s32 $0xFFFFE000  }
0xab: {  	[spmem:s2] =	stream.indirect.scatter.add.f32 [tilespmem:s18], [sflag:$0x2], $0x20, s30, s16, $0xb8;
	[tilespmem:$0x1BC50] =	vst v63  }
0xac: {  	_ =	swait.ge [sflag:s10], $0x2000  }
0xad: {  	[sflag:s10] =	ssyncset.done $0x0  }
0xae: {  	s30 =	simm.s32 $0x500;
	[sflag:s10] =	ssyncadd.s32 $0xFFFFE000  }
0xaf: {  	[tilespmem:s18], [sflag:$0x1] =	stream.indirect.gather [spmem:s3], $0x20, s30, s16, $0xb8;
	[tilespmem:$0x1BC50] =	vst v63  }
0xb0: {  	_ =	swait.ge [sflag:s23], $0x2000  }
0xb1: {  	[sflag:s23] =	ssyncset.done $0x0  }
0xb2: {  	s30 =	simm.s32 $0x5200;
	[sflag:s23] =	ssyncadd.s32 $0xFFFFE000  }
0xb3: {  	[spmem:s2] =	stream.indirect.scatter.add.f32 [tilespmem:s20], [sflag:$0x2], $0x20, s30, s16, $0xb8;
	[tilespmem:$0x1BC50] =	vst v63  }
0xb4: {  	_ =	swait.ge [sflag:s10], $0x2000  }
0xb5: {  	[sflag:s10] =	ssyncset.done $0x0  }
0xb6: {  	s30 =	simm.s32 $0x600;
	[sflag:s10] =	ssyncadd.s32 $0xFFFFE000  }
0xb7: {  	[tilespmem:s20], [sflag:$0x1] =	stream.indirect.gather [spmem:s3], $0x20, s30, s16, $0xb8;
	[tilespmem:$0x1BC50] =	vst v63  }
0xb8: {  	_ =	swait.ge [sflag:s23], $0x2000  }
0xb9: {  	[sflag:s23] =	ssyncset.done $0x0  }
0xba: {  	s30 =	simm.s32 $0x5300;
	[sflag:s23] =	ssyncadd.s32 $0xFFFFE000  }
0xbb: {  	[spmem:s2] =	stream.indirect.scatter.add.f32 [tilespmem:s22], [sflag:$0x2], $0x20, s30, s16, $0xb8;
	[tilespmem:$0x1BC50] =	vst v63  }
0xbc: {  	_ =	swait.ge [sflag:s10], $0x2000  }
0xbd: {  	[sflag:s10] =	ssyncset.done $0x0  }
0xbe: {  	s31 =	simm.s32 $0x700;
	s30 =	simm.s32 $0x1000;
	[sflag:s10] =	ssyncadd.s32 $0xFFFFE000  }
.LBB2_3:
0xbf: {  	[tilespmem:s22], [sflag:$0x1] =	stream.indirect.gather [spmem:s3], $0x20, s31, s16, $0xb8;
	[tilespmem:$0x1BC50] =	vst v63  }
0xc0: {  	s31 =	smov.u32 s30  }
0xc1: {  	p1 =	seq.s32 s30, $0x12000;
	s30 =	sadd.s32 $0x1000, s30;
	_ =	swait.ge [sflag:s23], $0x2000  }
0xc2: {  	s31 =	sshra.s32 s31, $0x2;
	[sflag:s23] =	ssyncset.done $0x0  }
0xc3: {  	s1 =	sadd.s32 $0x5000, s31;
	[sflag:s23] =	ssyncadd.s32 $0xFFFFE000  }
0xc4: {  	[spmem:s2] =	stream.indirect.scatter.add.f32 [tilespmem:s17], [sflag:$0x2], $0x20, s1, s16, $0xb8;
	[tilespmem:$0x1BC50] =	vst v63  }
0xc5: {  	_ =	swait.ge [sflag:s10], $0x2000  }
0xc6: {  	[sflag:s10] =	ssyncset.done $0x0  }
0xc7: {  	s1 =	sadd.s32 $0x400, s31;
	[sflag:s10] =	ssyncadd.s32 $0xFFFFE000  }
0xc8: {  	[tilespmem:s17], [sflag:$0x1] =	stream.indirect.gather [spmem:s3], $0x20, s1, s16, $0xb8;
	[tilespmem:$0x1BC50] =	vst v63  }
0xc9: {  	_ =	swait.ge [sflag:s23], $0x2000  }
0xca: {  	[sflag:s23] =	ssyncset.done $0x0  }
0xcb: {  	s1 =	sadd.s32 $0x5100, s31;
	[sflag:s23] =	ssyncadd.s32 $0xFFFFE000  }
0xcc: {  	[spmem:s2] =	stream.indirect.scatter.add.f32 [tilespmem:s18], [sflag:$0x2], $0x20, s1, s16, $0xb8;
	[tilespmem:$0x1BC50] =	vst v63  }
0xcd: {  	_ =	swait.ge [sflag:s10], $0x2000  }
0xce: {  	[sflag:s10] =	ssyncset.done $0x0  }
0xcf: {  	s1 =	sadd.s32 $0x500, s31;
	[sflag:s10] =	ssyncadd.s32 $0xFFFFE000  }
0xd0: {  	[tilespmem:s18], [sflag:$0x1] =	stream.indirect.gather [spmem:s3], $0x20, s1, s16, $0xb8;
	[tilespmem:$0x1BC50] =	vst v63  }
0xd1: {  	_ =	swait.ge [sflag:s23], $0x2000  }
0xd2: {  	[sflag:s23] =	ssyncset.done $0x0  }
0xd3: {  	s1 =	sadd.s32 $0x5200, s31;
	[sflag:s23] =	ssyncadd.s32 $0xFFFFE000  }
0xd4: {  	[spmem:s2] =	stream.indirect.scatter.add.f32 [tilespmem:s20], [sflag:$0x2], $0x20, s1, s16, $0xb8;
	[tilespmem:$0x1BC50] =	vst v63  }
0xd5: {  	_ =	swait.ge [sflag:s10], $0x2000  }
0xd6: {  	[sflag:s10] =	ssyncset.done $0x0  }
0xd7: {  	s1 =	sadd.s32 $0x600, s31;
	[sflag:s10] =	ssyncadd.s32 $0xFFFFE000  }
0xd8: {  	[tilespmem:s20], [sflag:$0x1] =	stream.indirect.gather [spmem:s3], $0x20, s1, s16, $0xb8;
	[tilespmem:$0x1BC50] =	vst v63  }
0xd9: {  	_ =	swait.ge [sflag:s23], $0x2000  }
0xda: {  	[sflag:s23] =	ssyncset.done $0x0  }
.Ltmp5:
0xdb: {  	s1 =	sadd.s32 $0x5300, s31;
	[sflag:s23] =	ssyncadd.s32 $0xFFFFE000;
	(pc) =	sbr.rel @!p1 .LBB2_3-.Ltmp5, $4  }
0xdc: {  	[spmem:s2] =	stream.indirect.scatter.add.f32 [tilespmem:s22], [sflag:$0x2], $0x20, s1, s16, $0xb8;
	[tilespmem:$0x1BC50] =	vst v63  }
0xdd: {  	_ =	swait.ge [sflag:s10], $0x2000  }
0xde: {  	[sflag:s10] =	ssyncset.done $0x0  }
0xdf: {  	s31 =	sadd.s32 $0x700, s31;
	[sflag:s10] =	ssyncadd.s32 $0xFFFFE000  }
.Ltmp6:
0xe0: {  	(pc) =	sbr.rel .LBB2_8-.Ltmp6, $2  }
0xe1: {  	_ =	sdelay $0x2  }
0xe2: {  	[tilespmem:s22], [sflag:$0x1] =	stream.indirect.gather [spmem:s3], $0x20, s31, s16, $0xb8;
	[tilespmem:$0x1BC50] =	vst v63  }
.LBB2_9:
0xe3: {  	_ =	sfence.sel $0x180000  }
0xe4: {  	[bflag:$0x0] =	sbarrier.arrive $0xFFFF  }
0xe5: {  	_ =	strace $0x9000004D  }
0xe6: {  	[bflag:$0x2] =	sbarrier.arrive $0xFFFF  }
0xe7: {  	p0 =	sne.s32 s0, $0x0;
	s0 =	rddreg [dreg:$0x4]  }
0xe8: {  	s0 =	sadd.s32 @!p0 $0x100000, s0  }
0xe9: {  	[sflag:s0] =	ssyncadd.tile.s32 @!p0 $0x1;
	_ =	shalt  }
.Lfunc_end2:
_tile_overlayer_lowered:
.L_overlay_start_2:
0xea: {  	(tag) =	ssettag $0x2  }
0xeb: {  	s0 =	rddreg [dreg:$0x0];
	s2 =	stileid.u32  }
0xec: {  	s1 =	rddreg [dreg:$0x1];
	p0 =	sne.s32 s2, $0x0  }
0xed: {  	s3 =	rddreg [dreg:$0x2];
	[bflag:$0x3] =	sbarrier.arrive $0xFFFF;
	s2 =	simm.s32 @!p0 $0x1C02  }
0xee: {  	[timem:s3], [sflag:s2] =	dma.local @!p0 [hbm:s0], s1  }
0xef: {  	s0 =	simm.s32 @!p0 $0x2  }
0xf0: {  	_ =	swait.ge @!p0 [sflag:s0], s1  }
0xf1: {  	s1 =	ssub.s32 @!p0 $0x0, s1;
	[sflag:s0] =	ssyncset.done @!p0 $0x0  }
0xf2: {  	[sflag:s0] =	ssyncadd.s32 @!p0 s1  }
0xf3: {  	[bflag:$0x3] =	sbarrier.arrive $0xFFFF  }
0xf4: {  	_ =	shalt  }

// kernel: kernel.9.cloned.1.call-start
scs
__scs_entry_jumppad:
0x0: {  	(pc) =	sbr.rel $0x88, $3  }
0x1: {  	(tag) =	ssettag $0x0;
	lr =	simm.s32 $0x1  }
0x2: {  	[smem:$0x3F9B] =	sst lr;
	_ =	strace $0xD0000000  }
0x3: {  	_ = 	snop  }
0x4: {  	_ = 	snop  }
0x5: {  	_ = 	snop  }
0x6: {  	_ = 	snop  }
0x7: {  	_ = 	snop  }
__scs_overlays_trampoline_lowered:
0x8: {  	[smem:$0x3FAA] =	sst s0  }
0x9: {  	[smem:$0x3FAB] =	sst s1  }
0xa: {  	[smem:$0x3FAC] =	sst s2  }
0xb: {  	[smem:$0x3FAD] =	sst s3  }
0xc: {  	[smem:$0x3FAE] =	sst s4  }
0xd: {  	[smem:$0x3FAF] =	sst s5  }
0xe: {  	[smem:$0x3FB0] =	sst s6  }
0xf: {  	[smem:$0x3FB1] =	sst s7  }
0x10: {  	[smem:$0x3FB2] =	sst s8  }
0x11: {  	[smem:$0x3FB3] =	sst s9;
	s0 =	simm.s32 @!p0 $0x0  }
0x12: {  	s1 =	sld [smem:$0x3F99];
	s0 =	simm.s32 @p0 $0x1  }
0x13: {  	[smem:$0x3FB4] =	sst s0;
	s0 =	simm.s32 @!p1 $0x0  }
0x14: {  	s2 =	sld [smem:$0x3F98];
	s0 =	simm.s32 @p1 $0x1  }
0x15: {  	[smem:$0x3FB5] =	sst s0;
	s0 =	simm.s32 @!p2 $0x0  }
0x16: {  	s3 =	sld [smem:$0x3FDB];
	s0 =	simm.s32 @p2 $0x1  }
0x17: {  	s4 =	simm.s32 $0x1BF5;
	[smem:$0x3FB7] =	sst s0  }
0x18: {  	s0 =	sld [smem:$0x3F9A];
	_ =	swait.ge [sflag:s4], $0x0  }
0x19: {  	s7 =	sld [smem:$0x3F9B]  }
0x1a: {  	s8 =	sadd.s32 $0xFFFFE003, lr  }
0x1b: {  	s9 =	sadd.s32 $0xFFFFFEF7, lr;
	s5 =	simm.s32 $0xFFFFFFFF;
	p2 =	slt.u32 s8, $0xFFFFF086  }
0x1c: {  	p1 =	slt.u32 s9, $0xF7A;
	s5 =	simm.s32 @!p2 $0x0  }
0x1d: {  	s5 =	simm.s32 @p1 $0x1;
	p0 =	seq.s32 s7, s2  }
0x1e: {  	s7 =	smul.u32 @!p0 $0xF7A, s2;
	p2 =	seq.s32 @!p0 s5, $0x0  }
0x1f: {  	s9 =	smul.u32 $0xF7A, s1;
	s8 =	simm.s32 @!p0 $0x1BF5;
	p2 =	por !p2, p0  }
0x20: {  	[sflag:s8] =	ssyncset.s32 @!p0 $0xFFFFF086;
	s6 =	sadd.s32 @!p0 s3, s7;
	s7 =	simm.s32 @!p0 $0x108  }
0x21: {  	s3 =	sadd.s32 s3, s9;
	s6 =	sadd.s32 @!p0 $0x88, s6;
	s7 =	simm.s32 @p2 $0x1082  }
0x22: {  	[simem:s7], [sflag:s8] =	dma.local @!p0 [hbm:s6], $0xF7A  }
0x23: {  	s9 =	sor.u32 $0xD0000000, s2;
	s6 =	simm.s32 $0x108;
	_ =	swait.ge @!p0 [sflag:s8], $0x0  }
0x24: {  	s3 =	sadd.s32 $0x88, s3;
	s6 =	simm.s32 @!p1 $0x1082;
	[sflag:s4] =	ssyncset.s32 $0xFFFFF086  }
0x25: {  	[simem:s6], [sflag:s4] =	dma.local [hbm:s3], $0xF7A  }
0x26: {  	[smem:$0x3F9B] =	sst s1;
	(tag) =	ssettag s2;
	_ =	strace s9  }
0x27: {  	s1 =	sld [smem:$0x3FAB]  }
0x28: {  	s2 =	sld [smem:$0x3FAC]  }
0x29: {  	s4 =	sld [smem:$0x3FAE]  }
0x2a: {  	p0 =	seq.s32 s5, $0x0;
	s5 =	sld [smem:$0x3FAF]  }
0x2b: {  	s6 =	sld [smem:$0x3FB0]  }
0x2c: {  	s7 =	sld [smem:$0x3FB1]  }
0x2d: {  	s3 =	simm.s32 $0x108;
	s8 =	sld [smem:$0x3FB2]  }
0x2e: {  	s3 =	simm.s32 @!p0 $0x1082;
	s9 =	sld [smem:$0x3FB3]  }
0x2f: {  	lr =	sadd.s32 s0, s3;
	s0 =	sld [smem:$0x3FAA]  }
0x30: {  	s3 =	sld [smem:$0x3FAD]  }
0x31: {  	[smem:$0x3FB6] =	sst s10  }
0x32: {  	s10 =	sld [smem:$0x3FB4];
	_ =	sdelay $0x3  }
0x33: {  	p0 =	seq.s32 s10, $0x1;
	s10 =	sld [smem:$0x3FB6];
	_ =	sdelay $0x3  }
0x34: {  	[smem:$0x3FB6] =	sst s10  }
0x35: {  	s10 =	sld [smem:$0x3FB5];
	_ =	sdelay $0x3  }
0x36: {  	p1 =	seq.s32 s10, $0x1;
	s10 =	sld [smem:$0x3FB6];
	_ =	sdelay $0x3  }
0x37: {  	[smem:$0x3FB6] =	sst s10  }
0x38: {  	s10 =	sld [smem:$0x3FB7]  }
0x39: {  	_ = 	snop;
	(pc) =	sbr.ind lr, $3  }
0x3a: {  	_ = 	snop  }
0x3b: {  	_ = 	snop  }
0x3c: {  	p2 =	seq.s32 s10, $0x1;
	s10 =	sld [smem:$0x3FB6]  }
0x3d: {  	_ =	shalt  }
0x3e: {  	_ =	shalt  }
0x3f: {  	_ =	shalt  }
0x40: {  	_ =	shalt  }
0x41: {  	_ =	shalt  }
0x42: {  	_ =	shalt  }
0x43: {  	_ =	shalt  }
0x44: {  	_ =	shalt  }
0x45: {  	_ =	shalt  }
0x46: {  	_ =	shalt  }
0x47: {  	_ =	shalt  }
0x48: {  	_ =	shalt  }
0x49: {  	_ =	shalt  }
0x4a: {  	_ =	shalt  }
0x4b: {  	_ =	shalt  }
0x4c: {  	_ =	shalt  }
0x4d: {  	_ =	shalt  }
0x4e: {  	_ =	shalt  }
0x4f: {  	_ =	shalt  }
0x50: {  	_ =	shalt  }
0x51: {  	_ =	shalt  }
0x52: {  	_ =	shalt  }
0x53: {  	_ =	shalt  }
0x54: {  	_ =	shalt  }
0x55: {  	_ =	shalt  }
0x56: {  	_ =	shalt  }
0x57: {  	_ =	shalt  }
0x58: {  	_ =	shalt  }
0x59: {  	_ =	shalt  }
0x5a: {  	_ =	shalt  }
0x5b: {  	_ =	shalt  }
0x5c: {  	_ =	shalt  }
0x5d: {  	_ =	shalt  }
0x5e: {  	_ =	shalt  }
0x5f: {  	_ =	shalt  }
0x60: {  	_ =	shalt  }
0x61: {  	_ =	shalt  }
0x62: {  	_ =	shalt  }
0x63: {  	_ =	shalt  }
0x64: {  	_ =	shalt  }
0x65: {  	_ =	shalt  }
0x66: {  	_ =	shalt  }
0x67: {  	_ =	shalt  }
0x68: {  	_ =	shalt  }
0x69: {  	_ =	shalt  }
0x6a: {  	_ =	shalt  }
0x6b: {  	_ =	shalt  }
0x6c: {  	_ =	shalt  }
0x6d: {  	_ =	shalt  }
0x6e: {  	_ =	shalt  }
0x6f: {  	_ =	shalt  }
0x70: {  	_ =	shalt  }
0x71: {  	_ =	shalt  }
0x72: {  	_ =	shalt  }
0x73: {  	_ =	shalt  }
0x74: {  	_ =	shalt  }
0x75: {  	_ =	shalt  }
0x76: {  	_ =	shalt  }
0x77: {  	_ =	shalt  }
0x78: {  	_ =	shalt  }
0x79: {  	_ =	shalt  }
0x7a: {  	_ =	shalt  }
0x7b: {  	_ =	shalt  }
0x7c: {  	_ =	shalt  }
0x7d: {  	_ =	shalt  }
0x7e: {  	_ =	shalt  }
0x7f: {  	_ =	shalt  }
0x80: {  	_ =	shalt  }
0x81: {  	_ =	shalt  }
0x82: {  	_ =	shalt  }
0x83: {  	_ =	shalt  }
0x84: {  	_ =	shalt  }
0x85: {  	_ =	shalt  }
0x86: {  	_ =	shalt  }
0x87: {  	_ =	shalt  }
.Lfunc_end0:
.L_simem_size_0:
called_computation_lowered:
.L_overlay_start_0:
0x88: {  	s2 =	sld [smem:$0x3FD9]  }
0x89: {  	s3 =	sld [smem:$0x3FFE];
	_ =	sdelay $0x1  }
0x8a: {  	s1 =	srdreg.scid  }
0x8b: {  	s0 =	sand.u32 $0x1, s1  }
0x8c: {  	s17 =	sshll.u32 s0, $0xA;
	s2 =	sadd.s32 s3, s2  }
0x8d: {  	s2 =	sadd.s32 s2, s17  }
0x8e: {  	[smem:$0x3FC2] =	sst s2  }
0x8f: {  	_ = 	snop  }
0x90: {  	s2 =	sld [smem:$0x3FD0];
	(tm) =	ssettm $0x1  }
0x91: {  	s18 =	sld [smem:$0x3FFB];
	_ =	sdelay $0x3  }
0x92: {  	_ =	strace s18  }
0x93: {  	s3 =	sld [smem:$0x3FFC];
	_ =	sdelay $0x3  }
0x94: {  	_ =	strace s3  }
0x95: {  	s3 =	sld [smem:$0x3FFD];
	_ =	sdelay $0x3  }
0x96: {  	_ =	strace s3  }
0x97: {  	_ =	strace $0x8FFFFFFF  }
0x98: {  	s19 =	sld [smem:$0x3FDB];
	_ =	sdelay $0x1  }
0x99: {  	s4 =	simm.s32 $_scs_section_size  }
0x9a: {  	s5 =	simm.s32 $_size__tile_overlayer_lowered;
	s6 =	simm.s32 $_tile_overlayer_lowered  }
0x9b: {  	s22 =	simm.s32 $0x1BFF;
	s21 =	sshll.u32 s6, $0x1;
	s3 =	sadd.s32 s4, s19  }
0x9c: {  	s7 =	simm.s32 $0x0;
	s20 =	sshll.u32 s5, $0x1;
	s5 =	sadd.s32 s21, s3  }
0x9d: {  	[timem:s7], [sflag:s22] =	dma.local [hbm:s5], s20  }
0x9e: {  	_ =	swait.ge [sflag:s22], s20  }
0x9f: {  	s4 =	ssub.s32 $0x0, s20;
	[sflag:s22] =	ssyncset.done $0x0  }
0xa0: {  	[sflag:s22] =	ssyncadd.s32 s4;
	_ =	sdelay $0x1  }
0xa1: {  	s23 =	simm.s32 $0x1B8B  }
0xa2: {  	_ =	swait.ge [sflag:s23], $0x1  }
0xa3: {  	[sflag:s23] =	ssyncset.done $0x0  }
0xa4: {  	s25 =	simm.s32 $0x1B8E;
	s24 =	sld [smem:$0x3FFE];
	[sflag:s23] =	ssyncadd.s32 $0xFFFFFFFF  }
0xa5: {  	s26 =	simm.s32 $execute0_lowered;
	[smem:$0x3FD2] =	sst s25  }
0xa6: {  	s5 =	sshll.u32 s26, $0x1;
	_ =	strace $0x80000046;
	[dreg:$0x1] =	wrdreg $0xFFFFFFFF  }
0xa7: {  	s28 =	simm.s32 $_size_execute0_lowered;
	s3 =	sadd.s32 s3, s5;
	[dreg:$0x0] =	wrdreg $0x0  }
0xa8: {  	s5 =	sshll.u32 s28, $0x1;
	[dreg:$0x2] =	wrdreg s3  }
0xa9: {  	[dreg:$0x3] =	wrdreg s5  }
0xaa: {  	[dreg:$0x4] =	wrdreg $0xC0  }
0xab: {  	_ =	task [dreg:s7], $0x5FFFF  }
0xac: {  	[dreg:$0x1] =	wrdreg $0xFFFFFFFF  }
0xad: {  	[dreg:$0x0] =	wrdreg $0x60  }
0xae: {  	[dreg:$0x2] =	wrdreg s24  }
0xaf: {  	[dreg:$0x3] =	wrdreg s2  }
0xb0: {  	[dreg:$0x4] =	wrdreg $0x30000  }
0xb1: {  	[dreg:$0x5] =	wrdreg $0x9  }
0xb2: {  	_ =	task.clear_ibuf [dreg:s7], $0x6FFFF;
	_ =	strace $0x90000046  }
0xb3: {  	s29 =	simm.s32 $0x9;
	_ =	strace $0x80000048  }
0xb4: {  	_ =	swait.ge [sflag:s29], $0x1  }
0xb5: {  	[sflag:s29] =	ssyncadd.s32 $0xFFFFFFFF  }
0xb6: {  	_ =	strace $0x90000048  }
0xb7: {  	_ =	sfence  }
0xb8: {  	s30 =	sld [smem:$0x0];
	_ =	sdelay $0x2  }
0xb9: {  	s31 =	sshll.u32 s1, $0xD;
	s1 =	sshrl.u32 s1, $0x2  }
0xba: {  	s3 =	sand.u32 $0x4000, s31;
	s1 =	sadd.s32 s1, s30  }
0xbb: {  	s0 =	sor.u32 s3, s0;
	s1 =	sshll.u32 s1, $0x11  }
0xbc: {  	s0 =	sor.u32 s1, s0  }
0xbd: {  	s0 =	sadd.s32 $0x8F2B, s0  }
0xbe: {  	[sflag:s0] =	ssyncadd.remote.s32 $0x1  }
0xbf: {  	_ =	sfence.sel $0xFFFF  }
0xc0: {  	[dreg:$0x0] =	wrdreg $0xFFFFFFFF;
	(pc) =	sbr.abs _section_cstart, $3  }
0xc1: {  	[dreg:$0x1] =	wrdreg $0xFFFFFFFF  }
0xc2: {  	_ =	task.clear_ibuf [dreg:s7], $0x2FFFF;
	_ =	strace $0x9FFFFFFF  }
0xc3: {  	(tm) =	ssettm $0x7FFFFFFF  }
tec
execute0_lowered:
.L_overlay_start_1:
0x0: {  	(tag) =	ssettag $0x1  }
0x1: {  	s5 =	rddreg [dreg:$0x0]  }
0x2: {  	s1 =	srdreg.scid;
	s8 =	rddreg [dreg:$0x1]  }
0x3: {  	s0 =	stileid.u32;
	s2 =	rddreg [dreg:$0x2];
	s3 =	simm.s32 $0x0  }
0x4: {  	s13 =	simm.s32 $0x80;
	s4 =	sand.u32 $0x1, s1;
	s1 =	rddreg [dreg:$0x3]  }
0x5: {  	s14 =	simm.s32 $0x0;
	s26 =	sshll.u32 s0, $0x1;
	[smem:$0x7FF] =	sst s3  }
0x6: {  	s7 =	smul.u32 $0x2710, s0;
	s31 =	sshll.u32 s0, $0x6;
	s6 =	sor.u32 s4, s26  }
0x7: {  	_ =	strace $0x80000047;
	s10 =	ssub.s32 $0x2, s4;
	s11 =	smul.u32 $0x27100, s4  }
0x8: {  	s4 =	sadd.s32 $0xB600, s5;
	s6 =	smul.u32 $0x500, s6;
	s29 =	sshrl.u32 s10, $0x1  }
0x9: {  	s28 =	sshrl.u32 s7, $0x3;
	s12 =	sadd.s32 s7, s2;
	s10 =	ssub.s32 s10, s29  }
0xa: {  	s30 =	sadd.s32 s7, s11;
	s9 =	sadd.s32 s6, s5;
	s5 =	sadd.s32 s28, s5  }
0xb: {  	s11 =	sshrl.u32 s30, $0x3;
	s6 =	sor.u32 $0x1C01, s31;
	s5 =	sadd.s32 $0xB800, s5  }
0xc: {  	s7 =	sadd.s32 $0x1600, s9;
	s8 =	sadd.s32 s8, s11;
	s9 =	smax.u32 s10, $0x1  }
0xd: {  	s10 =	sshrl.u32 s12, $0x3;
	s11 =	simm.s32 $0x1;
	s12 =	simm.s32 $0x2800  }
.LBB2_1:
0xe: {  	[spmem:s10], [sflag:s6] =	dma.local [hbm:s5], $0x4E2  }
0xf: {  	_ =	swait.ge [sflag:s11], $0x4E2  }
0x10: {  	[sflag:s11] =	ssyncset.done $0x0  }
0x11: {  	[sflag:s11] =	ssyncadd.s32 $0xFFFFFB1E  }
0x12: {  	[tilespmem:s3], [sflag:$0x1] =	stream.linear.gather [hbm4b:s7+s3], $0x2800, $0x38;
	[tilespmem:$0x5718] =	vst v63  }
0x13: {  	_ =	swait.ge [sflag:s11], $0x2800  }
0x14: {  	[sflag:s11] =	ssyncset.done $0x0  }
0x15: {  	[sflag:s11] =	ssyncadd.s32 $0xFFFFD800  }
0x16: {  	[tilespmem:s12], [sflag:$0x1] =	stream.linear.gather [hbm4b:s4+s3], $0x800, $0x38;
	[tilespmem:$0x5718] =	vst v63  }
0x17: {  	_ =	swait.ge [sflag:s11], $0x800  }
0x18: {  	[sflag:s11] =	ssyncset.done $0x0  }
0x19: {  	[sflag:s11] =	ssyncadd.s32 $0xFFFFF800  }
0x1a: {  	s15 =	simm.s32 $0x0;
	[bflag:$0x0] =	sbarrier.arrive $0xFFFF  }
0x1b: {  	[spmem:s2] =	stream.indirect.scatter.add.f32 [tilespmem:s12], [sflag:$0x1], $0x10, s15, s13, $0xb8;
	[tilespmem:$0x5718] =	vst v63  }
0x1c: {  	_ =	swait.ge [sflag:s11], $0x800  }
0x1d: {  	s15 =	simm.s32 $0x200;
	[sflag:s11] =	ssyncset.done $0x0  }
.LBB2_2:
0x1e: {  	s16 =	sshra.s32 s15, $0x2;
	[sflag:s11] =	ssyncadd.s32 $0xFFFFF800;
	p0 =	sne.s32 s15, $0x9E00  }
0x1f: {  	[spmem:s2] =	stream.indirect.scatter.add.f32 [tilespmem:s12], [sflag:$0x1], $0x10, s16, s13, $0xb8;
	[tilespmem:$0x5718] =	vst v63  }
.Ltmp0:
0x20: {  	_ = 	snop;
	(pc) =	sbr.rel @p0 .LBB2_2-.Ltmp0, $4  }
0x21: {  	_ = 	snop  }
0x22: {  	s15 =	sadd.s32 $0x200, s15  }
0x23: {  	_ =	swait.ge [sflag:s11], $0x800  }
0x24: {  	[sflag:s11] =	ssyncset.done $0x0  }
0x25: {  	s14 =	sadd.s32 $0x1, s14  }
0x26: {  	[sflag:s11] =	ssyncadd.s32 $0xFFFFF800;
	p0 =	sne.s32 s14, s9  }
.Ltmp1:
0x27: {  	[bflag:$0x0] =	sbarrier.arrive $0xFFFF;
	(pc) =	sbr.rel @p0 .LBB2_1-.Ltmp1, $4  }
0x28: {  	[hbm:s8], [sflag:s6] =	dma.local [spmem:s10], $0x4E2  }
0x29: {  	_ =	swait.ge [sflag:s11], $0x4E2  }
0x2a: {  	[sflag:s11] =	ssyncset.done $0x0  }
0x2b: {  	[sflag:s11] =	ssyncadd.s32 $0xFFFFFB1E  }
0x2c: {  	_ =	sfence.sel $0x180000  }
0x2d: {  	[bflag:$0x0] =	sbarrier.arrive $0xFFFF  }
0x2e: {  	p0 =	sne.s32 s0, $0x0;
	_ =	strace $0x90000047  }
0x2f: {  	s0 =	sadd.s32 @!p0 $0x100000, s1;
	[bflag:$0x2] =	sbarrier.arrive $0xFFFF  }
0x30: {  	[sflag:s0] =	ssyncadd.tile.s32 @!p0 $0x1;
	_ =	shalt  }
.Lfunc_end2:
_tile_overlayer_lowered:
.L_overlay_start_2:
0x31: {  	(tag) =	ssettag $0x2  }
0x32: {  	s0 =	rddreg [dreg:$0x0];
	s2 =	stileid.u32  }
0x33: {  	s1 =	rddreg [dreg:$0x1];
	p0 =	sne.s32 s2, $0x0  }
0x34: {  	s3 =	rddreg [dreg:$0x2];
	[bflag:$0x3] =	sbarrier.arrive $0xFFFF;
	s2 =	simm.s32 @!p0 $0x1C01  }
0x35: {  	[timem:s3], [sflag:s2] =	dma.local @!p0 [hbm:s0], s1  }
0x36: {  	s0 =	simm.s32 @!p0 $0x1  }
0x37: {  	_ =	swait.ge @!p0 [sflag:s0], s1  }
0x38: {  	s1 =	ssub.s32 @!p0 $0x0, s1;
	[sflag:s0] =	ssyncset.done @!p0 $0x0  }
0x39: {  	[sflag:s0] =	ssyncadd.s32 @!p0 s1  }
0x3a: {  	[bflag:$0x3] =	sbarrier.arrive $0xFFFF  }
0x3b: {  	_ =	shalt  }

</sc_bundles>
